<compile_context>
chip_gen: v7x
topology: tpu7x:2x2x1
jax: 0.10.2.dev20260603
libtpu: 0.0.44.dev20260713+nightly
codegen_flags: <defaults>
</compile_context>

<pallas_src>
import dataclasses

import jax
import jax.numpy as jnp
from jax import lax
from jax.experimental import pallas as pl
from jax.experimental.pallas import tpu as pltpu
from jax.experimental.pallas import tpu_sc as plsc

_TP = 8192
_NC = 2
_NS = 16


def _sc_gather(fT, idxT):
    B = fT.shape[0]
    K, N = idxT.shape[1], idxT.shape[2]
    C = fT.shape[1] // N
    nw = _NC * _NS
    ppw = N // nw
    mesh = plsc.VectorSubcoreMesh(core_axis_name="c", subcore_axis_name="s")
    cp = pltpu.CompilerParams()
    if "needs_layout_passes" in pltpu.CompilerParams.__dataclass_fields__:
        cp = dataclasses.replace(cp, needs_layout_passes=False)

    @pl.kernel(
        out_type=jax.ShapeDtypeStruct((B, K * C, N), jnp.float32),
        mesh=mesh,
        compiler_params=cp,
        scratch_types=[
            pltpu.VMEM((C * N,), jnp.float32),
            pltpu.VMEM((C * N,), jnp.float32),
            pltpu.VMEM((K, ppw), jnp.int32),
            pltpu.VMEM((K, ppw), jnp.int32),
            pltpu.VMEM((K * C, ppw), jnp.float32),
            pltpu.SemaphoreType.DMA((2,)),
            pltpu.SemaphoreType.DMA((2,)),
            pltpu.SemaphoreType.DMA((2,)),
        ],
    )
    def gather_kernel(f_hbm, i_hbm, o_hbm, tab0, tab1, idx0, idx1,
                      out0, tsem, isem, osem):
        tab_v = [tab0, tab1]
        idx_v = [idx0, idx1]
        wid = lax.axis_index("s") * _NC + lax.axis_index("c")
        base = wid * ppw

        def start_in(b, s):
            t = pltpu.async_copy(f_hbm.at[b], tab_v[s], tsem.at[s])
            i = pltpu.async_copy(i_hbm.at[b, :, pl.ds(base, ppw)],
                                 idx_v[s], isem.at[s])
            return t, i

        in_cp = {0: start_in(0, 0)}
        out_cp = {}
        for b in range(B):
            s = b % 2
            if b + 1 < B:
                in_cp[b + 1] = start_in(b + 1, 1 - s)
            t, i = in_cp.pop(b)
            t.wait()
            i.wait()
            if b >= 1:
                out_cp.pop(b - 1).wait()

            @pl.loop(0, ppw // 16)
            def _(g):
                for k in range(K):
                    knn = idx_v[s][k, pl.ds(g * 16, 16)]
                    for c in range(C):
                        addr = knn + (c * N) if c else knn
                        vals = plsc.load_gather(tab_v[s], [addr])
                        out0[k * C + c, pl.ds(g * 16, 16)] = vals

            out_cp[b] = pltpu.async_copy(
                out0, o_hbm.at[b, :, pl.ds(base, ppw)], osem.at[b % 2])
        out_cp.pop(B - 1).wait()

    return gather_kernel(fT, idxT)


def _dense_body(g_ref, f3_ref, wcat_ref, b1_ref, w2b_ref, b2_ref,
                w3_ref, b3_ref, w4_ref, b4_ref, w5_ref, b5_ref, out_ref):
    g = g_ref[0]
    f3 = f3_ref[0]
    xin = jnp.concatenate([g, f3], axis=0)
    h = jnp.dot(wcat_ref[...], xin.astype(jnp.bfloat16),
                preferred_element_type=jnp.float32)
    h = jnp.maximum(h + b1_ref[...], 0.0)
    h = jnp.dot(w2b_ref[...], h.astype(jnp.bfloat16),
                preferred_element_type=jnp.float32)
    h = jnp.maximum(h + b2_ref[...], 0.0)
    m = jnp.maximum(h[:256], h[256:])
    m = jnp.maximum(m[:128], m[128:])
    m = jnp.maximum(m[:64], m[64:])
    xmax = jnp.maximum(m[:32], m[32:])
    t = jnp.dot(w3_ref[...], f3, preferred_element_type=jnp.float32)
    t = jnp.maximum(t + b3_ref[...], 0.0)
    gsk = jnp.dot(w4_ref[...], t, preferred_element_type=jnp.float32)
    gsk = jnp.maximum(gsk + b4_ref[...], 0.0)
    s = xmax + gsk
    o8 = (jnp.dot(w5_ref[...], s, preferred_element_type=jnp.float32)
          + b5_ref[...])
    out_ref[0] = o8[:3]


def _blkdiag(w, r):
    a, b = w.shape
    out = jnp.zeros((r * a, r * b), w.dtype)
    for i in range(r):
        out = out.at[i * a:(i + 1) * a, i * b:(i + 1) * b].set(w)
    return out


def kernel(f, knn_idx, W1, b1, W2, b2, W3, b3, W4, b4, W5, b5):
    B, N, C = f.shape
    K = knn_idx.shape[2]

    fT = jnp.swapaxes(f, 1, 2)
    idxT = jnp.swapaxes(knn_idx, 1, 2)
    g3p = _sc_gather(fT.reshape(B, C * N), idxT)

    W1a = W1[:C] + W1[C:]
    W1b = W1[C:]
    wcat = jnp.concatenate([_blkdiag(W1a, K),
                            jnp.tile(-W1b, (1, K))],
                           axis=0).T.astype(jnp.bfloat16)
    b1r = jnp.tile(b1, K)[:, None]
    w2b = _blkdiag(W2, K).T.astype(jnp.bfloat16)
    b2r = jnp.tile(b2, K)[:, None]
    w3t = W3.T
    w4t = W4.T
    w5t = jnp.pad(W5.T, ((0, 5), (0, 0)))
    b5p = jnp.pad(b5, (0, 5))[:, None]

    grid = (B, N // _TP)
    out = pl.pallas_call(
        _dense_body,
        grid=grid,
        in_specs=[
            pl.BlockSpec((1, K * C, _TP), lambda b, i: (b, 0, i)),
            pl.BlockSpec((1, C, _TP), lambda b, i: (b, 0, i)),
            pl.BlockSpec((K * 32, K * C + 3), lambda b, i: (0, 0)),
            pl.BlockSpec((K * 32, 1), lambda b, i: (0, 0)),
            pl.BlockSpec((K * 32, K * 32), lambda b, i: (0, 0)),
            pl.BlockSpec((K * 32, 1), lambda b, i: (0, 0)),
            pl.BlockSpec((32, 3), lambda b, i: (0, 0)),
            pl.BlockSpec((32, 1), lambda b, i: (0, 0)),
            pl.BlockSpec((32, 32), lambda b, i: (0, 0)),
            pl.BlockSpec((32, 1), lambda b, i: (0, 0)),
            pl.BlockSpec((8, 32), lambda b, i: (0, 0)),
            pl.BlockSpec((8, 1), lambda b, i: (0, 0)),
        ],
        out_specs=pl.BlockSpec((1, 3, _TP), lambda b, i: (b, 0, i)),
        out_shape=jax.ShapeDtypeStruct((B, 3, N), jnp.float32),
    )(g3p, fT, wcat, b1r, w2b, b2r, w3t, b3[:, None], w4t, b4[:, None],
      w5t, b5p)
    return jnp.swapaxes(out, 1, 2)

# --- scband reference (transcript-rebuilt; emitter-appended) ---
"""Pipeline reference for scband-noise-edge-conv-19086834664034 (READ-ONLY COPY).

The authoritative reference and input builder live on the scoring server;
editing this copy changes nothing except your own understanding.
"""

import jax, jax.numpy as jnp
import numpy as np

B, N, K = 4, 8192, 16
C_IN, C_HID, C_OUT = 3, 32, 3


def setup_inputs(seed: int = 0) -> dict:
    key = jax.random.key(seed)
    ks = jax.random.split(key, 12)
    f = jax.random.normal(ks[0], (B, N, C_IN), dtype=jnp.float32)
    knn_idx = jax.random.randint(ks[1], (B, N, K), 0, N)

    def lin_w(k_, fan_in, fan_out, std=None):
        s = std if std is not None else 1.0 / np.sqrt(fan_in)
        return (jax.random.normal(k_, (fan_in, fan_out), dtype=jnp.float32) * s).astype(jnp.float32)

    def lin_b(k_, fan_in, fan_out):
        bound = 1.0 / np.sqrt(fan_in)
        return jax.random.uniform(k_, (fan_out,), dtype=jnp.float32, minval=-bound, maxval=bound)

    W1 = lin_w(ks[2], 2 * C_IN, C_HID); b1 = lin_b(ks[3], 2 * C_IN, C_HID)
    W2 = lin_w(ks[4], C_HID, C_HID);    b2 = lin_b(ks[5], C_HID, C_HID)
    W3 = lin_w(ks[6], C_IN, C_HID);     b3 = lin_b(ks[7], C_IN, C_HID)
    W4 = lin_w(ks[8], C_HID, C_HID);    b4 = lin_b(ks[9], C_HID, C_HID)
    # linear5: weight ~ N(0, 0.05), bias zeros (per module init)
    W5 = lin_w(ks[10], C_HID, C_OUT, std=0.05)
    b5 = jnp.zeros((C_OUT,), dtype=jnp.float32)
    return {
        "f": f, "knn_idx": knn_idx,
        "W1": W1, "b1": b1, "W2": W2, "b2": b2,
        "W3": W3, "b3": b3, "W4": W4, "b4": b4,
        "W5": W5, "b5": b5,
    }


def reference(f, knn_idx, W1, b1, W2, b2, W3, b3, W4, b4, W5, b5):
    # knn_gather: f [B,N,C], knn_idx [B,N,k] -> [B,N,k,C]
    knn_feat = jax.vmap(lambda fb, ib: fb[ib])(f, knn_idx)
    f_tiled = jnp.broadcast_to(f[:, :, None, :], knn_feat.shape)
    x = jnp.concatenate([knn_feat, knn_feat - f_tiled], axis=-1)
    x = jax.nn.relu(x @ W1 + b1)
    x = jax.nn.relu(x @ W2 + b2)
    x = jnp.max(x, axis=2)
    g = jax.nn.relu(f @ W3 + b3)
    g = jax.nn.relu(g @ W4 + b4)
    x = x + g
    return x @ W5 + b5

if __name__ == "__main__":
    import jax
    _d = setup_inputs()
    print(jax.jit(kernel)(*tuple(_d.values())))

</pallas_src>

<mosaic_0001>
#map = affine_map<(d0, d1) -> (0, 0)>
#map1 = affine_map<(d0, d1) -> (0, 0, 0)>
module attributes {stable_mosaic.version = 14 : i64} {
  func.func @gather_kernel(%arg0: i32, %arg1: i32, %arg2: memref<4x24576xf32, #tpu.memory_space<hbm>>, %arg3: memref<4x16x8192xi32, #tpu.memory_space<hbm>>, %arg4: memref<4x48x8192xf32, #tpu.memory_space<hbm>>, %arg5: memref<24576xf32, #tpu.memory_space<vmem>>, %arg6: memref<24576xf32, #tpu.memory_space<vmem>>, %arg7: memref<16x256xi32, #tpu.memory_space<vmem>>, %arg8: memref<16x256xi32, #tpu.memory_space<vmem>>, %arg9: memref<48x256xf32, #tpu.memory_space<vmem>>, %arg10: memref<2x!tpu.dma_semaphore, #tpu.memory_space<semaphore_mem>>, %arg11: memref<2x!tpu.dma_semaphore, #tpu.memory_space<semaphore_mem>>, %arg12: memref<2x!tpu.dma_semaphore, #tpu.memory_space<semaphore_mem>>) attributes {dimension_semantics = [#tpu.dimension_semantics<core_parallel>, #tpu.dimension_semantics<subcore_parallel>], iteration_bounds = array<i64: 2, 16>, scalar_prefetch = 0 : i64, scratch_operands = 8 : i64, tpu.core_type = #tpu.core_type<sc_vector_subcore>, window_params = [{transform_indices = #map}, {transform_indices = #map1}, {transform_indices = #map1}]} {
    %mul3A = arith.constant 2 : i32
    %mul3A_0 = arith.muli %arg1, %mul3A : i32
    %add3A = arith.addi %mul3A_0, %arg0 : i32
    %mul3A_1 = arith.constant 256 : i32
    %mul3A_2 = arith.muli %add3A, %mul3A_1 : i32
    %dma_start3A = arith.constant 0 : i32
    %dma_start3A_3 = arith.constant 0 : i32
    %dma_start3A_4 = arith.constant 0 : i32
    %dma_start3A_5 = tpu.memref_slice %arg2[%dma_start3A, %dma_start3A_4] : memref<4x24576xf32, #tpu.memory_space<hbm>> -> memref<1x24576xf32, #tpu.memory_space<hbm>>
    %dma_start3A_6 = tpu.memref_squeeze %dma_start3A_5 : memref<1x24576xf32, #tpu.memory_space<hbm>> -> memref<24576xf32, #tpu.memory_space<hbm>>
    %dma_start3A_7 = tpu.memref_slice %arg10[%dma_start3A_3] : memref<2x!tpu.dma_semaphore, #tpu.memory_space<semaphore_mem>> -> memref<1x!tpu.dma_semaphore, #tpu.memory_space<semaphore_mem>>
    %dma_start3A_8 = tpu.memref_squeeze %dma_start3A_7 : memref<1x!tpu.dma_semaphore, #tpu.memory_space<semaphore_mem>> -> memref<!tpu.dma_semaphore, #tpu.memory_space<semaphore_mem>>
    %dma_start3A_9 = arith.constant 0 : i32
    %dma_start3A_10 = tpu.memref_slice %arg2[%dma_start3A, %dma_start3A_9] : memref<4x24576xf32, #tpu.memory_space<hbm>> -> memref<1x24576xf32, #tpu.memory_space<hbm>>
    %dma_start3A_11 = tpu.memref_squeeze %dma_start3A_10 : memref<1x24576xf32, #tpu.memory_space<hbm>> -> memref<24576xf32, #tpu.memory_space<hbm>>
    tpu.enqueue_dma source(%dma_start3A_11 : memref<24576xf32, #tpu.memory_space<hbm>>) target(%arg5 : memref<24576xf32, #tpu.memory_space<vmem>>) target_semaphore(%dma_start3A_8 : memref<!tpu.dma_semaphore, #tpu.memory_space<semaphore_mem>>)
    %dma_start3A_12 = arith.constant 0 : i32
    %dma_start3A_13 = arith.constant 0 : i32
    %dma_start3A_14 = arith.constant 0 : i32
    %dma_start3A_15 = tpu.memref_slice %arg3[%dma_start3A_12, %dma_start3A_14, %mul3A_2] : memref<4x16x8192xi32, #tpu.memory_space<hbm>> -> memref<1x16x256xi32, #tpu.memory_space<hbm>>
    %dma_start3A_16 = tpu.memref_squeeze %dma_start3A_15 : memref<1x16x256xi32, #tpu.memory_space<hbm>> -> memref<16x256xi32, #tpu.memory_space<hbm>>
    %dma_start3A_17 = tpu.memref_slice %arg11[%dma_start3A_13] : memref<2x!tpu.dma_semaphore, #tpu.memory_space<semaphore_mem>> -> memref<1x!tpu.dma_semaphore, #tpu.memory_space<semaphore_mem>>
    %dma_start3A_18 = tpu.memref_squeeze %dma_start3A_17 : memref<1x!tpu.dma_semaphore, #tpu.memory_space<semaphore_mem>> -> memref<!tpu.dma_semaphore, #tpu.memory_space<semaphore_mem>>
    %dma_start3A_19 = arith.constant 0 : i32
    %dma_start3A_20 = tpu.memref_slice %arg3[%dma_start3A_12, %dma_start3A_19, %mul3A_2] : memref<4x16x8192xi32, #tpu.memory_space<hbm>> -> memref<1x16x256xi32, #tpu.memory_space<hbm>>
    %dma_start3A_21 = tpu.memref_squeeze %dma_start3A_20 : memref<1x16x256xi32, #tpu.memory_space<hbm>> -> memref<16x256xi32, #tpu.memory_space<hbm>>
    tpu.enqueue_dma source(%dma_start3A_21 : memref<16x256xi32, #tpu.memory_space<hbm>>) target(%arg7 : memref<16x256xi32, #tpu.memory_space<vmem>>) target_semaphore(%dma_start3A_18 : memref<!tpu.dma_semaphore, #tpu.memory_space<semaphore_mem>>)
    %dma_start3A_22 = arith.constant 1 : i32
    %dma_start3A_23 = arith.constant 1 : i32
    %dma_start3A_24 = arith.constant 0 : i32
    %dma_start3A_25 = tpu.memref_slice %arg2[%dma_start3A_22, %dma_start3A_24] : memref<4x24576xf32, #tpu.memory_space<hbm>> -> memref<1x24576xf32, #tpu.memory_space<hbm>>
    %dma_start3A_26 = tpu.memref_squeeze %dma_start3A_25 : memref<1x24576xf32, #tpu.memory_space<hbm>> -> memref<24576xf32, #tpu.memory_space<hbm>>
    %dma_start3A_27 = tpu.memref_slice %arg10[%dma_start3A_23] : memref<2x!tpu.dma_semaphore, #tpu.memory_space<semaphore_mem>> -> memref<1x!tpu.dma_semaphore, #tpu.memory_space<semaphore_mem>>
    %dma_start3A_28 = tpu.memref_squeeze %dma_start3A_27 : memref<1x!tpu.dma_semaphore, #tpu.memory_space<semaphore_mem>> -> memref<!tpu.dma_semaphore, #tpu.memory_space<semaphore_mem>>
    %dma_start3A_29 = arith.constant 0 : i32
    %dma_start3A_30 = tpu.memref_slice %arg2[%dma_start3A_22, %dma_start3A_29] : memref<4x24576xf32, #tpu.memory_space<hbm>> -> memref<1x24576xf32, #tpu.memory_space<hbm>>
    %dma_start3A_31 = tpu.memref_squeeze %dma_start3A_30 : memref<1x24576xf32, #tpu.memory_space<hbm>> -> memref<24576xf32, #tpu.memory_space<hbm>>
    tpu.enqueue_dma source(%dma_start3A_31 : memref<24576xf32, #tpu.memory_space<hbm>>) target(%arg6 : memref<24576xf32, #tpu.memory_space<vmem>>) target_semaphore(%dma_start3A_28 : memref<!tpu.dma_semaphore, #tpu.memory_space<semaphore_mem>>)
    %dma_start3A_32 = arith.constant 1 : i32
    %dma_start3A_33 = arith.constant 1 : i32
    %dma_start3A_34 = arith.constant 0 : i32
    %dma_start3A_35 = tpu.memref_slice %arg3[%dma_start3A_32, %dma_start3A_34, %mul3A_2] : memref<4x16x8192xi32, #tpu.memory_space<hbm>> -> memref<1x16x256xi32, #tpu.memory_space<hbm>>
    %dma_start3A_36 = tpu.memref_squeeze %dma_start3A_35 : memref<1x16x256xi32, #tpu.memory_space<hbm>> -> memref<16x256xi32, #tpu.memory_space<hbm>>
    %dma_start3A_37 = tpu.memref_slice %arg11[%dma_start3A_33] : memref<2x!tpu.dma_semaphore, #tpu.memory_space<semaphore_mem>> -> memref<1x!tpu.dma_semaphore, #tpu.memory_space<semaphore_mem>>
    %dma_start3A_38 = tpu.memref_squeeze %dma_start3A_37 : memref<1x!tpu.dma_semaphore, #tpu.memory_space<semaphore_mem>> -> memref<!tpu.dma_semaphore, #tpu.memory_space<semaphore_mem>>
    %dma_start3A_39 = arith.constant 0 : i32
    %dma_start3A_40 = tpu.memref_slice %arg3[%dma_start3A_32, %dma_start3A_39, %mul3A_2] : memref<4x16x8192xi32, #tpu.memory_space<hbm>> -> memref<1x16x256xi32, #tpu.memory_space<hbm>>
    %dma_start3A_41 = tpu.memref_squeeze %dma_start3A_40 : memref<1x16x256xi32, #tpu.memory_space<hbm>> -> memref<16x256xi32, #tpu.memory_space<hbm>>
    tpu.enqueue_dma source(%dma_start3A_41 : memref<16x256xi32, #tpu.memory_space<hbm>>) target(%arg8 : memref<16x256xi32, #tpu.memory_space<vmem>>) target_semaphore(%dma_start3A_38 : memref<!tpu.dma_semaphore, #tpu.memory_space<semaphore_mem>>)
    %dma_wait3A = arith.constant 0 : i32
    %dma_wait3A_42 = arith.constant 0 : i32
    %dma_wait3A_43 = arith.constant 0 : i32
    %dma_wait3A_44 = tpu.memref_slice %arg2[%dma_wait3A, %dma_wait3A_43] : memref<4x24576xf32, #tpu.memory_space<hbm>> -> memref<1x24576xf32, #tpu.memory_space<hbm>>
    %dma_wait3A_45 = tpu.memref_squeeze %dma_wait3A_44 : memref<1x24576xf32, #tpu.memory_space<hbm>> -> memref<24576xf32, #tpu.memory_space<hbm>>
    %dma_wait3A_46 = tpu.memref_slice %arg10[%dma_wait3A_42] : memref<2x!tpu.dma_semaphore, #tpu.memory_space<semaphore_mem>> -> memref<1x!tpu.dma_semaphore, #tpu.memory_space<semaphore_mem>>
    %dma_wait3A_47 = tpu.memref_squeeze %dma_wait3A_46 : memref<1x!tpu.dma_semaphore, #tpu.memory_space<semaphore_mem>> -> memref<!tpu.dma_semaphore, #tpu.memory_space<semaphore_mem>>
    %dma_wait3A_48 = arith.constant 0 : i32
    %dma_wait3A_49 = tpu.memref_slice %arg2[%dma_wait3A, %dma_wait3A_48] : memref<4x24576xf32, #tpu.memory_space<hbm>> -> memref<1x24576xf32, #tpu.memory_space<hbm>>
    %dma_wait3A_50 = tpu.memref_squeeze %dma_wait3A_49 : memref<1x24576xf32, #tpu.memory_space<hbm>> -> memref<24576xf32, #tpu.memory_space<hbm>>
    tpu.wait_dma2 semaphore(%dma_wait3A_47 : memref<!tpu.dma_semaphore, #tpu.memory_space<semaphore_mem>>) src(%dma_wait3A_50 : memref<24576xf32, #tpu.memory_space<hbm>>) dst(%arg5 : memref<24576xf32, #tpu.memory_space<vmem>>)
    %dma_wait3A_51 = arith.constant 0 : i32
    %dma_wait3A_52 = arith.constant 0 : i32
    %dma_wait3A_53 = arith.constant 0 : i32
    %dma_wait3A_54 = tpu.memref_slice %arg3[%dma_wait3A_51, %dma_wait3A_53, %mul3A_2] : memref<4x16x8192xi32, #tpu.memory_space<hbm>> -> memref<1x16x256xi32, #tpu.memory_space<hbm>>
    %dma_wait3A_55 = tpu.memref_squeeze %dma_wait3A_54 : memref<1x16x256xi32, #tpu.memory_space<hbm>> -> memref<16x256xi32, #tpu.memory_space<hbm>>
    %dma_wait3A_56 = tpu.memref_slice %arg11[%dma_wait3A_52] : memref<2x!tpu.dma_semaphore, #tpu.memory_space<semaphore_mem>> -> memref<1x!tpu.dma_semaphore, #tpu.memory_space<semaphore_mem>>
    %dma_wait3A_57 = tpu.memref_squeeze %dma_wait3A_56 : memref<1x!tpu.dma_semaphore, #tpu.memory_space<semaphore_mem>> -> memref<!tpu.dma_semaphore, #tpu.memory_space<semaphore_mem>>
    %dma_wait3A_58 = arith.constant 0 : i32
    %dma_wait3A_59 = tpu.memref_slice %arg3[%dma_wait3A_51, %dma_wait3A_58, %mul3A_2] : memref<4x16x8192xi32, #tpu.memory_space<hbm>> -> memref<1x16x256xi32, #tpu.memory_space<hbm>>
    %dma_wait3A_60 = tpu.memref_squeeze %dma_wait3A_59 : memref<1x16x256xi32, #tpu.memory_space<hbm>> -> memref<16x256xi32, #tpu.memory_space<hbm>>
    tpu.wait_dma2 semaphore(%dma_wait3A_57 : memref<!tpu.dma_semaphore, #tpu.memory_space<semaphore_mem>>) src(%dma_wait3A_60 : memref<16x256xi32, #tpu.memory_space<hbm>>) dst(%arg7 : memref<16x256xi32, #tpu.memory_space<vmem>>)
    %scan3A = arith.constant 0 : i32
    %scan3A_61 = arith.constant 16 : i32
    %scan3A_62 = arith.addi %scan3A, %scan3A_61 : i32
    %scan3A_63 = arith.constant 1 : i32
    scf.for %scan3A_260 = %scan3A to %scan3A_62 step %scan3A_63  : i32 {
      %mul3A_261 = arith.constant 1 : i32
      %mul3A_262 = arith.muli %scan3A_260, %mul3A_261 : i32
      %add3A_263 = arith.constant 0 : i32
      %add3A_264 = arith.addi %add3A_263, %mul3A_262 : i32
      %mul3A_265 = arith.constant 16 : i32
      %mul3A_266 = arith.muli %add3A_264, %mul3A_265 : i32
      %get3A = arith.constant 0 : i32
      %get3A_267 = arith.index_cast %get3A : i32 to index
      %get3A_268 = arith.index_cast %mul3A_266 : i32 to index
      %get3A_269 = tpu.vector_load %arg7[%get3A_267, %get3A_268] {strides = array<i32>} : memref<16x256xi32, #tpu.memory_space<vmem>>, vector<16xi32>,
      %gather3A = tpu.vector_load_idx %arg5[%get3A_269] : memref<24576xf32, #tpu.memory_space<vmem>>[vector<16xi32>], vector<16xf32>,
      %mul3A_270 = arith.constant 16 : i32
      %mul3A_271 = arith.muli %add3A_264, %mul3A_270 : i32
      %swap3A = arith.constant 0 : i32
      %swap3A_272 = arith.index_cast %swap3A : i32 to index
      %swap3A_273 = arith.index_cast %mul3A_271 : i32 to index
      %swap3A_274 = tpu.vector_load %arg9[%swap3A_272, %swap3A_273] {strides = array<i32>} : memref<48x256xf32, #tpu.memory_space<vmem>>, vector<16xf32>,
      tpu.vector_store %arg9[%swap3A_272, %swap3A_273], %gather3A {strides = array<i32>} : memref<48x256xf32, #tpu.memory_space<vmem>>, vector<16xf32>,
      %add3A_275 = arith.constant 8192 : i32
      %add3A_276 = vector.broadcast %add3A_275 : i32 to vector<16xi32>
      %add3A_277 = arith.addi %get3A_269, %add3A_276 : vector<16xi32>
      %gather3A_278 = tpu.vector_load_idx %arg5[%add3A_277] : memref<24576xf32, #tpu.memory_space<vmem>>[vector<16xi32>], vector<16xf32>,
      %mul3A_279 = arith.constant 16 : i32
      %mul3A_280 = arith.muli %add3A_264, %mul3A_279 : i32
      %swap3A_281 = arith.constant 1 : i32
      %swap3A_282 = arith.index_cast %swap3A_281 : i32 to index
      %swap3A_283 = arith.index_cast %mul3A_280 : i32 to index
      %swap3A_284 = tpu.vector_load %arg9[%swap3A_282, %swap3A_283] {strides = array<i32>} : memref<48x256xf32, #tpu.memory_space<vmem>>, vector<16xf32>,
      tpu.vector_store %arg9[%swap3A_282, %swap3A_283], %gather3A_278 {strides = array<i32>} : memref<48x256xf32, #tpu.memory_space<vmem>>, vector<16xf32>,
      %add3A_285 = arith.constant 16384 : i32
      %add3A_286 = vector.broadcast %add3A_285 : i32 to vector<16xi32>
      %add3A_287 = arith.addi %get3A_269, %add3A_286 : vector<16xi32>
      %gather3A_288 = tpu.vector_load_idx %arg5[%add3A_287] : memref<24576xf32, #tpu.memory_space<vmem>>[vector<16xi32>], vector<16xf32>,
      %mul3A_289 = arith.constant 16 : i32
      %mul3A_290 = arith.muli %add3A_264, %mul3A_289 : i32
      %swap3A_291 = arith.constant 2 : i32
      %swap3A_292 = arith.index_cast %swap3A_291 : i32 to index
      %swap3A_293 = arith.index_cast %mul3A_290 : i32 to index
      %swap3A_294 = tpu.vector_load %arg9[%swap3A_292, %swap3A_293] {strides = array<i32>} : memref<48x256xf32, #tpu.memory_space<vmem>>, vector<16xf32>,
      tpu.vector_store %arg9[%swap3A_292, %swap3A_293], %gather3A_288 {strides = array<i32>} : memref<48x256xf32, #tpu.memory_space<vmem>>, vector<16xf32>,
      %mul3A_295 = arith.constant 16 : i32
      %mul3A_296 = arith.muli %add3A_264, %mul3A_295 : i32
      %get3A_297 = arith.constant 1 : i32
      %get3A_298 = arith.index_cast %get3A_297 : i32 to index
      %get3A_299 = arith.index_cast %mul3A_296 : i32 to index
      %get3A_300 = tpu.vector_load %arg7[%get3A_298, %get3A_299] {strides = array<i32>} : memref<16x256xi32, #tpu.memory_space<vmem>>, vector<16xi32>,
      %gather3A_301 = tpu.vector_load_idx %arg5[%get3A_300] : memref<24576xf32, #tpu.memory_space<vmem>>[vector<16xi32>], vector<16xf32>,
      %mul3A_302 = arith.constant 16 : i32
      %mul3A_303 = arith.muli %add3A_264, %mul3A_302 : i32
      %swap3A_304 = arith.constant 3 : i32
      %swap3A_305 = arith.index_cast %swap3A_304 : i32 to index
      %swap3A_306 = arith.index_cast %mul3A_303 : i32 to index
      %swap3A_307 = tpu.vector_load %arg9[%swap3A_305, %swap3A_306] {strides = array<i32>} : memref<48x256xf32, #tpu.memory_space<vmem>>, vector<16xf32>,
      tpu.vector_store %arg9[%swap3A_305, %swap3A_306], %gather3A_301 {strides = array<i32>} : memref<48x256xf32, #tpu.memory_space<vmem>>, vector<16xf32>,
      %add3A_308 = arith.constant 8192 : i32
      %add3A_309 = vector.broadcast %add3A_308 : i32 to vector<16xi32>
      %add3A_310 = arith.addi %get3A_300, %add3A_309 : vector<16xi32>
      %gather3A_311 = tpu.vector_load_idx %arg5[%add3A_310] : memref<24576xf32, #tpu.memory_space<vmem>>[vector<16xi32>], vector<16xf32>,
      %mul3A_312 = arith.constant 16 : i32
      %mul3A_313 = arith.muli %add3A_264, %mul3A_312 : i32
      %swap3A_314 = arith.constant 4 : i32
      %swap3A_315 = arith.index_cast %swap3A_314 : i32 to index
      %swap3A_316 = arith.index_cast %mul3A_313 : i32 to index
      %swap3A_317 = tpu.vector_load %arg9[%swap3A_315, %swap3A_316] {strides = array<i32>} : memref<48x256xf32, #tpu.memory_space<vmem>>, vector<16xf32>,
      tpu.vector_store %arg9[%swap3A_315, %swap3A_316], %gather3A_311 {strides = array<i32>} : memref<48x256xf32, #tpu.memory_space<vmem>>, vector<16xf32>,
      %add3A_318 = arith.constant 16384 : i32
      %add3A_319 = vector.broadcast %add3A_318 : i32 to vector<16xi32>
      %add3A_320 = arith.addi %get3A_300, %add3A_319 : vector<16xi32>
      %gather3A_321 = tpu.vector_load_idx %arg5[%add3A_320] : memref<24576xf32, #tpu.memory_space<vmem>>[vector<16xi32>], vector<16xf32>,
      %mul3A_322 = arith.constant 16 : i32
      %mul3A_323 = arith.muli %add3A_264, %mul3A_322 : i32
      %swap3A_324 = arith.constant 5 : i32
      %swap3A_325 = arith.index_cast %swap3A_324 : i32 to index
      %swap3A_326 = arith.index_cast %mul3A_323 : i32 to index
      %swap3A_327 = tpu.vector_load %arg9[%swap3A_325, %swap3A_326] {strides = array<i32>} : memref<48x256xf32, #tpu.memory_space<vmem>>, vector<16xf32>,
      tpu.vector_store %arg9[%swap3A_325, %swap3A_326], %gather3A_321 {strides = array<i32>} : memref<48x256xf32, #tpu.memory_space<vmem>>, vector<16xf32>,
      %mul3A_328 = arith.constant 16 : i32
      %mul3A_329 = arith.muli %add3A_264, %mul3A_328 : i32
      %get3A_330 = arith.constant 2 : i32
      %get3A_331 = arith.index_cast %get3A_330 : i32 to index
      %get3A_332 = arith.index_cast %mul3A_329 : i32 to index
      %get3A_333 = tpu.vector_load %arg7[%get3A_331, %get3A_332] {strides = array<i32>} : memref<16x256xi32, #tpu.memory_space<vmem>>, vector<16xi32>,
      %gather3A_334 = tpu.vector_load_idx %arg5[%get3A_333] : memref<24576xf32, #tpu.memory_space<vmem>>[vector<16xi32>], vector<16xf32>,
      %mul3A_335 = arith.constant 16 : i32
      %mul3A_336 = arith.muli %add3A_264, %mul3A_335 : i32
      %swap3A_337 = arith.constant 6 : i32
      %swap3A_338 = arith.index_cast %swap3A_337 : i32 to index
      %swap3A_339 = arith.index_cast %mul3A_336 : i32 to index
      %swap3A_340 = tpu.vector_load %arg9[%swap3A_338, %swap3A_339] {strides = array<i32>} : memref<48x256xf32, #tpu.memory_space<vmem>>, vector<16xf32>,
      tpu.vector_store %arg9[%swap3A_338, %swap3A_339], %gather3A_334 {strides = array<i32>} : memref<48x256xf32, #tpu.memory_space<vmem>>, vector<16xf32>,
      %add3A_341 = arith.constant 8192 : i32
      %add3A_342 = vector.broadcast %add3A_341 : i32 to vector<16xi32>
      %add3A_343 = arith.addi %get3A_333, %add3A_342 : vector<16xi32>
      %gather3A_344 = tpu.vector_load_idx %arg5[%add3A_343] : memref<24576xf32, #tpu.memory_space<vmem>>[vector<16xi32>], vector<16xf32>,
      %mul3A_345 = arith.constant 16 : i32
      %mul3A_346 = arith.muli %add3A_264, %mul3A_345 : i32
      %swap3A_347 = arith.constant 7 : i32
      %swap3A_348 = arith.index_cast %swap3A_347 : i32 to index
      %swap3A_349 = arith.index_cast %mul3A_346 : i32 to index
      %swap3A_350 = tpu.vector_load %arg9[%swap3A_348, %swap3A_349] {strides = array<i32>} : memref<48x256xf32, #tpu.memory_space<vmem>>, vector<16xf32>,
      tpu.vector_store %arg9[%swap3A_348, %swap3A_349], %gather3A_344 {strides = array<i32>} : memref<48x256xf32, #tpu.memory_space<vmem>>, vector<16xf32>,
      %add3A_351 = arith.constant 16384 : i32
      %add3A_352 = vector.broadcast %add3A_351 : i32 to vector<16xi32>
      %add3A_353 = arith.addi %get3A_333, %add3A_352 : vector<16xi32>
      %gather3A_354 = tpu.vector_load_idx %arg5[%add3A_353] : memref<24576xf32, #tpu.memory_space<vmem>>[vector<16xi32>], vector<16xf32>,
      %mul3A_355 = arith.constant 16 : i32
      %mul3A_356 = arith.muli %add3A_264, %mul3A_355 : i32
      %swap3A_357 = arith.constant 8 : i32
      %swap3A_358 = arith.index_cast %swap3A_357 : i32 to index
      %swap3A_359 = arith.index_cast %mul3A_356 : i32 to index
      %swap3A_360 = tpu.vector_load %arg9[%swap3A_358, %swap3A_359] {strides = array<i32>} : memref<48x256xf32, #tpu.memory_space<vmem>>, vector<16xf32>,
      tpu.vector_store %arg9[%swap3A_358, %swap3A_359], %gather3A_354 {strides = array<i32>} : memref<48x256xf32, #tpu.memory_space<vmem>>, vector<16xf32>,
      %mul3A_361 = arith.constant 16 : i32
      %mul3A_362 = arith.muli %add3A_264, %mul3A_361 : i32
      %get3A_363 = arith.constant 3 : i32
      %get3A_364 = arith.index_cast %get3A_363 : i32 to index
      %get3A_365 = arith.index_cast %mul3A_362 : i32 to index
      %get3A_366 = tpu.vector_load %arg7[%get3A_364, %get3A_365] {strides = array<i32>} : memref<16x256xi32, #tpu.memory_space<vmem>>, vector<16xi32>,
      %gather3A_367 = tpu.vector_load_idx %arg5[%get3A_366] : memref<24576xf32, #tpu.memory_space<vmem>>[vector<16xi32>], vector<16xf32>,
      %mul3A_368 = arith.constant 16 : i32
      %mul3A_369 = arith.muli %add3A_264, %mul3A_368 : i32
      %swap3A_370 = arith.constant 9 : i32
      %swap3A_371 = arith.index_cast %swap3A_370 : i32 to index
      %swap3A_372 = arith.index_cast %mul3A_369 : i32 to index
      %swap3A_373 = tpu.vector_load %arg9[%swap3A_371, %swap3A_372] {strides = array<i32>} : memref<48x256xf32, #tpu.memory_space<vmem>>, vector<16xf32>,
      tpu.vector_store %arg9[%swap3A_371, %swap3A_372], %gather3A_367 {strides = array<i32>} : memref<48x256xf32, #tpu.memory_space<vmem>>, vector<16xf32>,
      %add3A_374 = arith.constant 8192 : i32
      %add3A_375 = vector.broadcast %add3A_374 : i32 to vector<16xi32>
      %add3A_376 = arith.addi %get3A_366, %add3A_375 : vector<16xi32>
      %gather3A_377 = tpu.vector_load_idx %arg5[%add3A_376] : memref<24576xf32, #tpu.memory_space<vmem>>[vector<16xi32>], vector<16xf32>,
      %mul3A_378 = arith.constant 16 : i32
      %mul3A_379 = arith.muli %add3A_264, %mul3A_378 : i32
      %swap3A_380 = arith.constant 10 : i32
      %swap3A_381 = arith.index_cast %swap3A_380 : i32 to index
      %swap3A_382 = arith.index_cast %mul3A_379 : i32 to index
      %swap3A_383 = tpu.vector_load %arg9[%swap3A_381, %swap3A_382] {strides = array<i32>} : memref<48x256xf32, #tpu.memory_space<vmem>>, vector<16xf32>,
      tpu.vector_store %arg9[%swap3A_381, %swap3A_382], %gather3A_377 {strides = array<i32>} : memref<48x256xf32, #tpu.memory_space<vmem>>, vector<16xf32>,
      %add3A_384 = arith.constant 16384 : i32
      %add3A_385 = vector.broadcast %add3A_384 : i32 to vector<16xi32>
      %add3A_386 = arith.addi %get3A_366, %add3A_385 : vector<16xi32>
      %gather3A_387 = tpu.vector_load_idx %arg5[%add3A_386] : memref<24576xf32, #tpu.memory_space<vmem>>[vector<16xi32>], vector<16xf32>,
      %mul3A_388 = arith.constant 16 : i32
      %mul3A_389 = arith.muli %add3A_264, %mul3A_388 : i32
      %swap3A_390 = arith.constant 11 : i32
      %swap3A_391 = arith.index_cast %swap3A_390 : i32 to index
      %swap3A_392 = arith.index_cast %mul3A_389 : i32 to index
      %swap3A_393 = tpu.vector_load %arg9[%swap3A_391, %swap3A_392] {strides = array<i32>} : memref<48x256xf32, #tpu.memory_space<vmem>>, vector<16xf32>,
      tpu.vector_store %arg9[%swap3A_391, %swap3A_392], %gather3A_387 {strides = array<i32>} : memref<48x256xf32, #tpu.memory_space<vmem>>, vector<16xf32>,
      %mul3A_394 = arith.constant 16 : i32
      %mul3A_395 = arith.muli %add3A_264, %mul3A_394 : i32
      %get3A_396 = arith.constant 4 : i32
      %get3A_397 = arith.index_cast %get3A_396 : i32 to index
      %get3A_398 = arith.index_cast %mul3A_395 : i32 to index
      %get3A_399 = tpu.vector_load %arg7[%get3A_397, %get3A_398] {strides = array<i32>} : memref<16x256xi32, #tpu.memory_space<vmem>>, vector<16xi32>,
      %gather3A_400 = tpu.vector_load_idx %arg5[%get3A_399] : memref<24576xf32, #tpu.memory_space<vmem>>[vector<16xi32>], vector<16xf32>,
      %mul3A_401 = arith.constant 16 : i32
      %mul3A_402 = arith.muli %add3A_264, %mul3A_401 : i32
      %swap3A_403 = arith.constant 12 : i32
      %swap3A_404 = arith.index_cast %swap3A_403 : i32 to index
      %swap3A_405 = arith.index_cast %mul3A_402 : i32 to index
      %swap3A_406 = tpu.vector_load %arg9[%swap3A_404, %swap3A_405] {strides = array<i32>} : memref<48x256xf32, #tpu.memory_space<vmem>>, vector<16xf32>,
      tpu.vector_store %arg9[%swap3A_404, %swap3A_405], %gather3A_400 {strides = array<i32>} : memref<48x256xf32, #tpu.memory_space<vmem>>, vector<16xf32>,
      %add3A_407 = arith.constant 8192 : i32
      %add3A_408 = vector.broadcast %add3A_407 : i32 to vector<16xi32>
      %add3A_409 = arith.addi %get3A_399, %add3A_408 : vector<16xi32>
      %gather3A_410 = tpu.vector_load_idx %arg5[%add3A_409] : memref<24576xf32, #tpu.memory_space<vmem>>[vector<16xi32>], vector<16xf32>,
      %mul3A_411 = arith.constant 16 : i32
      %mul3A_412 = arith.muli %add3A_264, %mul3A_411 : i32
      %swap3A_413 = arith.constant 13 : i32
      %swap3A_414 = arith.index_cast %swap3A_413 : i32 to index
      %swap3A_415 = arith.index_cast %mul3A_412 : i32 to index
      %swap3A_416 = tpu.vector_load %arg9[%swap3A_414, %swap3A_415] {strides = array<i32>} : memref<48x256xf32, #tpu.memory_space<vmem>>, vector<16xf32>,
      tpu.vector_store %arg9[%swap3A_414, %swap3A_415], %gather3A_410 {strides = array<i32>} : memref<48x256xf32, #tpu.memory_space<vmem>>, vector<16xf32>,
      %add3A_417 = arith.constant 16384 : i32
      %add3A_418 = vector.broadcast %add3A_417 : i32 to vector<16xi32>
      %add3A_419 = arith.addi %get3A_399, %add3A_418 : vector<16xi32>
      %gather3A_420 = tpu.vector_load_idx %arg5[%add3A_419] : memref<24576xf32, #tpu.memory_space<vmem>>[vector<16xi32>], vector<16xf32>,
      %mul3A_421 = arith.constant 16 : i32
      %mul3A_422 = arith.muli %add3A_264, %mul3A_421 : i32
      %swap3A_423 = arith.constant 14 : i32
      %swap3A_424 = arith.index_cast %swap3A_423 : i32 to index
      %swap3A_425 = arith.index_cast %mul3A_422 : i32 to index
      %swap3A_426 = tpu.vector_load %arg9[%swap3A_424, %swap3A_425] {strides = array<i32>} : memref<48x256xf32, #tpu.memory_space<vmem>>, vector<16xf32>,
      tpu.vector_store %arg9[%swap3A_424, %swap3A_425], %gather3A_420 {strides = array<i32>} : memref<48x256xf32, #tpu.memory_space<vmem>>, vector<16xf32>,
      %mul3A_427 = arith.constant 16 : i32
      %mul3A_428 = arith.muli %add3A_264, %mul3A_427 : i32
      %get3A_429 = arith.constant 5 : i32
      %get3A_430 = arith.index_cast %get3A_429 : i32 to index
      %get3A_431 = arith.index_cast %mul3A_428 : i32 to index
      %get3A_432 = tpu.vector_load %arg7[%get3A_430, %get3A_431] {strides = array<i32>} : memref<16x256xi32, #tpu.memory_space<vmem>>, vector<16xi32>,
      %gather3A_433 = tpu.vector_load_idx %arg5[%get3A_432] : memref<24576xf32, #tpu.memory_space<vmem>>[vector<16xi32>], vector<16xf32>,
      %mul3A_434 = arith.constant 16 : i32
      %mul3A_435 = arith.muli %add3A_264, %mul3A_434 : i32
      %swap3A_436 = arith.constant 15 : i32
      %swap3A_437 = arith.index_cast %swap3A_436 : i32 to index
      %swap3A_438 = arith.index_cast %mul3A_435 : i32 to index
      %swap3A_439 = tpu.vector_load %arg9[%swap3A_437, %swap3A_438] {strides = array<i32>} : memref<48x256xf32, #tpu.memory_space<vmem>>, vector<16xf32>,
      tpu.vector_store %arg9[%swap3A_437, %swap3A_438], %gather3A_433 {strides = array<i32>} : memref<48x256xf32, #tpu.memory_space<vmem>>, vector<16xf32>,
      %add3A_440 = arith.constant 8192 : i32
      %add3A_441 = vector.broadcast %add3A_440 : i32 to vector<16xi32>
      %add3A_442 = arith.addi %get3A_432, %add3A_441 : vector<16xi32>
      %gather3A_443 = tpu.vector_load_idx %arg5[%add3A_442] : memref<24576xf32, #tpu.memory_space<vmem>>[vector<16xi32>], vector<16xf32>,
      %mul3A_444 = arith.constant 16 : i32
      %mul3A_445 = arith.muli %add3A_264, %mul3A_444 : i32
      %swap3A_446 = arith.constant 16 : i32
      %swap3A_447 = arith.index_cast %swap3A_446 : i32 to index
      %swap3A_448 = arith.index_cast %mul3A_445 : i32 to index
      %swap3A_449 = tpu.vector_load %arg9[%swap3A_447, %swap3A_448] {strides = array<i32>} : memref<48x256xf32, #tpu.memory_space<vmem>>, vector<16xf32>,
      tpu.vector_store %arg9[%swap3A_447, %swap3A_448], %gather3A_443 {strides = array<i32>} : memref<48x256xf32, #tpu.memory_space<vmem>>, vector<16xf32>,
      %add3A_450 = arith.constant 16384 : i32
      %add3A_451 = vector.broadcast %add3A_450 : i32 to vector<16xi32>
      %add3A_452 = arith.addi %get3A_432, %add3A_451 : vector<16xi32>
      %gather3A_453 = tpu.vector_load_idx %arg5[%add3A_452] : memref<24576xf32, #tpu.memory_space<vmem>>[vector<16xi32>], vector<16xf32>,
      %mul3A_454 = arith.constant 16 : i32
      %mul3A_455 = arith.muli %add3A_264, %mul3A_454 : i32
      %swap3A_456 = arith.constant 17 : i32
      %swap3A_457 = arith.index_cast %swap3A_456 : i32 to index
      %swap3A_458 = arith.index_cast %mul3A_455 : i32 to index
      %swap3A_459 = tpu.vector_load %arg9[%swap3A_457, %swap3A_458] {strides = array<i32>} : memref<48x256xf32, #tpu.memory_space<vmem>>, vector<16xf32>,
      tpu.vector_store %arg9[%swap3A_457, %swap3A_458], %gather3A_453 {strides = array<i32>} : memref<48x256xf32, #tpu.memory_space<vmem>>, vector<16xf32>,
      %mul3A_460 = arith.constant 16 : i32
      %mul3A_461 = arith.muli %add3A_264, %mul3A_460 : i32
      %get3A_462 = arith.constant 6 : i32
      %get3A_463 = arith.index_cast %get3A_462 : i32 to index
      %get3A_464 = arith.index_cast %mul3A_461 : i32 to index
      %get3A_465 = tpu.vector_load %arg7[%get3A_463, %get3A_464] {strides = array<i32>} : memref<16x256xi32, #tpu.memory_space<vmem>>, vector<16xi32>,
      %gather3A_466 = tpu.vector_load_idx %arg5[%get3A_465] : memref<24576xf32, #tpu.memory_space<vmem>>[vector<16xi32>], vector<16xf32>,
      %mul3A_467 = arith.constant 16 : i32
      %mul3A_468 = arith.muli %add3A_264, %mul3A_467 : i32
      %swap3A_469 = arith.constant 18 : i32
      %swap3A_470 = arith.index_cast %swap3A_469 : i32 to index
      %swap3A_471 = arith.index_cast %mul3A_468 : i32 to index
      %swap3A_472 = tpu.vector_load %arg9[%swap3A_470, %swap3A_471] {strides = array<i32>} : memref<48x256xf32, #tpu.memory_space<vmem>>, vector<16xf32>,
      tpu.vector_store %arg9[%swap3A_470, %swap3A_471], %gather3A_466 {strides = array<i32>} : memref<48x256xf32, #tpu.memory_space<vmem>>, vector<16xf32>,
      %add3A_473 = arith.constant 8192 : i32
      %add3A_474 = vector.broadcast %add3A_473 : i32 to vector<16xi32>
      %add3A_475 = arith.addi %get3A_465, %add3A_474 : vector<16xi32>
      %gather3A_476 = tpu.vector_load_idx %arg5[%add3A_475] : memref<24576xf32, #tpu.memory_space<vmem>>[vector<16xi32>], vector<16xf32>,
      %mul3A_477 = arith.constant 16 : i32
      %mul3A_478 = arith.muli %add3A_264, %mul3A_477 : i32
      %swap3A_479 = arith.constant 19 : i32
      %swap3A_480 = arith.index_cast %swap3A_479 : i32 to index
      %swap3A_481 = arith.index_cast %mul3A_478 : i32 to index
      %swap3A_482 = tpu.vector_load %arg9[%swap3A_480, %swap3A_481] {strides = array<i32>} : memref<48x256xf32, #tpu.memory_space<vmem>>, vector<16xf32>,
      tpu.vector_store %arg9[%swap3A_480, %swap3A_481], %gather3A_476 {strides = array<i32>} : memref<48x256xf32, #tpu.memory_space<vmem>>, vector<16xf32>,
      %add3A_483 = arith.constant 16384 : i32
      %add3A_484 = vector.broadcast %add3A_483 : i32 to vector<16xi32>
      %add3A_485 = arith.addi %get3A_465, %add3A_484 : vector<16xi32>
      %gather3A_486 = tpu.vector_load_idx %arg5[%add3A_485] : memref<24576xf32, #tpu.memory_space<vmem>>[vector<16xi32>], vector<16xf32>,
      %mul3A_487 = arith.constant 16 : i32
      %mul3A_488 = arith.muli %add3A_264, %mul3A_487 : i32
      %swap3A_489 = arith.constant 20 : i32
      %swap3A_490 = arith.index_cast %swap3A_489 : i32 to index
      %swap3A_491 = arith.index_cast %mul3A_488 : i32 to index
      %swap3A_492 = tpu.vector_load %arg9[%swap3A_490, %swap3A_491] {strides = array<i32>} : memref<48x256xf32, #tpu.memory_space<vmem>>, vector<16xf32>,
      tpu.vector_store %arg9[%swap3A_490, %swap3A_491], %gather3A_486 {strides = array<i32>} : memref<48x256xf32, #tpu.memory_space<vmem>>, vector<16xf32>,
      %mul3A_493 = arith.constant 16 : i32
      %mul3A_494 = arith.muli %add3A_264, %mul3A_493 : i32
      %get3A_495 = arith.constant 7 : i32
      %get3A_496 = arith.index_cast %get3A_495 : i32 to index
      %get3A_497 = arith.index_cast %mul3A_494 : i32 to index
      %get3A_498 = tpu.vector_load %arg7[%get3A_496, %get3A_497] {strides = array<i32>} : memref<16x256xi32, #tpu.memory_space<vmem>>, vector<16xi32>,
      %gather3A_499 = tpu.vector_load_idx %arg5[%get3A_498] : memref<24576xf32, #tpu.memory_space<vmem>>[vector<16xi32>], vector<16xf32>,
      %mul3A_500 = arith.constant 16 : i32
      %mul3A_501 = arith.muli %add3A_264, %mul3A_500 : i32
      %swap3A_502 = arith.constant 21 : i32
      %swap3A_503 = arith.index_cast %swap3A_502 : i32 to index
      %swap3A_504 = arith.index_cast %mul3A_501 : i32 to index
      %swap3A_505 = tpu.vector_load %arg9[%swap3A_503, %swap3A_504] {strides = array<i32>} : memref<48x256xf32, #tpu.memory_space<vmem>>, vector<16xf32>,
      tpu.vector_store %arg9[%swap3A_503, %swap3A_504], %gather3A_499 {strides = array<i32>} : memref<48x256xf32, #tpu.memory_space<vmem>>, vector<16xf32>,
      %add3A_506 = arith.constant 8192 : i32
      %add3A_507 = vector.broadcast %add3A_506 : i32 to vector<16xi32>
      %add3A_508 = arith.addi %get3A_498, %add3A_507 : vector<16xi32>
      %gather3A_509 = tpu.vector_load_idx %arg5[%add3A_508] : memref<24576xf32, #tpu.memory_space<vmem>>[vector<16xi32>], vector<16xf32>,
      %mul3A_510 = arith.constant 16 : i32
      %mul3A_511 = arith.muli %add3A_264, %mul3A_510 : i32
      %swap3A_512 = arith.constant 22 : i32
      %swap3A_513 = arith.index_cast %swap3A_512 : i32 to index
      %swap3A_514 = arith.index_cast %mul3A_511 : i32 to index
      %swap3A_515 = tpu.vector_load %arg9[%swap3A_513, %swap3A_514] {strides = array<i32>} : memref<48x256xf32, #tpu.memory_space<vmem>>, vector<16xf32>,
      tpu.vector_store %arg9[%swap3A_513, %swap3A_514], %gather3A_509 {strides = array<i32>} : memref<48x256xf32, #tpu.memory_space<vmem>>, vector<16xf32>,
      %add3A_516 = arith.constant 16384 : i32
      %add3A_517 = vector.broadcast %add3A_516 : i32 to vector<16xi32>
      %add3A_518 = arith.addi %get3A_498, %add3A_517 : vector<16xi32>
      %gather3A_519 = tpu.vector_load_idx %arg5[%add3A_518] : memref<24576xf32, #tpu.memory_space<vmem>>[vector<16xi32>], vector<16xf32>,
      %mul3A_520 = arith.constant 16 : i32
      %mul3A_521 = arith.muli %add3A_264, %mul3A_520 : i32
      %swap3A_522 = arith.constant 23 : i32
      %swap3A_523 = arith.index_cast %swap3A_522 : i32 to index
      %swap3A_524 = arith.index_cast %mul3A_521 : i32 to index
      %swap3A_525 = tpu.vector_load %arg9[%swap3A_523, %swap3A_524] {strides = array<i32>} : memref<48x256xf32, #tpu.memory_space<vmem>>, vector<16xf32>,
      tpu.vector_store %arg9[%swap3A_523, %swap3A_524], %gather3A_519 {strides = array<i32>} : memref<48x256xf32, #tpu.memory_space<vmem>>, vector<16xf32>,
      %mul3A_526 = arith.constant 16 : i32
      %mul3A_527 = arith.muli %add3A_264, %mul3A_526 : i32
      %get3A_528 = arith.constant 8 : i32
      %get3A_529 = arith.index_cast %get3A_528 : i32 to index
      %get3A_530 = arith.index_cast %mul3A_527 : i32 to index
      %get3A_531 = tpu.vector_load %arg7[%get3A_529, %get3A_530] {strides = array<i32>} : memref<16x256xi32, #tpu.memory_space<vmem>>, vector<16xi32>,
      %gather3A_532 = tpu.vector_load_idx %arg5[%get3A_531] : memref<24576xf32, #tpu.memory_space<vmem>>[vector<16xi32>], vector<16xf32>,
      %mul3A_533 = arith.constant 16 : i32
      %mul3A_534 = arith.muli %add3A_264, %mul3A_533 : i32
      %swap3A_535 = arith.constant 24 : i32
      %swap3A_536 = arith.index_cast %swap3A_535 : i32 to index
      %swap3A_537 = arith.index_cast %mul3A_534 : i32 to index
      %swap3A_538 = tpu.vector_load %arg9[%swap3A_536, %swap3A_537] {strides = array<i32>} : memref<48x256xf32, #tpu.memory_space<vmem>>, vector<16xf32>,
      tpu.vector_store %arg9[%swap3A_536, %swap3A_537], %gather3A_532 {strides = array<i32>} : memref<48x256xf32, #tpu.memory_space<vmem>>, vector<16xf32>,
      %add3A_539 = arith.constant 8192 : i32
      %add3A_540 = vector.broadcast %add3A_539 : i32 to vector<16xi32>
      %add3A_541 = arith.addi %get3A_531, %add3A_540 : vector<16xi32>
      %gather3A_542 = tpu.vector_load_idx %arg5[%add3A_541] : memref<24576xf32, #tpu.memory_space<vmem>>[vector<16xi32>], vector<16xf32>,
      %mul3A_543 = arith.constant 16 : i32
      %mul3A_544 = arith.muli %add3A_264, %mul3A_543 : i32
      %swap3A_545 = arith.constant 25 : i32
      %swap3A_546 = arith.index_cast %swap3A_545 : i32 to index
      %swap3A_547 = arith.index_cast %mul3A_544 : i32 to index
      %swap3A_548 = tpu.vector_load %arg9[%swap3A_546, %swap3A_547] {strides = array<i32>} : memref<48x256xf32, #tpu.memory_space<vmem>>, vector<16xf32>,
      tpu.vector_store %arg9[%swap3A_546, %swap3A_547], %gather3A_542 {strides = array<i32>} : memref<48x256xf32, #tpu.memory_space<vmem>>, vector<16xf32>,
      %add3A_549 = arith.constant 16384 : i32
      %add3A_550 = vector.broadcast %add3A_549 : i32 to vector<16xi32>
      %add3A_551 = arith.addi %get3A_531, %add3A_550 : vector<16xi32>
      %gather3A_552 = tpu.vector_load_idx %arg5[%add3A_551] : memref<24576xf32, #tpu.memory_space<vmem>>[vector<16xi32>], vector<16xf32>,
      %mul3A_553 = arith.constant 16 : i32
      %mul3A_554 = arith.muli %add3A_264, %mul3A_553 : i32
      %swap3A_555 = arith.constant 26 : i32
      %swap3A_556 = arith.index_cast %swap3A_555 : i32 to index
      %swap3A_557 = arith.index_cast %mul3A_554 : i32 to index
      %swap3A_558 = tpu.vector_load %arg9[%swap3A_556, %swap3A_557] {strides = array<i32>} : memref<48x256xf32, #tpu.memory_space<vmem>>, vector<16xf32>,
      tpu.vector_store %arg9[%swap3A_556, %swap3A_557], %gather3A_552 {strides = array<i32>} : memref<48x256xf32, #tpu.memory_space<vmem>>, vector<16xf32>,
      %mul3A_559 = arith.constant 16 : i32
      %mul3A_560 = arith.muli %add3A_264, %mul3A_559 : i32
      %get3A_561 = arith.constant 9 : i32
      %get3A_562 = arith.index_cast %get3A_561 : i32 to index
      %get3A_563 = arith.index_cast %mul3A_560 : i32 to index
      %get3A_564 = tpu.vector_load %arg7[%get3A_562, %get3A_563] {strides = array<i32>} : memref<16x256xi32, #tpu.memory_space<vmem>>, vector<16xi32>,
      %gather3A_565 = tpu.vector_load_idx %arg5[%get3A_564] : memref<24576xf32, #tpu.memory_space<vmem>>[vector<16xi32>], vector<16xf32>,
      %mul3A_566 = arith.constant 16 : i32
      %mul3A_567 = arith.muli %add3A_264, %mul3A_566 : i32
      %swap3A_568 = arith.constant 27 : i32
      %swap3A_569 = arith.index_cast %swap3A_568 : i32 to index
      %swap3A_570 = arith.index_cast %mul3A_567 : i32 to index
      %swap3A_571 = tpu.vector_load %arg9[%swap3A_569, %swap3A_570] {strides = array<i32>} : memref<48x256xf32, #tpu.memory_space<vmem>>, vector<16xf32>,
      tpu.vector_store %arg9[%swap3A_569, %swap3A_570], %gather3A_565 {strides = array<i32>} : memref<48x256xf32, #tpu.memory_space<vmem>>, vector<16xf32>,
      %add3A_572 = arith.constant 8192 : i32
      %add3A_573 = vector.broadcast %add3A_572 : i32 to vector<16xi32>
      %add3A_574 = arith.addi %get3A_564, %add3A_573 : vector<16xi32>
      %gather3A_575 = tpu.vector_load_idx %arg5[%add3A_574] : memref<24576xf32, #tpu.memory_space<vmem>>[vector<16xi32>], vector<16xf32>,
      %mul3A_576 = arith.constant 16 : i32
      %mul3A_577 = arith.muli %add3A_264, %mul3A_576 : i32
      %swap3A_578 = arith.constant 28 : i32
      %swap3A_579 = arith.index_cast %swap3A_578 : i32 to index
      %swap3A_580 = arith.index_cast %mul3A_577 : i32 to index
      %swap3A_581 = tpu.vector_load %arg9[%swap3A_579, %swap3A_580] {strides = array<i32>} : memref<48x256xf32, #tpu.memory_space<vmem>>, vector<16xf32>,
      tpu.vector_store %arg9[%swap3A_579, %swap3A_580], %gather3A_575 {strides = array<i32>} : memref<48x256xf32, #tpu.memory_space<vmem>>, vector<16xf32>,
      %add3A_582 = arith.constant 16384 : i32
      %add3A_583 = vector.broadcast %add3A_582 : i32 to vector<16xi32>
      %add3A_584 = arith.addi %get3A_564, %add3A_583 : vector<16xi32>
      %gather3A_585 = tpu.vector_load_idx %arg5[%add3A_584] : memref<24576xf32, #tpu.memory_space<vmem>>[vector<16xi32>], vector<16xf32>,
      %mul3A_586 = arith.constant 16 : i32
      %mul3A_587 = arith.muli %add3A_264, %mul3A_586 : i32
      %swap3A_588 = arith.constant 29 : i32
      %swap3A_589 = arith.index_cast %swap3A_588 : i32 to index
      %swap3A_590 = arith.index_cast %mul3A_587 : i32 to index
      %swap3A_591 = tpu.vector_load %arg9[%swap3A_589, %swap3A_590] {strides = array<i32>} : memref<48x256xf32, #tpu.memory_space<vmem>>, vector<16xf32>,
      tpu.vector_store %arg9[%swap3A_589, %swap3A_590], %gather3A_585 {strides = array<i32>} : memref<48x256xf32, #tpu.memory_space<vmem>>, vector<16xf32>,
      %mul3A_592 = arith.constant 16 : i32
      %mul3A_593 = arith.muli %add3A_264, %mul3A_592 : i32
      %get3A_594 = arith.constant 10 : i32
      %get3A_595 = arith.index_cast %get3A_594 : i32 to index
      %get3A_596 = arith.index_cast %mul3A_593 : i32 to index
      %get3A_597 = tpu.vector_load %arg7[%get3A_595, %get3A_596] {strides = array<i32>} : memref<16x256xi32, #tpu.memory_space<vmem>>, vector<16xi32>,
      %gather3A_598 = tpu.vector_load_idx %arg5[%get3A_597] : memref<24576xf32, #tpu.memory_space<vmem>>[vector<16xi32>], vector<16xf32>,
      %mul3A_599 = arith.constant 16 : i32
      %mul3A_600 = arith.muli %add3A_264, %mul3A_599 : i32
      %swap3A_601 = arith.constant 30 : i32
      %swap3A_602 = arith.index_cast %swap3A_601 : i32 to index
      %swap3A_603 = arith.index_cast %mul3A_600 : i32 to index
      %swap3A_604 = tpu.vector_load %arg9[%swap3A_602, %swap3A_603] {strides = array<i32>} : memref<48x256xf32, #tpu.memory_space<vmem>>, vector<16xf32>,
      tpu.vector_store %arg9[%swap3A_602, %swap3A_603], %gather3A_598 {strides = array<i32>} : memref<48x256xf32, #tpu.memory_space<vmem>>, vector<16xf32>,
      %add3A_605 = arith.constant 8192 : i32
      %add3A_606 = vector.broadcast %add3A_605 : i32 to vector<16xi32>
      %add3A_607 = arith.addi %get3A_597, %add3A_606 : vector<16xi32>
      %gather3A_608 = tpu.vector_load_idx %arg5[%add3A_607] : memref<24576xf32, #tpu.memory_space<vmem>>[vector<16xi32>], vector<16xf32>,
      %mul3A_609 = arith.constant 16 : i32
      %mul3A_610 = arith.muli %add3A_264, %mul3A_609 : i32
      %swap3A_611 = arith.constant 31 : i32
      %swap3A_612 = arith.index_cast %swap3A_611 : i32 to index
      %swap3A_613 = arith.index_cast %mul3A_610 : i32 to index
      %swap3A_614 = tpu.vector_load %arg9[%swap3A_612, %swap3A_613] {strides = array<i32>} : memref<48x256xf32, #tpu.memory_space<vmem>>, vector<16xf32>,
      tpu.vector_store %arg9[%swap3A_612, %swap3A_613], %gather3A_608 {strides = array<i32>} : memref<48x256xf32, #tpu.memory_space<vmem>>, vector<16xf32>,
      %add3A_615 = arith.constant 16384 : i32
      %add3A_616 = vector.broadcast %add3A_615 : i32 to vector<16xi32>
      %add3A_617 = arith.addi %get3A_597, %add3A_616 : vector<16xi32>
      %gather3A_618 = tpu.vector_load_idx %arg5[%add3A_617] : memref<24576xf32, #tpu.memory_space<vmem>>[vector<16xi32>], vector<16xf32>,
      %mul3A_619 = arith.constant 16 : i32
      %mul3A_620 = arith.muli %add3A_264, %mul3A_619 : i32
      %swap3A_621 = arith.constant 32 : i32
      %swap3A_622 = arith.index_cast %swap3A_621 : i32 to index
      %swap3A_623 = arith.index_cast %mul3A_620 : i32 to index
      %swap3A_624 = tpu.vector_load %arg9[%swap3A_622, %swap3A_623] {strides = array<i32>} : memref<48x256xf32, #tpu.memory_space<vmem>>, vector<16xf32>,
      tpu.vector_store %arg9[%swap3A_622, %swap3A_623], %gather3A_618 {strides = array<i32>} : memref<48x256xf32, #tpu.memory_space<vmem>>, vector<16xf32>,
      %mul3A_625 = arith.constant 16 : i32
      %mul3A_626 = arith.muli %add3A_264, %mul3A_625 : i32
      %get3A_627 = arith.constant 11 : i32
      %get3A_628 = arith.index_cast %get3A_627 : i32 to index
      %get3A_629 = arith.index_cast %mul3A_626 : i32 to index
      %get3A_630 = tpu.vector_load %arg7[%get3A_628, %get3A_629] {strides = array<i32>} : memref<16x256xi32, #tpu.memory_space<vmem>>, vector<16xi32>,
      %gather3A_631 = tpu.vector_load_idx %arg5[%get3A_630] : memref<24576xf32, #tpu.memory_space<vmem>>[vector<16xi32>], vector<16xf32>,
      %mul3A_632 = arith.constant 16 : i32
      %mul3A_633 = arith.muli %add3A_264, %mul3A_632 : i32
      %swap3A_634 = arith.constant 33 : i32
      %swap3A_635 = arith.index_cast %swap3A_634 : i32 to index
      %swap3A_636 = arith.index_cast %mul3A_633 : i32 to index
      %swap3A_637 = tpu.vector_load %arg9[%swap3A_635, %swap3A_636] {strides = array<i32>} : memref<48x256xf32, #tpu.memory_space<vmem>>, vector<16xf32>,
      tpu.vector_store %arg9[%swap3A_635, %swap3A_636], %gather3A_631 {strides = array<i32>} : memref<48x256xf32, #tpu.memory_space<vmem>>, vector<16xf32>,
      %add3A_638 = arith.constant 8192 : i32
      %add3A_639 = vector.broadcast %add3A_638 : i32 to vector<16xi32>
      %add3A_640 = arith.addi %get3A_630, %add3A_639 : vector<16xi32>
      %gather3A_641 = tpu.vector_load_idx %arg5[%add3A_640] : memref<24576xf32, #tpu.memory_space<vmem>>[vector<16xi32>], vector<16xf32>,
      %mul3A_642 = arith.constant 16 : i32
      %mul3A_643 = arith.muli %add3A_264, %mul3A_642 : i32
      %swap3A_644 = arith.constant 34 : i32
      %swap3A_645 = arith.index_cast %swap3A_644 : i32 to index
      %swap3A_646 = arith.index_cast %mul3A_643 : i32 to index
      %swap3A_647 = tpu.vector_load %arg9[%swap3A_645, %swap3A_646] {strides = array<i32>} : memref<48x256xf32, #tpu.memory_space<vmem>>, vector<16xf32>,
      tpu.vector_store %arg9[%swap3A_645, %swap3A_646], %gather3A_641 {strides = array<i32>} : memref<48x256xf32, #tpu.memory_space<vmem>>, vector<16xf32>,
      %add3A_648 = arith.constant 16384 : i32
      %add3A_649 = vector.broadcast %add3A_648 : i32 to vector<16xi32>
      %add3A_650 = arith.addi %get3A_630, %add3A_649 : vector<16xi32>
      %gather3A_651 = tpu.vector_load_idx %arg5[%add3A_650] : memref<24576xf32, #tpu.memory_space<vmem>>[vector<16xi32>], vector<16xf32>,
      %mul3A_652 = arith.constant 16 : i32
      %mul3A_653 = arith.muli %add3A_264, %mul3A_652 : i32
      %swap3A_654 = arith.constant 35 : i32
      %swap3A_655 = arith.index_cast %swap3A_654 : i32 to index
      %swap3A_656 = arith.index_cast %mul3A_653 : i32 to index
      %swap3A_657 = tpu.vector_load %arg9[%swap3A_655, %swap3A_656] {strides = array<i32>} : memref<48x256xf32, #tpu.memory_space<vmem>>, vector<16xf32>,
      tpu.vector_store %arg9[%swap3A_655, %swap3A_656], %gather3A_651 {strides = array<i32>} : memref<48x256xf32, #tpu.memory_space<vmem>>, vector<16xf32>,
      %mul3A_658 = arith.constant 16 : i32
      %mul3A_659 = arith.muli %add3A_264, %mul3A_658 : i32
      %get3A_660 = arith.constant 12 : i32
      %get3A_661 = arith.index_cast %get3A_660 : i32 to index
      %get3A_662 = arith.index_cast %mul3A_659 : i32 to index
      %get3A_663 = tpu.vector_load %arg7[%get3A_661, %get3A_662] {strides = array<i32>} : memref<16x256xi32, #tpu.memory_space<vmem>>, vector<16xi32>,
      %gather3A_664 = tpu.vector_load_idx %arg5[%get3A_663] : memref<24576xf32, #tpu.memory_space<vmem>>[vector<16xi32>], vector<16xf32>,
      %mul3A_665 = arith.constant 16 : i32
      %mul3A_666 = arith.muli %add3A_264, %mul3A_665 : i32
      %swap3A_667 = arith.constant 36 : i32
      %swap3A_668 = arith.index_cast %swap3A_667 : i32 to index
      %swap3A_669 = arith.index_cast %mul3A_666 : i32 to index
      %swap3A_670 = tpu.vector_load %arg9[%swap3A_668, %swap3A_669] {strides = array<i32>} : memref<48x256xf32, #tpu.memory_space<vmem>>, vector<16xf32>,
      tpu.vector_store %arg9[%swap3A_668, %swap3A_669], %gather3A_664 {strides = array<i32>} : memref<48x256xf32, #tpu.memory_space<vmem>>, vector<16xf32>,
      %add3A_671 = arith.constant 8192 : i32
      %add3A_672 = vector.broadcast %add3A_671 : i32 to vector<16xi32>
      %add3A_673 = arith.addi %get3A_663, %add3A_672 : vector<16xi32>
      %gather3A_674 = tpu.vector_load_idx %arg5[%add3A_673] : memref<24576xf32, #tpu.memory_space<vmem>>[vector<16xi32>], vector<16xf32>,
      %mul3A_675 = arith.constant 16 : i32
      %mul3A_676 = arith.muli %add3A_264, %mul3A_675 : i32
      %swap3A_677 = arith.constant 37 : i32
      %swap3A_678 = arith.index_cast %swap3A_677 : i32 to index
      %swap3A_679 = arith.index_cast %mul3A_676 : i32 to index
      %swap3A_680 = tpu.vector_load %arg9[%swap3A_678, %swap3A_679] {strides = array<i32>} : memref<48x256xf32, #tpu.memory_space<vmem>>, vector<16xf32>,
      tpu.vector_store %arg9[%swap3A_678, %swap3A_679], %gather3A_674 {strides = array<i32>} : memref<48x256xf32, #tpu.memory_space<vmem>>, vector<16xf32>,
      %add3A_681 = arith.constant 16384 : i32
      %add3A_682 = vector.broadcast %add3A_681 : i32 to vector<16xi32>
      %add3A_683 = arith.addi %get3A_663, %add3A_682 : vector<16xi32>
      %gather3A_684 = tpu.vector_load_idx %arg5[%add3A_683] : memref<24576xf32, #tpu.memory_space<vmem>>[vector<16xi32>], vector<16xf32>,
      %mul3A_685 = arith.constant 16 : i32
      %mul3A_686 = arith.muli %add3A_264, %mul3A_685 : i32
      %swap3A_687 = arith.constant 38 : i32
      %swap3A_688 = arith.index_cast %swap3A_687 : i32 to index
      %swap3A_689 = arith.index_cast %mul3A_686 : i32 to index
      %swap3A_690 = tpu.vector_load %arg9[%swap3A_688, %swap3A_689] {strides = array<i32>} : memref<48x256xf32, #tpu.memory_space<vmem>>, vector<16xf32>,
      tpu.vector_store %arg9[%swap3A_688, %swap3A_689], %gather3A_684 {strides = array<i32>} : memref<48x256xf32, #tpu.memory_space<vmem>>, vector<16xf32>,
      %mul3A_691 = arith.constant 16 : i32
      %mul3A_692 = arith.muli %add3A_264, %mul3A_691 : i32
      %get3A_693 = arith.constant 13 : i32
      %get3A_694 = arith.index_cast %get3A_693 : i32 to index
      %get3A_695 = arith.index_cast %mul3A_692 : i32 to index
      %get3A_696 = tpu.vector_load %arg7[%get3A_694, %get3A_695] {strides = array<i32>} : memref<16x256xi32, #tpu.memory_space<vmem>>, vector<16xi32>,
      %gather3A_697 = tpu.vector_load_idx %arg5[%get3A_696] : memref<24576xf32, #tpu.memory_space<vmem>>[vector<16xi32>], vector<16xf32>,
      %mul3A_698 = arith.constant 16 : i32
      %mul3A_699 = arith.muli %add3A_264, %mul3A_698 : i32
      %swap3A_700 = arith.constant 39 : i32
      %swap3A_701 = arith.index_cast %swap3A_700 : i32 to index
      %swap3A_702 = arith.index_cast %mul3A_699 : i32 to index
      %swap3A_703 = tpu.vector_load %arg9[%swap3A_701, %swap3A_702] {strides = array<i32>} : memref<48x256xf32, #tpu.memory_space<vmem>>, vector<16xf32>,
      tpu.vector_store %arg9[%swap3A_701, %swap3A_702], %gather3A_697 {strides = array<i32>} : memref<48x256xf32, #tpu.memory_space<vmem>>, vector<16xf32>,
      %add3A_704 = arith.constant 8192 : i32
      %add3A_705 = vector.broadcast %add3A_704 : i32 to vector<16xi32>
      %add3A_706 = arith.addi %get3A_696, %add3A_705 : vector<16xi32>
      %gather3A_707 = tpu.vector_load_idx %arg5[%add3A_706] : memref<24576xf32, #tpu.memory_space<vmem>>[vector<16xi32>], vector<16xf32>,
      %mul3A_708 = arith.constant 16 : i32
      %mul3A_709 = arith.muli %add3A_264, %mul3A_708 : i32
      %swap3A_710 = arith.constant 40 : i32
      %swap3A_711 = arith.index_cast %swap3A_710 : i32 to index
      %swap3A_712 = arith.index_cast %mul3A_709 : i32 to index
      %swap3A_713 = tpu.vector_load %arg9[%swap3A_711, %swap3A_712] {strides = array<i32>} : memref<48x256xf32, #tpu.memory_space<vmem>>, vector<16xf32>,
      tpu.vector_store %arg9[%swap3A_711, %swap3A_712], %gather3A_707 {strides = array<i32>} : memref<48x256xf32, #tpu.memory_space<vmem>>, vector<16xf32>,
      %add3A_714 = arith.constant 16384 : i32
      %add3A_715 = vector.broadcast %add3A_714 : i32 to vector<16xi32>
      %add3A_716 = arith.addi %get3A_696, %add3A_715 : vector<16xi32>
      %gather3A_717 = tpu.vector_load_idx %arg5[%add3A_716] : memref<24576xf32, #tpu.memory_space<vmem>>[vector<16xi32>], vector<16xf32>,
      %mul3A_718 = arith.constant 16 : i32
      %mul3A_719 = arith.muli %add3A_264, %mul3A_718 : i32
      %swap3A_720 = arith.constant 41 : i32
      %swap3A_721 = arith.index_cast %swap3A_720 : i32 to index
      %swap3A_722 = arith.index_cast %mul3A_719 : i32 to index
      %swap3A_723 = tpu.vector_load %arg9[%swap3A_721, %swap3A_722] {strides = array<i32>} : memref<48x256xf32, #tpu.memory_space<vmem>>, vector<16xf32>,
      tpu.vector_store %arg9[%swap3A_721, %swap3A_722], %gather3A_717 {strides = array<i32>} : memref<48x256xf32, #tpu.memory_space<vmem>>, vector<16xf32>,
      %mul3A_724 = arith.constant 16 : i32
      %mul3A_725 = arith.muli %add3A_264, %mul3A_724 : i32
      %get3A_726 = arith.constant 14 : i32
      %get3A_727 = arith.index_cast %get3A_726 : i32 to index
      %get3A_728 = arith.index_cast %mul3A_725 : i32 to index
      %get3A_729 = tpu.vector_load %arg7[%get3A_727, %get3A_728] {strides = array<i32>} : memref<16x256xi32, #tpu.memory_space<vmem>>, vector<16xi32>,
      %gather3A_730 = tpu.vector_load_idx %arg5[%get3A_729] : memref<24576xf32, #tpu.memory_space<vmem>>[vector<16xi32>], vector<16xf32>,
      %mul3A_731 = arith.constant 16 : i32
      %mul3A_732 = arith.muli %add3A_264, %mul3A_731 : i32
      %swap3A_733 = arith.constant 42 : i32
      %swap3A_734 = arith.index_cast %swap3A_733 : i32 to index
      %swap3A_735 = arith.index_cast %mul3A_732 : i32 to index
      %swap3A_736 = tpu.vector_load %arg9[%swap3A_734, %swap3A_735] {strides = array<i32>} : memref<48x256xf32, #tpu.memory_space<vmem>>, vector<16xf32>,
      tpu.vector_store %arg9[%swap3A_734, %swap3A_735], %gather3A_730 {strides = array<i32>} : memref<48x256xf32, #tpu.memory_space<vmem>>, vector<16xf32>,
      %add3A_737 = arith.constant 8192 : i32
      %add3A_738 = vector.broadcast %add3A_737 : i32 to vector<16xi32>
      %add3A_739 = arith.addi %get3A_729, %add3A_738 : vector<16xi32>
      %gather3A_740 = tpu.vector_load_idx %arg5[%add3A_739] : memref<24576xf32, #tpu.memory_space<vmem>>[vector<16xi32>], vector<16xf32>,
      %mul3A_741 = arith.constant 16 : i32
      %mul3A_742 = arith.muli %add3A_264, %mul3A_741 : i32
      %swap3A_743 = arith.constant 43 : i32
      %swap3A_744 = arith.index_cast %swap3A_743 : i32 to index
      %swap3A_745 = arith.index_cast %mul3A_742 : i32 to index
      %swap3A_746 = tpu.vector_load %arg9[%swap3A_744, %swap3A_745] {strides = array<i32>} : memref<48x256xf32, #tpu.memory_space<vmem>>, vector<16xf32>,
      tpu.vector_store %arg9[%swap3A_744, %swap3A_745], %gather3A_740 {strides = array<i32>} : memref<48x256xf32, #tpu.memory_space<vmem>>, vector<16xf32>,
      %add3A_747 = arith.constant 16384 : i32
      %add3A_748 = vector.broadcast %add3A_747 : i32 to vector<16xi32>
      %add3A_749 = arith.addi %get3A_729, %add3A_748 : vector<16xi32>
      %gather3A_750 = tpu.vector_load_idx %arg5[%add3A_749] : memref<24576xf32, #tpu.memory_space<vmem>>[vector<16xi32>], vector<16xf32>,
      %mul3A_751 = arith.constant 16 : i32
      %mul3A_752 = arith.muli %add3A_264, %mul3A_751 : i32
      %swap3A_753 = arith.constant 44 : i32
      %swap3A_754 = arith.index_cast %swap3A_753 : i32 to index
      %swap3A_755 = arith.index_cast %mul3A_752 : i32 to index
      %swap3A_756 = tpu.vector_load %arg9[%swap3A_754, %swap3A_755] {strides = array<i32>} : memref<48x256xf32, #tpu.memory_space<vmem>>, vector<16xf32>,
      tpu.vector_store %arg9[%swap3A_754, %swap3A_755], %gather3A_750 {strides = array<i32>} : memref<48x256xf32, #tpu.memory_space<vmem>>, vector<16xf32>,
      %mul3A_757 = arith.constant 16 : i32
      %mul3A_758 = arith.muli %add3A_264, %mul3A_757 : i32
      %get3A_759 = arith.constant 15 : i32
      %get3A_760 = arith.index_cast %get3A_759 : i32 to index
      %get3A_761 = arith.index_cast %mul3A_758 : i32 to index
      %get3A_762 = tpu.vector_load %arg7[%get3A_760, %get3A_761] {strides = array<i32>} : memref<16x256xi32, #tpu.memory_space<vmem>>, vector<16xi32>,
      %gather3A_763 = tpu.vector_load_idx %arg5[%get3A_762] : memref<24576xf32, #tpu.memory_space<vmem>>[vector<16xi32>], vector<16xf32>,
      %mul3A_764 = arith.constant 16 : i32
      %mul3A_765 = arith.muli %add3A_264, %mul3A_764 : i32
      %swap3A_766 = arith.constant 45 : i32
      %swap3A_767 = arith.index_cast %swap3A_766 : i32 to index
      %swap3A_768 = arith.index_cast %mul3A_765 : i32 to index
      %swap3A_769 = tpu.vector_load %arg9[%swap3A_767, %swap3A_768] {strides = array<i32>} : memref<48x256xf32, #tpu.memory_space<vmem>>, vector<16xf32>,
      tpu.vector_store %arg9[%swap3A_767, %swap3A_768], %gather3A_763 {strides = array<i32>} : memref<48x256xf32, #tpu.memory_space<vmem>>, vector<16xf32>,
      %add3A_770 = arith.constant 8192 : i32
      %add3A_771 = vector.broadcast %add3A_770 : i32 to vector<16xi32>
      %add3A_772 = arith.addi %get3A_762, %add3A_771 : vector<16xi32>
      %gather3A_773 = tpu.vector_load_idx %arg5[%add3A_772] : memref<24576xf32, #tpu.memory_space<vmem>>[vector<16xi32>], vector<16xf32>,
      %mul3A_774 = arith.constant 16 : i32
      %mul3A_775 = arith.muli %add3A_264, %mul3A_774 : i32
      %swap3A_776 = arith.constant 46 : i32
      %swap3A_777 = arith.index_cast %swap3A_776 : i32 to index
      %swap3A_778 = arith.index_cast %mul3A_775 : i32 to index
      %swap3A_779 = tpu.vector_load %arg9[%swap3A_777, %swap3A_778] {strides = array<i32>} : memref<48x256xf32, #tpu.memory_space<vmem>>, vector<16xf32>,
      tpu.vector_store %arg9[%swap3A_777, %swap3A_778], %gather3A_773 {strides = array<i32>} : memref<48x256xf32, #tpu.memory_space<vmem>>, vector<16xf32>,
      %add3A_780 = arith.constant 16384 : i32
      %add3A_781 = vector.broadcast %add3A_780 : i32 to vector<16xi32>
      %add3A_782 = arith.addi %get3A_762, %add3A_781 : vector<16xi32>
      %gather3A_783 = tpu.vector_load_idx %arg5[%add3A_782] : memref<24576xf32, #tpu.memory_space<vmem>>[vector<16xi32>], vector<16xf32>,
      %mul3A_784 = arith.constant 16 : i32
      %mul3A_785 = arith.muli %add3A_264, %mul3A_784 : i32
      %swap3A_786 = arith.constant 47 : i32
      %swap3A_787 = arith.index_cast %swap3A_786 : i32 to index
      %swap3A_788 = arith.index_cast %mul3A_785 : i32 to index
      %swap3A_789 = tpu.vector_load %arg9[%swap3A_787, %swap3A_788] {strides = array<i32>} : memref<48x256xf32, #tpu.memory_space<vmem>>, vector<16xf32>,
      tpu.vector_store %arg9[%swap3A_787, %swap3A_788], %gather3A_783 {strides = array<i32>} : memref<48x256xf32, #tpu.memory_space<vmem>>, vector<16xf32>,
    }
    %scan3A_64 = arith.constant 16 : i32
    %dma_start3A_65 = arith.constant 0 : i32
    %dma_start3A_66 = arith.constant 0 : i32
    %dma_start3A_67 = arith.constant 0 : i32
    %dma_start3A_68 = tpu.memref_slice %arg4[%dma_start3A_65, %dma_start3A_67, %mul3A_2] : memref<4x48x8192xf32, #tpu.memory_space<hbm>> -> memref<1x48x256xf32, #tpu.memory_space<hbm>>
    %dma_start3A_69 = tpu.memref_squeeze %dma_start3A_68 : memref<1x48x256xf32, #tpu.memory_space<hbm>> -> memref<48x256xf32, #tpu.memory_space<hbm>>
    %dma_start3A_70 = tpu.memref_slice %arg12[%dma_start3A_66] : memref<2x!tpu.dma_semaphore, #tpu.memory_space<semaphore_mem>> -> memref<1x!tpu.dma_semaphore, #tpu.memory_space<semaphore_mem>>
    %dma_start3A_71 = tpu.memref_squeeze %dma_start3A_70 : memref<1x!tpu.dma_semaphore, #tpu.memory_space<semaphore_mem>> -> memref<!tpu.dma_semaphore, #tpu.memory_space<semaphore_mem>>
    %dma_start3A_72 = arith.constant 0 : i32
    %dma_start3A_73 = tpu.memref_slice %arg4[%dma_start3A_65, %dma_start3A_72, %mul3A_2] : memref<4x48x8192xf32, #tpu.memory_space<hbm>> -> memref<1x48x256xf32, #tpu.memory_space<hbm>>
    %dma_start3A_74 = tpu.memref_squeeze %dma_start3A_73 : memref<1x48x256xf32, #tpu.memory_space<hbm>> -> memref<48x256xf32, #tpu.memory_space<hbm>>
    tpu.enqueue_dma source(%arg9 : memref<48x256xf32, #tpu.memory_space<vmem>>) target(%dma_start3A_74 : memref<48x256xf32, #tpu.memory_space<hbm>>) target_semaphore(%dma_start3A_71 : memref<!tpu.dma_semaphore, #tpu.memory_space<semaphore_mem>>)
    %dma_start3A_75 = arith.constant 2 : i32
    %dma_start3A_76 = arith.constant 0 : i32
    %dma_start3A_77 = arith.constant 0 : i32
    %dma_start3A_78 = tpu.memref_slice %arg2[%dma_start3A_75, %dma_start3A_77] : memref<4x24576xf32, #tpu.memory_space<hbm>> -> memref<1x24576xf32, #tpu.memory_space<hbm>>
    %dma_start3A_79 = tpu.memref_squeeze %dma_start3A_78 : memref<1x24576xf32, #tpu.memory_space<hbm>> -> memref<24576xf32, #tpu.memory_space<hbm>>
    %dma_start3A_80 = tpu.memref_slice %arg10[%dma_start3A_76] : memref<2x!tpu.dma_semaphore, #tpu.memory_space<semaphore_mem>> -> memref<1x!tpu.dma_semaphore, #tpu.memory_space<semaphore_mem>>
    %dma_start3A_81 = tpu.memref_squeeze %dma_start3A_80 : memref<1x!tpu.dma_semaphore, #tpu.memory_space<semaphore_mem>> -> memref<!tpu.dma_semaphore, #tpu.memory_space<semaphore_mem>>
    %dma_start3A_82 = arith.constant 0 : i32
    %dma_start3A_83 = tpu.memref_slice %arg2[%dma_start3A_75, %dma_start3A_82] : memref<4x24576xf32, #tpu.memory_space<hbm>> -> memref<1x24576xf32, #tpu.memory_space<hbm>>
    %dma_start3A_84 = tpu.memref_squeeze %dma_start3A_83 : memref<1x24576xf32, #tpu.memory_space<hbm>> -> memref<24576xf32, #tpu.memory_space<hbm>>
    tpu.enqueue_dma source(%dma_start3A_84 : memref<24576xf32, #tpu.memory_space<hbm>>) target(%arg5 : memref<24576xf32, #tpu.memory_space<vmem>>) target_semaphore(%dma_start3A_81 : memref<!tpu.dma_semaphore, #tpu.memory_space<semaphore_mem>>)
    %dma_start3A_85 = arith.constant 2 : i32
    %dma_start3A_86 = arith.constant 0 : i32
    %dma_start3A_87 = arith.constant 0 : i32
    %dma_start3A_88 = tpu.memref_slice %arg3[%dma_start3A_85, %dma_start3A_87, %mul3A_2] : memref<4x16x8192xi32, #tpu.memory_space<hbm>> -> memref<1x16x256xi32, #tpu.memory_space<hbm>>
    %dma_start3A_89 = tpu.memref_squeeze %dma_start3A_88 : memref<1x16x256xi32, #tpu.memory_space<hbm>> -> memref<16x256xi32, #tpu.memory_space<hbm>>
    %dma_start3A_90 = tpu.memref_slice %arg11[%dma_start3A_86] : memref<2x!tpu.dma_semaphore, #tpu.memory_space<semaphore_mem>> -> memref<1x!tpu.dma_semaphore, #tpu.memory_space<semaphore_mem>>
    %dma_start3A_91 = tpu.memref_squeeze %dma_start3A_90 : memref<1x!tpu.dma_semaphore, #tpu.memory_space<semaphore_mem>> -> memref<!tpu.dma_semaphore, #tpu.memory_space<semaphore_mem>>
    %dma_start3A_92 = arith.constant 0 : i32
    %dma_start3A_93 = tpu.memref_slice %arg3[%dma_start3A_85, %dma_start3A_92, %mul3A_2] : memref<4x16x8192xi32, #tpu.memory_space<hbm>> -> memref<1x16x256xi32, #tpu.memory_space<hbm>>
    %dma_start3A_94 = tpu.memref_squeeze %dma_start3A_93 : memref<1x16x256xi32, #tpu.memory_space<hbm>> -> memref<16x256xi32, #tpu.memory_space<hbm>>
    tpu.enqueue_dma source(%dma_start3A_94 : memref<16x256xi32, #tpu.memory_space<hbm>>) target(%arg7 : memref<16x256xi32, #tpu.memory_space<vmem>>) target_semaphore(%dma_start3A_91 : memref<!tpu.dma_semaphore, #tpu.memory_space<semaphore_mem>>)
    %dma_wait3A_95 = arith.constant 1 : i32
    %dma_wait3A_96 = arith.constant 1 : i32
    %dma_wait3A_97 = arith.constant 0 : i32
    %dma_wait3A_98 = tpu.memref_slice %arg2[%dma_wait3A_95, %dma_wait3A_97] : memref<4x24576xf32, #tpu.memory_space<hbm>> -> memref<1x24576xf32, #tpu.memory_space<hbm>>
    %dma_wait3A_99 = tpu.memref_squeeze %dma_wait3A_98 : memref<1x24576xf32, #tpu.memory_space<hbm>> -> memref<24576xf32, #tpu.memory_space<hbm>>
    %dma_wait3A_100 = tpu.memref_slice %arg10[%dma_wait3A_96] : memref<2x!tpu.dma_semaphore, #tpu.memory_space<semaphore_mem>> -> memref<1x!tpu.dma_semaphore, #tpu.memory_space<semaphore_mem>>
    %dma_wait3A_101 = tpu.memref_squeeze %dma_wait3A_100 : memref<1x!tpu.dma_semaphore, #tpu.memory_space<semaphore_mem>> -> memref<!tpu.dma_semaphore, #tpu.memory_space<semaphore_mem>>
    %dma_wait3A_102 = arith.constant 0 : i32
    %dma_wait3A_103 = tpu.memref_slice %arg2[%dma_wait3A_95, %dma_wait3A_102] : memref<4x24576xf32, #tpu.memory_space<hbm>> -> memref<1x24576xf32, #tpu.memory_space<hbm>>
    %dma_wait3A_104 = tpu.memref_squeeze %dma_wait3A_103 : memref<1x24576xf32, #tpu.memory_space<hbm>> -> memref<24576xf32, #tpu.memory_space<hbm>>
    tpu.wait_dma2 semaphore(%dma_wait3A_101 : memref<!tpu.dma_semaphore, #tpu.memory_space<semaphore_mem>>) src(%dma_wait3A_104 : memref<24576xf32, #tpu.memory_space<hbm>>) dst(%arg6 : memref<24576xf32, #tpu.memory_space<vmem>>)
    %dma_wait3A_105 = arith.constant 1 : i32
    %dma_wait3A_106 = arith.constant 1 : i32
    %dma_wait3A_107 = arith.constant 0 : i32
    %dma_wait3A_108 = tpu.memref_slice %arg3[%dma_wait3A_105, %dma_wait3A_107, %mul3A_2] : memref<4x16x8192xi32, #tpu.memory_space<hbm>> -> memref<1x16x256xi32, #tpu.memory_space<hbm>>
    %dma_wait3A_109 = tpu.memref_squeeze %dma_wait3A_108 : memref<1x16x256xi32, #tpu.memory_space<hbm>> -> memref<16x256xi32, #tpu.memory_space<hbm>>
    %dma_wait3A_110 = tpu.memref_slice %arg11[%dma_wait3A_106] : memref<2x!tpu.dma_semaphore, #tpu.memory_space<semaphore_mem>> -> memref<1x!tpu.dma_semaphore, #tpu.memory_space<semaphore_mem>>
    %dma_wait3A_111 = tpu.memref_squeeze %dma_wait3A_110 : memref<1x!tpu.dma_semaphore, #tpu.memory_space<semaphore_mem>> -> memref<!tpu.dma_semaphore, #tpu.memory_space<semaphore_mem>>
    %dma_wait3A_112 = arith.constant 0 : i32
    %dma_wait3A_113 = tpu.memref_slice %arg3[%dma_wait3A_105, %dma_wait3A_112, %mul3A_2] : memref<4x16x8192xi32, #tpu.memory_space<hbm>> -> memref<1x16x256xi32, #tpu.memory_space<hbm>>
    %dma_wait3A_114 = tpu.memref_squeeze %dma_wait3A_113 : memref<1x16x256xi32, #tpu.memory_space<hbm>> -> memref<16x256xi32, #tpu.memory_space<hbm>>
    tpu.wait_dma2 semaphore(%dma_wait3A_111 : memref<!tpu.dma_semaphore, #tpu.memory_space<semaphore_mem>>) src(%dma_wait3A_114 : memref<16x256xi32, #tpu.memory_space<hbm>>) dst(%arg8 : memref<16x256xi32, #tpu.memory_space<vmem>>)
    %dma_wait3A_115 = arith.constant 0 : i32
    %dma_wait3A_116 = arith.constant 0 : i32
    %dma_wait3A_117 = arith.constant 0 : i32
    %dma_wait3A_118 = tpu.memref_slice %arg4[%dma_wait3A_115, %dma_wait3A_117, %mul3A_2] : memref<4x48x8192xf32, #tpu.memory_space<hbm>> -> memref<1x48x256xf32, #tpu.memory_space<hbm>>
    %dma_wait3A_119 = tpu.memref_squeeze %dma_wait3A_118 : memref<1x48x256xf32, #tpu.memory_space<hbm>> -> memref<48x256xf32, #tpu.memory_space<hbm>>
    %dma_wait3A_120 = tpu.memref_slice %arg12[%dma_wait3A_116] : memref<2x!tpu.dma_semaphore, #tpu.memory_space<semaphore_mem>> -> memref<1x!tpu.dma_semaphore, #tpu.memory_space<semaphore_mem>>
    %dma_wait3A_121 = tpu.memref_squeeze %dma_wait3A_120 : memref<1x!tpu.dma_semaphore, #tpu.memory_space<semaphore_mem>> -> memref<!tpu.dma_semaphore, #tpu.memory_space<semaphore_mem>>
    %dma_wait3A_122 = arith.constant 0 : i32
    %dma_wait3A_123 = tpu.memref_slice %arg4[%dma_wait3A_115, %dma_wait3A_122, %mul3A_2] : memref<4x48x8192xf32, #tpu.memory_space<hbm>> -> memref<1x48x256xf32, #tpu.memory_space<hbm>>
    %dma_wait3A_124 = tpu.memref_squeeze %dma_wait3A_123 : memref<1x48x256xf32, #tpu.memory_space<hbm>> -> memref<48x256xf32, #tpu.memory_space<hbm>>
    tpu.wait_dma2 semaphore(%dma_wait3A_121 : memref<!tpu.dma_semaphore, #tpu.memory_space<semaphore_mem>>) src(%arg9 : memref<48x256xf32, #tpu.memory_space<vmem>>) dst(%dma_wait3A_124 : memref<48x256xf32, #tpu.memory_space<hbm>>)
    %scan3A_125 = arith.constant 0 : i32
    %scan3A_126 = arith.constant 16 : i32
    %scan3A_127 = arith.addi %scan3A_125, %scan3A_126 : i32
    %scan3A_128 = arith.constant 1 : i32
    scf.for %scan3A_260 = %scan3A_125 to %scan3A_127 step %scan3A_128  : i32 {
      %mul3A_261 = arith.constant 1 : i32
      %mul3A_262 = arith.muli %scan3A_260, %mul3A_261 : i32
      %add3A_263 = arith.constant 0 : i32
      %add3A_264 = arith.addi %add3A_263, %mul3A_262 : i32
      %mul3A_265 = arith.constant 16 : i32
      %mul3A_266 = arith.muli %add3A_264, %mul3A_265 : i32
      %get3A = arith.constant 0 : i32
      %get3A_267 = arith.index_cast %get3A : i32 to index
      %get3A_268 = arith.index_cast %mul3A_266 : i32 to index
      %get3A_269 = tpu.vector_load %arg8[%get3A_267, %get3A_268] {strides = array<i32>} : memref<16x256xi32, #tpu.memory_space<vmem>>, vector<16xi32>,
      %gather3A = tpu.vector_load_idx %arg6[%get3A_269] : memref<24576xf32, #tpu.memory_space<vmem>>[vector<16xi32>], vector<16xf32>,
      %mul3A_270 = arith.constant 16 : i32
      %mul3A_271 = arith.muli %add3A_264, %mul3A_270 : i32
      %swap3A = arith.constant 0 : i32
      %swap3A_272 = arith.index_cast %swap3A : i32 to index
      %swap3A_273 = arith.index_cast %mul3A_271 : i32 to index
      %swap3A_274 = tpu.vector_load %arg9[%swap3A_272, %swap3A_273] {strides = array<i32>} : memref<48x256xf32, #tpu.memory_space<vmem>>, vector<16xf32>,
      tpu.vector_store %arg9[%swap3A_272, %swap3A_273], %gather3A {strides = array<i32>} : memref<48x256xf32, #tpu.memory_space<vmem>>, vector<16xf32>,
      %add3A_275 = arith.constant 8192 : i32
      %add3A_276 = vector.broadcast %add3A_275 : i32 to vector<16xi32>
      %add3A_277 = arith.addi %get3A_269, %add3A_276 : vector<16xi32>
      %gather3A_278 = tpu.vector_load_idx %arg6[%add3A_277] : memref<24576xf32, #tpu.memory_space<vmem>>[vector<16xi32>], vector<16xf32>,
      %mul3A_279 = arith.constant 16 : i32
      %mul3A_280 = arith.muli %add3A_264, %mul3A_279 : i32
      %swap3A_281 = arith.constant 1 : i32
      %swap3A_282 = arith.index_cast %swap3A_281 : i32 to index
      %swap3A_283 = arith.index_cast %mul3A_280 : i32 to index
      %swap3A_284 = tpu.vector_load %arg9[%swap3A_282, %swap3A_283] {strides = array<i32>} : memref<48x256xf32, #tpu.memory_space<vmem>>, vector<16xf32>,
      tpu.vector_store %arg9[%swap3A_282, %swap3A_283], %gather3A_278 {strides = array<i32>} : memref<48x256xf32, #tpu.memory_space<vmem>>, vector<16xf32>,
      %add3A_285 = arith.constant 16384 : i32
      %add3A_286 = vector.broadcast %add3A_285 : i32 to vector<16xi32>
      %add3A_287 = arith.addi %get3A_269, %add3A_286 : vector<16xi32>
      %gather3A_288 = tpu.vector_load_idx %arg6[%add3A_287] : memref<24576xf32, #tpu.memory_space<vmem>>[vector<16xi32>], vector<16xf32>,
      %mul3A_289 = arith.constant 16 : i32
      %mul3A_290 = arith.muli %add3A_264, %mul3A_289 : i32
      %swap3A_291 = arith.constant 2 : i32
      %swap3A_292 = arith.index_cast %swap3A_291 : i32 to index
      %swap3A_293 = arith.index_cast %mul3A_290 : i32 to index
      %swap3A_294 = tpu.vector_load %arg9[%swap3A_292, %swap3A_293] {strides = array<i32>} : memref<48x256xf32, #tpu.memory_space<vmem>>, vector<16xf32>,
      tpu.vector_store %arg9[%swap3A_292, %swap3A_293], %gather3A_288 {strides = array<i32>} : memref<48x256xf32, #tpu.memory_space<vmem>>, vector<16xf32>,
      %mul3A_295 = arith.constant 16 : i32
      %mul3A_296 = arith.muli %add3A_264, %mul3A_295 : i32
      %get3A_297 = arith.constant 1 : i32
      %get3A_298 = arith.index_cast %get3A_297 : i32 to index
      %get3A_299 = arith.index_cast %mul3A_296 : i32 to index
      %get3A_300 = tpu.vector_load %arg8[%get3A_298, %get3A_299] {strides = array<i32>} : memref<16x256xi32, #tpu.memory_space<vmem>>, vector<16xi32>,
      %gather3A_301 = tpu.vector_load_idx %arg6[%get3A_300] : memref<24576xf32, #tpu.memory_space<vmem>>[vector<16xi32>], vector<16xf32>,
      %mul3A_302 = arith.constant 16 : i32
      %mul3A_303 = arith.muli %add3A_264, %mul3A_302 : i32
      %swap3A_304 = arith.constant 3 : i32
      %swap3A_305 = arith.index_cast %swap3A_304 : i32 to index
      %swap3A_306 = arith.index_cast %mul3A_303 : i32 to index
      %swap3A_307 = tpu.vector_load %arg9[%swap3A_305, %swap3A_306] {strides = array<i32>} : memref<48x256xf32, #tpu.memory_space<vmem>>, vector<16xf32>,
      tpu.vector_store %arg9[%swap3A_305, %swap3A_306], %gather3A_301 {strides = array<i32>} : memref<48x256xf32, #tpu.memory_space<vmem>>, vector<16xf32>,
      %add3A_308 = arith.constant 8192 : i32
      %add3A_309 = vector.broadcast %add3A_308 : i32 to vector<16xi32>
      %add3A_310 = arith.addi %get3A_300, %add3A_309 : vector<16xi32>
      %gather3A_311 = tpu.vector_load_idx %arg6[%add3A_310] : memref<24576xf32, #tpu.memory_space<vmem>>[vector<16xi32>], vector<16xf32>,
      %mul3A_312 = arith.constant 16 : i32
      %mul3A_313 = arith.muli %add3A_264, %mul3A_312 : i32
      %swap3A_314 = arith.constant 4 : i32
      %swap3A_315 = arith.index_cast %swap3A_314 : i32 to index
      %swap3A_316 = arith.index_cast %mul3A_313 : i32 to index
      %swap3A_317 = tpu.vector_load %arg9[%swap3A_315, %swap3A_316] {strides = array<i32>} : memref<48x256xf32, #tpu.memory_space<vmem>>, vector<16xf32>,
      tpu.vector_store %arg9[%swap3A_315, %swap3A_316], %gather3A_311 {strides = array<i32>} : memref<48x256xf32, #tpu.memory_space<vmem>>, vector<16xf32>,
      %add3A_318 = arith.constant 16384 : i32
      %add3A_319 = vector.broadcast %add3A_318 : i32 to vector<16xi32>
      %add3A_320 = arith.addi %get3A_300, %add3A_319 : vector<16xi32>
      %gather3A_321 = tpu.vector_load_idx %arg6[%add3A_320] : memref<24576xf32, #tpu.memory_space<vmem>>[vector<16xi32>], vector<16xf32>,
      %mul3A_322 = arith.constant 16 : i32
      %mul3A_323 = arith.muli %add3A_264, %mul3A_322 : i32
      %swap3A_324 = arith.constant 5 : i32
      %swap3A_325 = arith.index_cast %swap3A_324 : i32 to index
      %swap3A_326 = arith.index_cast %mul3A_323 : i32 to index
      %swap3A_327 = tpu.vector_load %arg9[%swap3A_325, %swap3A_326] {strides = array<i32>} : memref<48x256xf32, #tpu.memory_space<vmem>>, vector<16xf32>,
      tpu.vector_store %arg9[%swap3A_325, %swap3A_326], %gather3A_321 {strides = array<i32>} : memref<48x256xf32, #tpu.memory_space<vmem>>, vector<16xf32>,
      %mul3A_328 = arith.constant 16 : i32
      %mul3A_329 = arith.muli %add3A_264, %mul3A_328 : i32
      %get3A_330 = arith.constant 2 : i32
      %get3A_331 = arith.index_cast %get3A_330 : i32 to index
      %get3A_332 = arith.index_cast %mul3A_329 : i32 to index
      %get3A_333 = tpu.vector_load %arg8[%get3A_331, %get3A_332] {strides = array<i32>} : memref<16x256xi32, #tpu.memory_space<vmem>>, vector<16xi32>,
      %gather3A_334 = tpu.vector_load_idx %arg6[%get3A_333] : memref<24576xf32, #tpu.memory_space<vmem>>[vector<16xi32>], vector<16xf32>,
      %mul3A_335 = arith.constant 16 : i32
      %mul3A_336 = arith.muli %add3A_264, %mul3A_335 : i32
      %swap3A_337 = arith.constant 6 : i32
      %swap3A_338 = arith.index_cast %swap3A_337 : i32 to index
      %swap3A_339 = arith.index_cast %mul3A_336 : i32 to index
      %swap3A_340 = tpu.vector_load %arg9[%swap3A_338, %swap3A_339] {strides = array<i32>} : memref<48x256xf32, #tpu.memory_space<vmem>>, vector<16xf32>,
      tpu.vector_store %arg9[%swap3A_338, %swap3A_339], %gather3A_334 {strides = array<i32>} : memref<48x256xf32, #tpu.memory_space<vmem>>, vector<16xf32>,
      %add3A_341 = arith.constant 8192 : i32
      %add3A_342 = vector.broadcast %add3A_341 : i32 to vector<16xi32>
      %add3A_343 = arith.addi %get3A_333, %add3A_342 : vector<16xi32>
      %gather3A_344 = tpu.vector_load_idx %arg6[%add3A_343] : memref<24576xf32, #tpu.memory_space<vmem>>[vector<16xi32>], vector<16xf32>,
      %mul3A_345 = arith.constant 16 : i32
      %mul3A_346 = arith.muli %add3A_264, %mul3A_345 : i32
      %swap3A_347 = arith.constant 7 : i32
      %swap3A_348 = arith.index_cast %swap3A_347 : i32 to index
      %swap3A_349 = arith.index_cast %mul3A_346 : i32 to index
      %swap3A_350 = tpu.vector_load %arg9[%swap3A_348, %swap3A_349] {strides = array<i32>} : memref<48x256xf32, #tpu.memory_space<vmem>>, vector<16xf32>,
      tpu.vector_store %arg9[%swap3A_348, %swap3A_349], %gather3A_344 {strides = array<i32>} : memref<48x256xf32, #tpu.memory_space<vmem>>, vector<16xf32>,
      %add3A_351 = arith.constant 16384 : i32
      %add3A_352 = vector.broadcast %add3A_351 : i32 to vector<16xi32>
      %add3A_353 = arith.addi %get3A_333, %add3A_352 : vector<16xi32>
      %gather3A_354 = tpu.vector_load_idx %arg6[%add3A_353] : memref<24576xf32, #tpu.memory_space<vmem>>[vector<16xi32>], vector<16xf32>,
      %mul3A_355 = arith.constant 16 : i32
      %mul3A_356 = arith.muli %add3A_264, %mul3A_355 : i32
      %swap3A_357 = arith.constant 8 : i32
      %swap3A_358 = arith.index_cast %swap3A_357 : i32 to index
      %swap3A_359 = arith.index_cast %mul3A_356 : i32 to index
      %swap3A_360 = tpu.vector_load %arg9[%swap3A_358, %swap3A_359] {strides = array<i32>} : memref<48x256xf32, #tpu.memory_space<vmem>>, vector<16xf32>,
      tpu.vector_store %arg9[%swap3A_358, %swap3A_359], %gather3A_354 {strides = array<i32>} : memref<48x256xf32, #tpu.memory_space<vmem>>, vector<16xf32>,
      %mul3A_361 = arith.constant 16 : i32
      %mul3A_362 = arith.muli %add3A_264, %mul3A_361 : i32
      %get3A_363 = arith.constant 3 : i32
      %get3A_364 = arith.index_cast %get3A_363 : i32 to index
      %get3A_365 = arith.index_cast %mul3A_362 : i32 to index
      %get3A_366 = tpu.vector_load %arg8[%get3A_364, %get3A_365] {strides = array<i32>} : memref<16x256xi32, #tpu.memory_space<vmem>>, vector<16xi32>,
      %gather3A_367 = tpu.vector_load_idx %arg6[%get3A_366] : memref<24576xf32, #tpu.memory_space<vmem>>[vector<16xi32>], vector<16xf32>,
      %mul3A_368 = arith.constant 16 : i32
      %mul3A_369 = arith.muli %add3A_264, %mul3A_368 : i32
      %swap3A_370 = arith.constant 9 : i32
      %swap3A_371 = arith.index_cast %swap3A_370 : i32 to index
      %swap3A_372 = arith.index_cast %mul3A_369 : i32 to index
      %swap3A_373 = tpu.vector_load %arg9[%swap3A_371, %swap3A_372] {strides = array<i32>} : memref<48x256xf32, #tpu.memory_space<vmem>>, vector<16xf32>,
      tpu.vector_store %arg9[%swap3A_371, %swap3A_372], %gather3A_367 {strides = array<i32>} : memref<48x256xf32, #tpu.memory_space<vmem>>, vector<16xf32>,
      %add3A_374 = arith.constant 8192 : i32
      %add3A_375 = vector.broadcast %add3A_374 : i32 to vector<16xi32>
      %add3A_376 = arith.addi %get3A_366, %add3A_375 : vector<16xi32>
      %gather3A_377 = tpu.vector_load_idx %arg6[%add3A_376] : memref<24576xf32, #tpu.memory_space<vmem>>[vector<16xi32>], vector<16xf32>,
      %mul3A_378 = arith.constant 16 : i32
      %mul3A_379 = arith.muli %add3A_264, %mul3A_378 : i32
      %swap3A_380 = arith.constant 10 : i32
      %swap3A_381 = arith.index_cast %swap3A_380 : i32 to index
      %swap3A_382 = arith.index_cast %mul3A_379 : i32 to index
      %swap3A_383 = tpu.vector_load %arg9[%swap3A_381, %swap3A_382] {strides = array<i32>} : memref<48x256xf32, #tpu.memory_space<vmem>>, vector<16xf32>,
      tpu.vector_store %arg9[%swap3A_381, %swap3A_382], %gather3A_377 {strides = array<i32>} : memref<48x256xf32, #tpu.memory_space<vmem>>, vector<16xf32>,
      %add3A_384 = arith.constant 16384 : i32
      %add3A_385 = vector.broadcast %add3A_384 : i32 to vector<16xi32>
      %add3A_386 = arith.addi %get3A_366, %add3A_385 : vector<16xi32>
      %gather3A_387 = tpu.vector_load_idx %arg6[%add3A_386] : memref<24576xf32, #tpu.memory_space<vmem>>[vector<16xi32>], vector<16xf32>,
      %mul3A_388 = arith.constant 16 : i32
      %mul3A_389 = arith.muli %add3A_264, %mul3A_388 : i32
      %swap3A_390 = arith.constant 11 : i32
      %swap3A_391 = arith.index_cast %swap3A_390 : i32 to index
      %swap3A_392 = arith.index_cast %mul3A_389 : i32 to index
      %swap3A_393 = tpu.vector_load %arg9[%swap3A_391, %swap3A_392] {strides = array<i32>} : memref<48x256xf32, #tpu.memory_space<vmem>>, vector<16xf32>,
      tpu.vector_store %arg9[%swap3A_391, %swap3A_392], %gather3A_387 {strides = array<i32>} : memref<48x256xf32, #tpu.memory_space<vmem>>, vector<16xf32>,
      %mul3A_394 = arith.constant 16 : i32
      %mul3A_395 = arith.muli %add3A_264, %mul3A_394 : i32
      %get3A_396 = arith.constant 4 : i32
      %get3A_397 = arith.index_cast %get3A_396 : i32 to index
      %get3A_398 = arith.index_cast %mul3A_395 : i32 to index
      %get3A_399 = tpu.vector_load %arg8[%get3A_397, %get3A_398] {strides = array<i32>} : memref<16x256xi32, #tpu.memory_space<vmem>>, vector<16xi32>,
      %gather3A_400 = tpu.vector_load_idx %arg6[%get3A_399] : memref<24576xf32, #tpu.memory_space<vmem>>[vector<16xi32>], vector<16xf32>,
      %mul3A_401 = arith.constant 16 : i32
      %mul3A_402 = arith.muli %add3A_264, %mul3A_401 : i32
      %swap3A_403 = arith.constant 12 : i32
      %swap3A_404 = arith.index_cast %swap3A_403 : i32 to index
      %swap3A_405 = arith.index_cast %mul3A_402 : i32 to index
      %swap3A_406 = tpu.vector_load %arg9[%swap3A_404, %swap3A_405] {strides = array<i32>} : memref<48x256xf32, #tpu.memory_space<vmem>>, vector<16xf32>,
      tpu.vector_store %arg9[%swap3A_404, %swap3A_405], %gather3A_400 {strides = array<i32>} : memref<48x256xf32, #tpu.memory_space<vmem>>, vector<16xf32>,
      %add3A_407 = arith.constant 8192 : i32
      %add3A_408 = vector.broadcast %add3A_407 : i32 to vector<16xi32>
      %add3A_409 = arith.addi %get3A_399, %add3A_408 : vector<16xi32>
      %gather3A_410 = tpu.vector_load_idx %arg6[%add3A_409] : memref<24576xf32, #tpu.memory_space<vmem>>[vector<16xi32>], vector<16xf32>,
      %mul3A_411 = arith.constant 16 : i32
      %mul3A_412 = arith.muli %add3A_264, %mul3A_411 : i32
      %swap3A_413 = arith.constant 13 : i32
      %swap3A_414 = arith.index_cast %swap3A_413 : i32 to index
      %swap3A_415 = arith.index_cast %mul3A_412 : i32 to index
      %swap3A_416 = tpu.vector_load %arg9[%swap3A_414, %swap3A_415] {strides = array<i32>} : memref<48x256xf32, #tpu.memory_space<vmem>>, vector<16xf32>,
      tpu.vector_store %arg9[%swap3A_414, %swap3A_415], %gather3A_410 {strides = array<i32>} : memref<48x256xf32, #tpu.memory_space<vmem>>, vector<16xf32>,
      %add3A_417 = arith.constant 16384 : i32
      %add3A_418 = vector.broadcast %add3A_417 : i32 to vector<16xi32>
      %add3A_419 = arith.addi %get3A_399, %add3A_418 : vector<16xi32>
      %gather3A_420 = tpu.vector_load_idx %arg6[%add3A_419] : memref<24576xf32, #tpu.memory_space<vmem>>[vector<16xi32>], vector<16xf32>,
      %mul3A_421 = arith.constant 16 : i32
      %mul3A_422 = arith.muli %add3A_264, %mul3A_421 : i32
      %swap3A_423 = arith.constant 14 : i32
      %swap3A_424 = arith.index_cast %swap3A_423 : i32 to index
      %swap3A_425 = arith.index_cast %mul3A_422 : i32 to index
      %swap3A_426 = tpu.vector_load %arg9[%swap3A_424, %swap3A_425] {strides = array<i32>} : memref<48x256xf32, #tpu.memory_space<vmem>>, vector<16xf32>,
      tpu.vector_store %arg9[%swap3A_424, %swap3A_425], %gather3A_420 {strides = array<i32>} : memref<48x256xf32, #tpu.memory_space<vmem>>, vector<16xf32>,
      %mul3A_427 = arith.constant 16 : i32
      %mul3A_428 = arith.muli %add3A_264, %mul3A_427 : i32
      %get3A_429 = arith.constant 5 : i32
      %get3A_430 = arith.index_cast %get3A_429 : i32 to index
      %get3A_431 = arith.index_cast %mul3A_428 : i32 to index
      %get3A_432 = tpu.vector_load %arg8[%get3A_430, %get3A_431] {strides = array<i32>} : memref<16x256xi32, #tpu.memory_space<vmem>>, vector<16xi32>,
      %gather3A_433 = tpu.vector_load_idx %arg6[%get3A_432] : memref<24576xf32, #tpu.memory_space<vmem>>[vector<16xi32>], vector<16xf32>,
      %mul3A_434 = arith.constant 16 : i32
      %mul3A_435 = arith.muli %add3A_264, %mul3A_434 : i32
      %swap3A_436 = arith.constant 15 : i32
      %swap3A_437 = arith.index_cast %swap3A_436 : i32 to index
      %swap3A_438 = arith.index_cast %mul3A_435 : i32 to index
      %swap3A_439 = tpu.vector_load %arg9[%swap3A_437, %swap3A_438] {strides = array<i32>} : memref<48x256xf32, #tpu.memory_space<vmem>>, vector<16xf32>,
      tpu.vector_store %arg9[%swap3A_437, %swap3A_438], %gather3A_433 {strides = array<i32>} : memref<48x256xf32, #tpu.memory_space<vmem>>, vector<16xf32>,
      %add3A_440 = arith.constant 8192 : i32
      %add3A_441 = vector.broadcast %add3A_440 : i32 to vector<16xi32>
      %add3A_442 = arith.addi %get3A_432, %add3A_441 : vector<16xi32>
      %gather3A_443 = tpu.vector_load_idx %arg6[%add3A_442] : memref<24576xf32, #tpu.memory_space<vmem>>[vector<16xi32>], vector<16xf32>,
      %mul3A_444 = arith.constant 16 : i32
      %mul3A_445 = arith.muli %add3A_264, %mul3A_444 : i32
      %swap3A_446 = arith.constant 16 : i32
      %swap3A_447 = arith.index_cast %swap3A_446 : i32 to index
      %swap3A_448 = arith.index_cast %mul3A_445 : i32 to index
      %swap3A_449 = tpu.vector_load %arg9[%swap3A_447, %swap3A_448] {strides = array<i32>} : memref<48x256xf32, #tpu.memory_space<vmem>>, vector<16xf32>,
      tpu.vector_store %arg9[%swap3A_447, %swap3A_448], %gather3A_443 {strides = array<i32>} : memref<48x256xf32, #tpu.memory_space<vmem>>, vector<16xf32>,
      %add3A_450 = arith.constant 16384 : i32
      %add3A_451 = vector.broadcast %add3A_450 : i32 to vector<16xi32>
      %add3A_452 = arith.addi %get3A_432, %add3A_451 : vector<16xi32>
      %gather3A_453 = tpu.vector_load_idx %arg6[%add3A_452] : memref<24576xf32, #tpu.memory_space<vmem>>[vector<16xi32>], vector<16xf32>,
      %mul3A_454 = arith.constant 16 : i32
      %mul3A_455 = arith.muli %add3A_264, %mul3A_454 : i32
      %swap3A_456 = arith.constant 17 : i32
      %swap3A_457 = arith.index_cast %swap3A_456 : i32 to index
      %swap3A_458 = arith.index_cast %mul3A_455 : i32 to index
      %swap3A_459 = tpu.vector_load %arg9[%swap3A_457, %swap3A_458] {strides = array<i32>} : memref<48x256xf32, #tpu.memory_space<vmem>>, vector<16xf32>,
      tpu.vector_store %arg9[%swap3A_457, %swap3A_458], %gather3A_453 {strides = array<i32>} : memref<48x256xf32, #tpu.memory_space<vmem>>, vector<16xf32>,
      %mul3A_460 = arith.constant 16 : i32
      %mul3A_461 = arith.muli %add3A_264, %mul3A_460 : i32
      %get3A_462 = arith.constant 6 : i32
      %get3A_463 = arith.index_cast %get3A_462 : i32 to index
      %get3A_464 = arith.index_cast %mul3A_461 : i32 to index
      %get3A_465 = tpu.vector_load %arg8[%get3A_463, %get3A_464] {strides = array<i32>} : memref<16x256xi32, #tpu.memory_space<vmem>>, vector<16xi32>,
      %gather3A_466 = tpu.vector_load_idx %arg6[%get3A_465] : memref<24576xf32, #tpu.memory_space<vmem>>[vector<16xi32>], vector<16xf32>,
      %mul3A_467 = arith.constant 16 : i32
      %mul3A_468 = arith.muli %add3A_264, %mul3A_467 : i32
      %swap3A_469 = arith.constant 18 : i32
      %swap3A_470 = arith.index_cast %swap3A_469 : i32 to index
      %swap3A_471 = arith.index_cast %mul3A_468 : i32 to index
      %swap3A_472 = tpu.vector_load %arg9[%swap3A_470, %swap3A_471] {strides = array<i32>} : memref<48x256xf32, #tpu.memory_space<vmem>>, vector<16xf32>,
      tpu.vector_store %arg9[%swap3A_470, %swap3A_471], %gather3A_466 {strides = array<i32>} : memref<48x256xf32, #tpu.memory_space<vmem>>, vector<16xf32>,
      %add3A_473 = arith.constant 8192 : i32
      %add3A_474 = vector.broadcast %add3A_473 : i32 to vector<16xi32>
      %add3A_475 = arith.addi %get3A_465, %add3A_474 : vector<16xi32>
      %gather3A_476 = tpu.vector_load_idx %arg6[%add3A_475] : memref<24576xf32, #tpu.memory_space<vmem>>[vector<16xi32>], vector<16xf32>,
      %mul3A_477 = arith.constant 16 : i32
      %mul3A_478 = arith.muli %add3A_264, %mul3A_477 : i32
      %swap3A_479 = arith.constant 19 : i32
      %swap3A_480 = arith.index_cast %swap3A_479 : i32 to index
      %swap3A_481 = arith.index_cast %mul3A_478 : i32 to index
      %swap3A_482 = tpu.vector_load %arg9[%swap3A_480, %swap3A_481] {strides = array<i32>} : memref<48x256xf32, #tpu.memory_space<vmem>>, vector<16xf32>,
      tpu.vector_store %arg9[%swap3A_480, %swap3A_481], %gather3A_476 {strides = array<i32>} : memref<48x256xf32, #tpu.memory_space<vmem>>, vector<16xf32>,
      %add3A_483 = arith.constant 16384 : i32
      %add3A_484 = vector.broadcast %add3A_483 : i32 to vector<16xi32>
      %add3A_485 = arith.addi %get3A_465, %add3A_484 : vector<16xi32>
      %gather3A_486 = tpu.vector_load_idx %arg6[%add3A_485] : memref<24576xf32, #tpu.memory_space<vmem>>[vector<16xi32>], vector<16xf32>,
      %mul3A_487 = arith.constant 16 : i32
      %mul3A_488 = arith.muli %add3A_264, %mul3A_487 : i32
      %swap3A_489 = arith.constant 20 : i32
      %swap3A_490 = arith.index_cast %swap3A_489 : i32 to index
      %swap3A_491 = arith.index_cast %mul3A_488 : i32 to index
      %swap3A_492 = tpu.vector_load %arg9[%swap3A_490, %swap3A_491] {strides = array<i32>} : memref<48x256xf32, #tpu.memory_space<vmem>>, vector<16xf32>,
      tpu.vector_store %arg9[%swap3A_490, %swap3A_491], %gather3A_486 {strides = array<i32>} : memref<48x256xf32, #tpu.memory_space<vmem>>, vector<16xf32>,
      %mul3A_493 = arith.constant 16 : i32
      %mul3A_494 = arith.muli %add3A_264, %mul3A_493 : i32
      %get3A_495 = arith.constant 7 : i32
      %get3A_496 = arith.index_cast %get3A_495 : i32 to index
      %get3A_497 = arith.index_cast %mul3A_494 : i32 to index
      %get3A_498 = tpu.vector_load %arg8[%get3A_496, %get3A_497] {strides = array<i32>} : memref<16x256xi32, #tpu.memory_space<vmem>>, vector<16xi32>,
      %gather3A_499 = tpu.vector_load_idx %arg6[%get3A_498] : memref<24576xf32, #tpu.memory_space<vmem>>[vector<16xi32>], vector<16xf32>,
      %mul3A_500 = arith.constant 16 : i32
      %mul3A_501 = arith.muli %add3A_264, %mul3A_500 : i32
      %swap3A_502 = arith.constant 21 : i32
      %swap3A_503 = arith.index_cast %swap3A_502 : i32 to index
      %swap3A_504 = arith.index_cast %mul3A_501 : i32 to index
      %swap3A_505 = tpu.vector_load %arg9[%swap3A_503, %swap3A_504] {strides = array<i32>} : memref<48x256xf32, #tpu.memory_space<vmem>>, vector<16xf32>,
      tpu.vector_store %arg9[%swap3A_503, %swap3A_504], %gather3A_499 {strides = array<i32>} : memref<48x256xf32, #tpu.memory_space<vmem>>, vector<16xf32>,
      %add3A_506 = arith.constant 8192 : i32
      %add3A_507 = vector.broadcast %add3A_506 : i32 to vector<16xi32>
      %add3A_508 = arith.addi %get3A_498, %add3A_507 : vector<16xi32>
      %gather3A_509 = tpu.vector_load_idx %arg6[%add3A_508] : memref<24576xf32, #tpu.memory_space<vmem>>[vector<16xi32>], vector<16xf32>,
      %mul3A_510 = arith.constant 16 : i32
      %mul3A_511 = arith.muli %add3A_264, %mul3A_510 : i32
      %swap3A_512 = arith.constant 22 : i32
      %swap3A_513 = arith.index_cast %swap3A_512 : i32 to index
      %swap3A_514 = arith.index_cast %mul3A_511 : i32 to index
      %swap3A_515 = tpu.vector_load %arg9[%swap3A_513, %swap3A_514] {strides = array<i32>} : memref<48x256xf32, #tpu.memory_space<vmem>>, vector<16xf32>,
      tpu.vector_store %arg9[%swap3A_513, %swap3A_514], %gather3A_509 {strides = array<i32>} : memref<48x256xf32, #tpu.memory_space<vmem>>, vector<16xf32>,
      %add3A_516 = arith.constant 16384 : i32
      %add3A_517 = vector.broadcast %add3A_516 : i32 to vector<16xi32>
      %add3A_518 = arith.addi %get3A_498, %add3A_517 : vector<16xi32>
      %gather3A_519 = tpu.vector_load_idx %arg6[%add3A_518] : memref<24576xf32, #tpu.memory_space<vmem>>[vector<16xi32>], vector<16xf32>,
      %mul3A_520 = arith.constant 16 : i32
      %mul3A_521 = arith.muli %add3A_264, %mul3A_520 : i32
      %swap3A_522 = arith.constant 23 : i32
      %swap3A_523 = arith.index_cast %swap3A_522 : i32 to index
      %swap3A_524 = arith.index_cast %mul3A_521 : i32 to index
      %swap3A_525 = tpu.vector_load %arg9[%swap3A_523, %swap3A_524] {strides = array<i32>} : memref<48x256xf32, #tpu.memory_space<vmem>>, vector<16xf32>,
      tpu.vector_store %arg9[%swap3A_523, %swap3A_524], %gather3A_519 {strides = array<i32>} : memref<48x256xf32, #tpu.memory_space<vmem>>, vector<16xf32>,
      %mul3A_526 = arith.constant 16 : i32
      %mul3A_527 = arith.muli %add3A_264, %mul3A_526 : i32
      %get3A_528 = arith.constant 8 : i32
      %get3A_529 = arith.index_cast %get3A_528 : i32 to index
      %get3A_530 = arith.index_cast %mul3A_527 : i32 to index
      %get3A_531 = tpu.vector_load %arg8[%get3A_529, %get3A_530] {strides = array<i32>} : memref<16x256xi32, #tpu.memory_space<vmem>>, vector<16xi32>,
      %gather3A_532 = tpu.vector_load_idx %arg6[%get3A_531] : memref<24576xf32, #tpu.memory_space<vmem>>[vector<16xi32>], vector<16xf32>,
      %mul3A_533 = arith.constant 16 : i32
      %mul3A_534 = arith.muli %add3A_264, %mul3A_533 : i32
      %swap3A_535 = arith.constant 24 : i32
      %swap3A_536 = arith.index_cast %swap3A_535 : i32 to index
      %swap3A_537 = arith.index_cast %mul3A_534 : i32 to index
      %swap3A_538 = tpu.vector_load %arg9[%swap3A_536, %swap3A_537] {strides = array<i32>} : memref<48x256xf32, #tpu.memory_space<vmem>>, vector<16xf32>,
      tpu.vector_store %arg9[%swap3A_536, %swap3A_537], %gather3A_532 {strides = array<i32>} : memref<48x256xf32, #tpu.memory_space<vmem>>, vector<16xf32>,
      %add3A_539 = arith.constant 8192 : i32
      %add3A_540 = vector.broadcast %add3A_539 : i32 to vector<16xi32>
      %add3A_541 = arith.addi %get3A_531, %add3A_540 : vector<16xi32>
      %gather3A_542 = tpu.vector_load_idx %arg6[%add3A_541] : memref<24576xf32, #tpu.memory_space<vmem>>[vector<16xi32>], vector<16xf32>,
      %mul3A_543 = arith.constant 16 : i32
      %mul3A_544 = arith.muli %add3A_264, %mul3A_543 : i32
      %swap3A_545 = arith.constant 25 : i32
      %swap3A_546 = arith.index_cast %swap3A_545 : i32 to index
      %swap3A_547 = arith.index_cast %mul3A_544 : i32 to index
      %swap3A_548 = tpu.vector_load %arg9[%swap3A_546, %swap3A_547] {strides = array<i32>} : memref<48x256xf32, #tpu.memory_space<vmem>>, vector<16xf32>,
      tpu.vector_store %arg9[%swap3A_546, %swap3A_547], %gather3A_542 {strides = array<i32>} : memref<48x256xf32, #tpu.memory_space<vmem>>, vector<16xf32>,
      %add3A_549 = arith.constant 16384 : i32
      %add3A_550 = vector.broadcast %add3A_549 : i32 to vector<16xi32>
      %add3A_551 = arith.addi %get3A_531, %add3A_550 : vector<16xi32>
      %gather3A_552 = tpu.vector_load_idx %arg6[%add3A_551] : memref<24576xf32, #tpu.memory_space<vmem>>[vector<16xi32>], vector<16xf32>,
      %mul3A_553 = arith.constant 16 : i32
      %mul3A_554 = arith.muli %add3A_264, %mul3A_553 : i32
      %swap3A_555 = arith.constant 26 : i32
      %swap3A_556 = arith.index_cast %swap3A_555 : i32 to index
      %swap3A_557 = arith.index_cast %mul3A_554 : i32 to index
      %swap3A_558 = tpu.vector_load %arg9[%swap3A_556, %swap3A_557] {strides = array<i32>} : memref<48x256xf32, #tpu.memory_space<vmem>>, vector<16xf32>,
      tpu.vector_store %arg9[%swap3A_556, %swap3A_557], %gather3A_552 {strides = array<i32>} : memref<48x256xf32, #tpu.memory_space<vmem>>, vector<16xf32>,
      %mul3A_559 = arith.constant 16 : i32
      %mul3A_560 = arith.muli %add3A_264, %mul3A_559 : i32
      %get3A_561 = arith.constant 9 : i32
      %get3A_562 = arith.index_cast %get3A_561 : i32 to index
      %get3A_563 = arith.index_cast %mul3A_560 : i32 to index
      %get3A_564 = tpu.vector_load %arg8[%get3A_562, %get3A_563] {strides = array<i32>} : memref<16x256xi32, #tpu.memory_space<vmem>>, vector<16xi32>,
      %gather3A_565 = tpu.vector_load_idx %arg6[%get3A_564] : memref<24576xf32, #tpu.memory_space<vmem>>[vector<16xi32>], vector<16xf32>,
      %mul3A_566 = arith.constant 16 : i32
      %mul3A_567 = arith.muli %add3A_264, %mul3A_566 : i32
      %swap3A_568 = arith.constant 27 : i32
      %swap3A_569 = arith.index_cast %swap3A_568 : i32 to index
      %swap3A_570 = arith.index_cast %mul3A_567 : i32 to index
      %swap3A_571 = tpu.vector_load %arg9[%swap3A_569, %swap3A_570] {strides = array<i32>} : memref<48x256xf32, #tpu.memory_space<vmem>>, vector<16xf32>,
      tpu.vector_store %arg9[%swap3A_569, %swap3A_570], %gather3A_565 {strides = array<i32>} : memref<48x256xf32, #tpu.memory_space<vmem>>, vector<16xf32>,
      %add3A_572 = arith.constant 8192 : i32
      %add3A_573 = vector.broadcast %add3A_572 : i32 to vector<16xi32>
      %add3A_574 = arith.addi %get3A_564, %add3A_573 : vector<16xi32>
      %gather3A_575 = tpu.vector_load_idx %arg6[%add3A_574] : memref<24576xf32, #tpu.memory_space<vmem>>[vector<16xi32>], vector<16xf32>,
      %mul3A_576 = arith.constant 16 : i32
      %mul3A_577 = arith.muli %add3A_264, %mul3A_576 : i32
      %swap3A_578 = arith.constant 28 : i32
      %swap3A_579 = arith.index_cast %swap3A_578 : i32 to index
      %swap3A_580 = arith.index_cast %mul3A_577 : i32 to index
      %swap3A_581 = tpu.vector_load %arg9[%swap3A_579, %swap3A_580] {strides = array<i32>} : memref<48x256xf32, #tpu.memory_space<vmem>>, vector<16xf32>,
      tpu.vector_store %arg9[%swap3A_579, %swap3A_580], %gather3A_575 {strides = array<i32>} : memref<48x256xf32, #tpu.memory_space<vmem>>, vector<16xf32>,
      %add3A_582 = arith.constant 16384 : i32
      %add3A_583 = vector.broadcast %add3A_582 : i32 to vector<16xi32>
      %add3A_584 = arith.addi %get3A_564, %add3A_583 : vector<16xi32>
      %gather3A_585 = tpu.vector_load_idx %arg6[%add3A_584] : memref<24576xf32, #tpu.memory_space<vmem>>[vector<16xi32>], vector<16xf32>,
      %mul3A_586 = arith.constant 16 : i32
      %mul3A_587 = arith.muli %add3A_264, %mul3A_586 : i32
      %swap3A_588 = arith.constant 29 : i32
      %swap3A_589 = arith.index_cast %swap3A_588 : i32 to index
      %swap3A_590 = arith.index_cast %mul3A_587 : i32 to index
      %swap3A_591 = tpu.vector_load %arg9[%swap3A_589, %swap3A_590] {strides = array<i32>} : memref<48x256xf32, #tpu.memory_space<vmem>>, vector<16xf32>,
      tpu.vector_store %arg9[%swap3A_589, %swap3A_590], %gather3A_585 {strides = array<i32>} : memref<48x256xf32, #tpu.memory_space<vmem>>, vector<16xf32>,
      %mul3A_592 = arith.constant 16 : i32
      %mul3A_593 = arith.muli %add3A_264, %mul3A_592 : i32
      %get3A_594 = arith.constant 10 : i32
      %get3A_595 = arith.index_cast %get3A_594 : i32 to index
      %get3A_596 = arith.index_cast %mul3A_593 : i32 to index
      %get3A_597 = tpu.vector_load %arg8[%get3A_595, %get3A_596] {strides = array<i32>} : memref<16x256xi32, #tpu.memory_space<vmem>>, vector<16xi32>,
      %gather3A_598 = tpu.vector_load_idx %arg6[%get3A_597] : memref<24576xf32, #tpu.memory_space<vmem>>[vector<16xi32>], vector<16xf32>,
      %mul3A_599 = arith.constant 16 : i32
      %mul3A_600 = arith.muli %add3A_264, %mul3A_599 : i32
      %swap3A_601 = arith.constant 30 : i32
      %swap3A_602 = arith.index_cast %swap3A_601 : i32 to index
      %swap3A_603 = arith.index_cast %mul3A_600 : i32 to index
      %swap3A_604 = tpu.vector_load %arg9[%swap3A_602, %swap3A_603] {strides = array<i32>} : memref<48x256xf32, #tpu.memory_space<vmem>>, vector<16xf32>,
      tpu.vector_store %arg9[%swap3A_602, %swap3A_603], %gather3A_598 {strides = array<i32>} : memref<48x256xf32, #tpu.memory_space<vmem>>, vector<16xf32>,
      %add3A_605 = arith.constant 8192 : i32
      %add3A_606 = vector.broadcast %add3A_605 : i32 to vector<16xi32>
      %add3A_607 = arith.addi %get3A_597, %add3A_606 : vector<16xi32>
      %gather3A_608 = tpu.vector_load_idx %arg6[%add3A_607] : memref<24576xf32, #tpu.memory_space<vmem>>[vector<16xi32>], vector<16xf32>,
      %mul3A_609 = arith.constant 16 : i32
      %mul3A_610 = arith.muli %add3A_264, %mul3A_609 : i32
      %swap3A_611 = arith.constant 31 : i32
      %swap3A_612 = arith.index_cast %swap3A_611 : i32 to index
      %swap3A_613 = arith.index_cast %mul3A_610 : i32 to index
      %swap3A_614 = tpu.vector_load %arg9[%swap3A_612, %swap3A_613] {strides = array<i32>} : memref<48x256xf32, #tpu.memory_space<vmem>>, vector<16xf32>,
      tpu.vector_store %arg9[%swap3A_612, %swap3A_613], %gather3A_608 {strides = array<i32>} : memref<48x256xf32, #tpu.memory_space<vmem>>, vector<16xf32>,
      %add3A_615 = arith.constant 16384 : i32
      %add3A_616 = vector.broadcast %add3A_615 : i32 to vector<16xi32>
      %add3A_617 = arith.addi %get3A_597, %add3A_616 : vector<16xi32>
      %gather3A_618 = tpu.vector_load_idx %arg6[%add3A_617] : memref<24576xf32, #tpu.memory_space<vmem>>[vector<16xi32>], vector<16xf32>,
      %mul3A_619 = arith.constant 16 : i32
      %mul3A_620 = arith.muli %add3A_264, %mul3A_619 : i32
      %swap3A_621 = arith.constant 32 : i32
      %swap3A_622 = arith.index_cast %swap3A_621 : i32 to index
      %swap3A_623 = arith.index_cast %mul3A_620 : i32 to index
      %swap3A_624 = tpu.vector_load %arg9[%swap3A_622, %swap3A_623] {strides = array<i32>} : memref<48x256xf32, #tpu.memory_space<vmem>>, vector<16xf32>,
      tpu.vector_store %arg9[%swap3A_622, %swap3A_623], %gather3A_618 {strides = array<i32>} : memref<48x256xf32, #tpu.memory_space<vmem>>, vector<16xf32>,
      %mul3A_625 = arith.constant 16 : i32
      %mul3A_626 = arith.muli %add3A_264, %mul3A_625 : i32
      %get3A_627 = arith.constant 11 : i32
      %get3A_628 = arith.index_cast %get3A_627 : i32 to index
      %get3A_629 = arith.index_cast %mul3A_626 : i32 to index
      %get3A_630 = tpu.vector_load %arg8[%get3A_628, %get3A_629] {strides = array<i32>} : memref<16x256xi32, #tpu.memory_space<vmem>>, vector<16xi32>,
      %gather3A_631 = tpu.vector_load_idx %arg6[%get3A_630] : memref<24576xf32, #tpu.memory_space<vmem>>[vector<16xi32>], vector<16xf32>,
      %mul3A_632 = arith.constant 16 : i32
      %mul3A_633 = arith.muli %add3A_264, %mul3A_632 : i32
      %swap3A_634 = arith.constant 33 : i32
      %swap3A_635 = arith.index_cast %swap3A_634 : i32 to index
      %swap3A_636 = arith.index_cast %mul3A_633 : i32 to index
      %swap3A_637 = tpu.vector_load %arg9[%swap3A_635, %swap3A_636] {strides = array<i32>} : memref<48x256xf32, #tpu.memory_space<vmem>>, vector<16xf32>,
      tpu.vector_store %arg9[%swap3A_635, %swap3A_636], %gather3A_631 {strides = array<i32>} : memref<48x256xf32, #tpu.memory_space<vmem>>, vector<16xf32>,
      %add3A_638 = arith.constant 8192 : i32
      %add3A_639 = vector.broadcast %add3A_638 : i32 to vector<16xi32>
      %add3A_640 = arith.addi %get3A_630, %add3A_639 : vector<16xi32>
      %gather3A_641 = tpu.vector_load_idx %arg6[%add3A_640] : memref<24576xf32, #tpu.memory_space<vmem>>[vector<16xi32>], vector<16xf32>,
      %mul3A_642 = arith.constant 16 : i32
      %mul3A_643 = arith.muli %add3A_264, %mul3A_642 : i32
      %swap3A_644 = arith.constant 34 : i32
      %swap3A_645 = arith.index_cast %swap3A_644 : i32 to index
      %swap3A_646 = arith.index_cast %mul3A_643 : i32 to index
      %swap3A_647 = tpu.vector_load %arg9[%swap3A_645, %swap3A_646] {strides = array<i32>} : memref<48x256xf32, #tpu.memory_space<vmem>>, vector<16xf32>,
      tpu.vector_store %arg9[%swap3A_645, %swap3A_646], %gather3A_641 {strides = array<i32>} : memref<48x256xf32, #tpu.memory_space<vmem>>, vector<16xf32>,
      %add3A_648 = arith.constant 16384 : i32
      %add3A_649 = vector.broadcast %add3A_648 : i32 to vector<16xi32>
      %add3A_650 = arith.addi %get3A_630, %add3A_649 : vector<16xi32>
      %gather3A_651 = tpu.vector_load_idx %arg6[%add3A_650] : memref<24576xf32, #tpu.memory_space<vmem>>[vector<16xi32>], vector<16xf32>,
      %mul3A_652 = arith.constant 16 : i32
      %mul3A_653 = arith.muli %add3A_264, %mul3A_652 : i32
      %swap3A_654 = arith.constant 35 : i32
      %swap3A_655 = arith.index_cast %swap3A_654 : i32 to index
      %swap3A_656 = arith.index_cast %mul3A_653 : i32 to index
      %swap3A_657 = tpu.vector_load %arg9[%swap3A_655, %swap3A_656] {strides = array<i32>} : memref<48x256xf32, #tpu.memory_space<vmem>>, vector<16xf32>,
      tpu.vector_store %arg9[%swap3A_655, %swap3A_656], %gather3A_651 {strides = array<i32>} : memref<48x256xf32, #tpu.memory_space<vmem>>, vector<16xf32>,
      %mul3A_658 = arith.constant 16 : i32
      %mul3A_659 = arith.muli %add3A_264, %mul3A_658 : i32
      %get3A_660 = arith.constant 12 : i32
      %get3A_661 = arith.index_cast %get3A_660 : i32 to index
      %get3A_662 = arith.index_cast %mul3A_659 : i32 to index
      %get3A_663 = tpu.vector_load %arg8[%get3A_661, %get3A_662] {strides = array<i32>} : memref<16x256xi32, #tpu.memory_space<vmem>>, vector<16xi32>,
      %gather3A_664 = tpu.vector_load_idx %arg6[%get3A_663] : memref<24576xf32, #tpu.memory_space<vmem>>[vector<16xi32>], vector<16xf32>,
      %mul3A_665 = arith.constant 16 : i32
      %mul3A_666 = arith.muli %add3A_264, %mul3A_665 : i32
      %swap3A_667 = arith.constant 36 : i32
      %swap3A_668 = arith.index_cast %swap3A_667 : i32 to index
      %swap3A_669 = arith.index_cast %mul3A_666 : i32 to index
      %swap3A_670 = tpu.vector_load %arg9[%swap3A_668, %swap3A_669] {strides = array<i32>} : memref<48x256xf32, #tpu.memory_space<vmem>>, vector<16xf32>,
      tpu.vector_store %arg9[%swap3A_668, %swap3A_669], %gather3A_664 {strides = array<i32>} : memref<48x256xf32, #tpu.memory_space<vmem>>, vector<16xf32>,
      %add3A_671 = arith.constant 8192 : i32
      %add3A_672 = vector.broadcast %add3A_671 : i32 to vector<16xi32>
      %add3A_673 = arith.addi %get3A_663, %add3A_672 : vector<16xi32>
      %gather3A_674 = tpu.vector_load_idx %arg6[%add3A_673] : memref<24576xf32, #tpu.memory_space<vmem>>[vector<16xi32>], vector<16xf32>,
      %mul3A_675 = arith.constant 16 : i32
      %mul3A_676 = arith.muli %add3A_264, %mul3A_675 : i32
      %swap3A_677 = arith.constant 37 : i32
      %swap3A_678 = arith.index_cast %swap3A_677 : i32 to index
      %swap3A_679 = arith.index_cast %mul3A_676 : i32 to index
      %swap3A_680 = tpu.vector_load %arg9[%swap3A_678, %swap3A_679] {strides = array<i32>} : memref<48x256xf32, #tpu.memory_space<vmem>>, vector<16xf32>,
      tpu.vector_store %arg9[%swap3A_678, %swap3A_679], %gather3A_674 {strides = array<i32>} : memref<48x256xf32, #tpu.memory_space<vmem>>, vector<16xf32>,
      %add3A_681 = arith.constant 16384 : i32
      %add3A_682 = vector.broadcast %add3A_681 : i32 to vector<16xi32>
      %add3A_683 = arith.addi %get3A_663, %add3A_682 : vector<16xi32>
      %gather3A_684 = tpu.vector_load_idx %arg6[%add3A_683] : memref<24576xf32, #tpu.memory_space<vmem>>[vector<16xi32>], vector<16xf32>,
      %mul3A_685 = arith.constant 16 : i32
      %mul3A_686 = arith.muli %add3A_264, %mul3A_685 : i32
      %swap3A_687 = arith.constant 38 : i32
      %swap3A_688 = arith.index_cast %swap3A_687 : i32 to index
      %swap3A_689 = arith.index_cast %mul3A_686 : i32 to index
      %swap3A_690 = tpu.vector_load %arg9[%swap3A_688, %swap3A_689] {strides = array<i32>} : memref<48x256xf32, #tpu.memory_space<vmem>>, vector<16xf32>,
      tpu.vector_store %arg9[%swap3A_688, %swap3A_689], %gather3A_684 {strides = array<i32>} : memref<48x256xf32, #tpu.memory_space<vmem>>, vector<16xf32>,
      %mul3A_691 = arith.constant 16 : i32
      %mul3A_692 = arith.muli %add3A_264, %mul3A_691 : i32
      %get3A_693 = arith.constant 13 : i32
      %get3A_694 = arith.index_cast %get3A_693 : i32 to index
      %get3A_695 = arith.index_cast %mul3A_692 : i32 to index
      %get3A_696 = tpu.vector_load %arg8[%get3A_694, %get3A_695] {strides = array<i32>} : memref<16x256xi32, #tpu.memory_space<vmem>>, vector<16xi32>,
      %gather3A_697 = tpu.vector_load_idx %arg6[%get3A_696] : memref<24576xf32, #tpu.memory_space<vmem>>[vector<16xi32>], vector<16xf32>,
      %mul3A_698 = arith.constant 16 : i32
      %mul3A_699 = arith.muli %add3A_264, %mul3A_698 : i32
      %swap3A_700 = arith.constant 39 : i32
      %swap3A_701 = arith.index_cast %swap3A_700 : i32 to index
      %swap3A_702 = arith.index_cast %mul3A_699 : i32 to index
      %swap3A_703 = tpu.vector_load %arg9[%swap3A_701, %swap3A_702] {strides = array<i32>} : memref<48x256xf32, #tpu.memory_space<vmem>>, vector<16xf32>,
      tpu.vector_store %arg9[%swap3A_701, %swap3A_702], %gather3A_697 {strides = array<i32>} : memref<48x256xf32, #tpu.memory_space<vmem>>, vector<16xf32>,
      %add3A_704 = arith.constant 8192 : i32
      %add3A_705 = vector.broadcast %add3A_704 : i32 to vector<16xi32>
      %add3A_706 = arith.addi %get3A_696, %add3A_705 : vector<16xi32>
      %gather3A_707 = tpu.vector_load_idx %arg6[%add3A_706] : memref<24576xf32, #tpu.memory_space<vmem>>[vector<16xi32>], vector<16xf32>,
      %mul3A_708 = arith.constant 16 : i32
      %mul3A_709 = arith.muli %add3A_264, %mul3A_708 : i32
      %swap3A_710 = arith.constant 40 : i32
      %swap3A_711 = arith.index_cast %swap3A_710 : i32 to index
      %swap3A_712 = arith.index_cast %mul3A_709 : i32 to index
      %swap3A_713 = tpu.vector_load %arg9[%swap3A_711, %swap3A_712] {strides = array<i32>} : memref<48x256xf32, #tpu.memory_space<vmem>>, vector<16xf32>,
      tpu.vector_store %arg9[%swap3A_711, %swap3A_712], %gather3A_707 {strides = array<i32>} : memref<48x256xf32, #tpu.memory_space<vmem>>, vector<16xf32>,
      %add3A_714 = arith.constant 16384 : i32
      %add3A_715 = vector.broadcast %add3A_714 : i32 to vector<16xi32>
      %add3A_716 = arith.addi %get3A_696, %add3A_715 : vector<16xi32>
      %gather3A_717 = tpu.vector_load_idx %arg6[%add3A_716] : memref<24576xf32, #tpu.memory_space<vmem>>[vector<16xi32>], vector<16xf32>,
      %mul3A_718 = arith.constant 16 : i32
      %mul3A_719 = arith.muli %add3A_264, %mul3A_718 : i32
      %swap3A_720 = arith.constant 41 : i32
      %swap3A_721 = arith.index_cast %swap3A_720 : i32 to index
      %swap3A_722 = arith.index_cast %mul3A_719 : i32 to index
      %swap3A_723 = tpu.vector_load %arg9[%swap3A_721, %swap3A_722] {strides = array<i32>} : memref<48x256xf32, #tpu.memory_space<vmem>>, vector<16xf32>,
      tpu.vector_store %arg9[%swap3A_721, %swap3A_722], %gather3A_717 {strides = array<i32>} : memref<48x256xf32, #tpu.memory_space<vmem>>, vector<16xf32>,
      %mul3A_724 = arith.constant 16 : i32
      %mul3A_725 = arith.muli %add3A_264, %mul3A_724 : i32
      %get3A_726 = arith.constant 14 : i32
      %get3A_727 = arith.index_cast %get3A_726 : i32 to index
      %get3A_728 = arith.index_cast %mul3A_725 : i32 to index
      %get3A_729 = tpu.vector_load %arg8[%get3A_727, %get3A_728] {strides = array<i32>} : memref<16x256xi32, #tpu.memory_space<vmem>>, vector<16xi32>,
      %gather3A_730 = tpu.vector_load_idx %arg6[%get3A_729] : memref<24576xf32, #tpu.memory_space<vmem>>[vector<16xi32>], vector<16xf32>,
      %mul3A_731 = arith.constant 16 : i32
      %mul3A_732 = arith.muli %add3A_264, %mul3A_731 : i32
      %swap3A_733 = arith.constant 42 : i32
      %swap3A_734 = arith.index_cast %swap3A_733 : i32 to index
      %swap3A_735 = arith.index_cast %mul3A_732 : i32 to index
      %swap3A_736 = tpu.vector_load %arg9[%swap3A_734, %swap3A_735] {strides = array<i32>} : memref<48x256xf32, #tpu.memory_space<vmem>>, vector<16xf32>,
      tpu.vector_store %arg9[%swap3A_734, %swap3A_735], %gather3A_730 {strides = array<i32>} : memref<48x256xf32, #tpu.memory_space<vmem>>, vector<16xf32>,
      %add3A_737 = arith.constant 8192 : i32
      %add3A_738 = vector.broadcast %add3A_737 : i32 to vector<16xi32>
      %add3A_739 = arith.addi %get3A_729, %add3A_738 : vector<16xi32>
      %gather3A_740 = tpu.vector_load_idx %arg6[%add3A_739] : memref<24576xf32, #tpu.memory_space<vmem>>[vector<16xi32>], vector<16xf32>,
      %mul3A_741 = arith.constant 16 : i32
      %mul3A_742 = arith.muli %add3A_264, %mul3A_741 : i32
      %swap3A_743 = arith.constant 43 : i32
      %swap3A_744 = arith.index_cast %swap3A_743 : i32 to index
      %swap3A_745 = arith.index_cast %mul3A_742 : i32 to index
      %swap3A_746 = tpu.vector_load %arg9[%swap3A_744, %swap3A_745] {strides = array<i32>} : memref<48x256xf32, #tpu.memory_space<vmem>>, vector<16xf32>,
      tpu.vector_store %arg9[%swap3A_744, %swap3A_745], %gather3A_740 {strides = array<i32>} : memref<48x256xf32, #tpu.memory_space<vmem>>, vector<16xf32>,
      %add3A_747 = arith.constant 16384 : i32
      %add3A_748 = vector.broadcast %add3A_747 : i32 to vector<16xi32>
      %add3A_749 = arith.addi %get3A_729, %add3A_748 : vector<16xi32>
      %gather3A_750 = tpu.vector_load_idx %arg6[%add3A_749] : memref<24576xf32, #tpu.memory_space<vmem>>[vector<16xi32>], vector<16xf32>,
      %mul3A_751 = arith.constant 16 : i32
      %mul3A_752 = arith.muli %add3A_264, %mul3A_751 : i32
      %swap3A_753 = arith.constant 44 : i32
      %swap3A_754 = arith.index_cast %swap3A_753 : i32 to index
      %swap3A_755 = arith.index_cast %mul3A_752 : i32 to index
      %swap3A_756 = tpu.vector_load %arg9[%swap3A_754, %swap3A_755] {strides = array<i32>} : memref<48x256xf32, #tpu.memory_space<vmem>>, vector<16xf32>,
      tpu.vector_store %arg9[%swap3A_754, %swap3A_755], %gather3A_750 {strides = array<i32>} : memref<48x256xf32, #tpu.memory_space<vmem>>, vector<16xf32>,
      %mul3A_757 = arith.constant 16 : i32
      %mul3A_758 = arith.muli %add3A_264, %mul3A_757 : i32
      %get3A_759 = arith.constant 15 : i32
      %get3A_760 = arith.index_cast %get3A_759 : i32 to index
      %get3A_761 = arith.index_cast %mul3A_758 : i32 to index
      %get3A_762 = tpu.vector_load %arg8[%get3A_760, %get3A_761] {strides = array<i32>} : memref<16x256xi32, #tpu.memory_space<vmem>>, vector<16xi32>,
      %gather3A_763 = tpu.vector_load_idx %arg6[%get3A_762] : memref<24576xf32, #tpu.memory_space<vmem>>[vector<16xi32>], vector<16xf32>,
      %mul3A_764 = arith.constant 16 : i32
      %mul3A_765 = arith.muli %add3A_264, %mul3A_764 : i32
      %swap3A_766 = arith.constant 45 : i32
      %swap3A_767 = arith.index_cast %swap3A_766 : i32 to index
      %swap3A_768 = arith.index_cast %mul3A_765 : i32 to index
      %swap3A_769 = tpu.vector_load %arg9[%swap3A_767, %swap3A_768] {strides = array<i32>} : memref<48x256xf32, #tpu.memory_space<vmem>>, vector<16xf32>,
      tpu.vector_store %arg9[%swap3A_767, %swap3A_768], %gather3A_763 {strides = array<i32>} : memref<48x256xf32, #tpu.memory_space<vmem>>, vector<16xf32>,
      %add3A_770 = arith.constant 8192 : i32
      %add3A_771 = vector.broadcast %add3A_770 : i32 to vector<16xi32>
      %add3A_772 = arith.addi %get3A_762, %add3A_771 : vector<16xi32>
      %gather3A_773 = tpu.vector_load_idx %arg6[%add3A_772] : memref<24576xf32, #tpu.memory_space<vmem>>[vector<16xi32>], vector<16xf32>,
      %mul3A_774 = arith.constant 16 : i32
      %mul3A_775 = arith.muli %add3A_264, %mul3A_774 : i32
      %swap3A_776 = arith.constant 46 : i32
      %swap3A_777 = arith.index_cast %swap3A_776 : i32 to index
      %swap3A_778 = arith.index_cast %mul3A_775 : i32 to index
      %swap3A_779 = tpu.vector_load %arg9[%swap3A_777, %swap3A_778] {strides = array<i32>} : memref<48x256xf32, #tpu.memory_space<vmem>>, vector<16xf32>,
      tpu.vector_store %arg9[%swap3A_777, %swap3A_778], %gather3A_773 {strides = array<i32>} : memref<48x256xf32, #tpu.memory_space<vmem>>, vector<16xf32>,
      %add3A_780 = arith.constant 16384 : i32
      %add3A_781 = vector.broadcast %add3A_780 : i32 to vector<16xi32>
      %add3A_782 = arith.addi %get3A_762, %add3A_781 : vector<16xi32>
      %gather3A_783 = tpu.vector_load_idx %arg6[%add3A_782] : memref<24576xf32, #tpu.memory_space<vmem>>[vector<16xi32>], vector<16xf32>,
      %mul3A_784 = arith.constant 16 : i32
      %mul3A_785 = arith.muli %add3A_264, %mul3A_784 : i32
      %swap3A_786 = arith.constant 47 : i32
      %swap3A_787 = arith.index_cast %swap3A_786 : i32 to index
      %swap3A_788 = arith.index_cast %mul3A_785 : i32 to index
      %swap3A_789 = tpu.vector_load %arg9[%swap3A_787, %swap3A_788] {strides = array<i32>} : memref<48x256xf32, #tpu.memory_space<vmem>>, vector<16xf32>,
      tpu.vector_store %arg9[%swap3A_787, %swap3A_788], %gather3A_783 {strides = array<i32>} : memref<48x256xf32, #tpu.memory_space<vmem>>, vector<16xf32>,
    }
    %scan3A_129 = arith.constant 16 : i32
    %dma_start3A_130 = arith.constant 1 : i32
    %dma_start3A_131 = arith.constant 1 : i32
    %dma_start3A_132 = arith.constant 0 : i32
    %dma_start3A_133 = tpu.memref_slice %arg4[%dma_start3A_130, %dma_start3A_132, %mul3A_2] : memref<4x48x8192xf32, #tpu.memory_space<hbm>> -> memref<1x48x256xf32, #tpu.memory_space<hbm>>
    %dma_start3A_134 = tpu.memref_squeeze %dma_start3A_133 : memref<1x48x256xf32, #tpu.memory_space<hbm>> -> memref<48x256xf32, #tpu.memory_space<hbm>>
    %dma_start3A_135 = tpu.memref_slice %arg12[%dma_start3A_131] : memref<2x!tpu.dma_semaphore, #tpu.memory_space<semaphore_mem>> -> memref<1x!tpu.dma_semaphore, #tpu.memory_space<semaphore_mem>>
    %dma_start3A_136 = tpu.memref_squeeze %dma_start3A_135 : memref<1x!tpu.dma_semaphore, #tpu.memory_space<semaphore_mem>> -> memref<!tpu.dma_semaphore, #tpu.memory_space<semaphore_mem>>
    %dma_start3A_137 = arith.constant 0 : i32
    %dma_start3A_138 = tpu.memref_slice %arg4[%dma_start3A_130, %dma_start3A_137, %mul3A_2] : memref<4x48x8192xf32, #tpu.memory_space<hbm>> -> memref<1x48x256xf32, #tpu.memory_space<hbm>>
    %dma_start3A_139 = tpu.memref_squeeze %dma_start3A_138 : memref<1x48x256xf32, #tpu.memory_space<hbm>> -> memref<48x256xf32, #tpu.memory_space<hbm>>
    tpu.enqueue_dma source(%arg9 : memref<48x256xf32, #tpu.memory_space<vmem>>) target(%dma_start3A_139 : memref<48x256xf32, #tpu.memory_space<hbm>>) target_semaphore(%dma_start3A_136 : memref<!tpu.dma_semaphore, #tpu.memory_space<semaphore_mem>>)
    %dma_start3A_140 = arith.constant 3 : i32
    %dma_start3A_141 = arith.constant 1 : i32
    %dma_start3A_142 = arith.constant 0 : i32
    %dma_start3A_143 = tpu.memref_slice %arg2[%dma_start3A_140, %dma_start3A_142] : memref<4x24576xf32, #tpu.memory_space<hbm>> -> memref<1x24576xf32, #tpu.memory_space<hbm>>
    %dma_start3A_144 = tpu.memref_squeeze %dma_start3A_143 : memref<1x24576xf32, #tpu.memory_space<hbm>> -> memref<24576xf32, #tpu.memory_space<hbm>>
    %dma_start3A_145 = tpu.memref_slice %arg10[%dma_start3A_141] : memref<2x!tpu.dma_semaphore, #tpu.memory_space<semaphore_mem>> -> memref<1x!tpu.dma_semaphore, #tpu.memory_space<semaphore_mem>>
    %dma_start3A_146 = tpu.memref_squeeze %dma_start3A_145 : memref<1x!tpu.dma_semaphore, #tpu.memory_space<semaphore_mem>> -> memref<!tpu.dma_semaphore, #tpu.memory_space<semaphore_mem>>
    %dma_start3A_147 = arith.constant 0 : i32
    %dma_start3A_148 = tpu.memref_slice %arg2[%dma_start3A_140, %dma_start3A_147] : memref<4x24576xf32, #tpu.memory_space<hbm>> -> memref<1x24576xf32, #tpu.memory_space<hbm>>
    %dma_start3A_149 = tpu.memref_squeeze %dma_start3A_148 : memref<1x24576xf32, #tpu.memory_space<hbm>> -> memref<24576xf32, #tpu.memory_space<hbm>>
    tpu.enqueue_dma source(%dma_start3A_149 : memref<24576xf32, #tpu.memory_space<hbm>>) target(%arg6 : memref<24576xf32, #tpu.memory_space<vmem>>) target_semaphore(%dma_start3A_146 : memref<!tpu.dma_semaphore, #tpu.memory_space<semaphore_mem>>)
    %dma_start3A_150 = arith.constant 3 : i32
    %dma_start3A_151 = arith.constant 1 : i32
    %dma_start3A_152 = arith.constant 0 : i32
    %dma_start3A_153 = tpu.memref_slice %arg3[%dma_start3A_150, %dma_start3A_152, %mul3A_2] : memref<4x16x8192xi32, #tpu.memory_space<hbm>> -> memref<1x16x256xi32, #tpu.memory_space<hbm>>
    %dma_start3A_154 = tpu.memref_squeeze %dma_start3A_153 : memref<1x16x256xi32, #tpu.memory_space<hbm>> -> memref<16x256xi32, #tpu.memory_space<hbm>>
    %dma_start3A_155 = tpu.memref_slice %arg11[%dma_start3A_151] : memref<2x!tpu.dma_semaphore, #tpu.memory_space<semaphore_mem>> -> memref<1x!tpu.dma_semaphore, #tpu.memory_space<semaphore_mem>>
    %dma_start3A_156 = tpu.memref_squeeze %dma_start3A_155 : memref<1x!tpu.dma_semaphore, #tpu.memory_space<semaphore_mem>> -> memref<!tpu.dma_semaphore, #tpu.memory_space<semaphore_mem>>
    %dma_start3A_157 = arith.constant 0 : i32
    %dma_start3A_158 = tpu.memref_slice %arg3[%dma_start3A_150, %dma_start3A_157, %mul3A_2] : memref<4x16x8192xi32, #tpu.memory_space<hbm>> -> memref<1x16x256xi32, #tpu.memory_space<hbm>>
    %dma_start3A_159 = tpu.memref_squeeze %dma_start3A_158 : memref<1x16x256xi32, #tpu.memory_space<hbm>> -> memref<16x256xi32, #tpu.memory_space<hbm>>
    tpu.enqueue_dma source(%dma_start3A_159 : memref<16x256xi32, #tpu.memory_space<hbm>>) target(%arg8 : memref<16x256xi32, #tpu.memory_space<vmem>>) target_semaphore(%dma_start3A_156 : memref<!tpu.dma_semaphore, #tpu.memory_space<semaphore_mem>>)
    %dma_wait3A_160 = arith.constant 2 : i32
    %dma_wait3A_161 = arith.constant 0 : i32
    %dma_wait3A_162 = arith.constant 0 : i32
    %dma_wait3A_163 = tpu.memref_slice %arg2[%dma_wait3A_160, %dma_wait3A_162] : memref<4x24576xf32, #tpu.memory_space<hbm>> -> memref<1x24576xf32, #tpu.memory_space<hbm>>
    %dma_wait3A_164 = tpu.memref_squeeze %dma_wait3A_163 : memref<1x24576xf32, #tpu.memory_space<hbm>> -> memref<24576xf32, #tpu.memory_space<hbm>>
    %dma_wait3A_165 = tpu.memref_slice %arg10[%dma_wait3A_161] : memref<2x!tpu.dma_semaphore, #tpu.memory_space<semaphore_mem>> -> memref<1x!tpu.dma_semaphore, #tpu.memory_space<semaphore_mem>>
    %dma_wait3A_166 = tpu.memref_squeeze %dma_wait3A_165 : memref<1x!tpu.dma_semaphore, #tpu.memory_space<semaphore_mem>> -> memref<!tpu.dma_semaphore, #tpu.memory_space<semaphore_mem>>
    %dma_wait3A_167 = arith.constant 0 : i32
    %dma_wait3A_168 = tpu.memref_slice %arg2[%dma_wait3A_160, %dma_wait3A_167] : memref<4x24576xf32, #tpu.memory_space<hbm>> -> memref<1x24576xf32, #tpu.memory_space<hbm>>
    %dma_wait3A_169 = tpu.memref_squeeze %dma_wait3A_168 : memref<1x24576xf32, #tpu.memory_space<hbm>> -> memref<24576xf32, #tpu.memory_space<hbm>>
    tpu.wait_dma2 semaphore(%dma_wait3A_166 : memref<!tpu.dma_semaphore, #tpu.memory_space<semaphore_mem>>) src(%dma_wait3A_169 : memref<24576xf32, #tpu.memory_space<hbm>>) dst(%arg5 : memref<24576xf32, #tpu.memory_space<vmem>>)
    %dma_wait3A_170 = arith.constant 2 : i32
    %dma_wait3A_171 = arith.constant 0 : i32
    %dma_wait3A_172 = arith.constant 0 : i32
    %dma_wait3A_173 = tpu.memref_slice %arg3[%dma_wait3A_170, %dma_wait3A_172, %mul3A_2] : memref<4x16x8192xi32, #tpu.memory_space<hbm>> -> memref<1x16x256xi32, #tpu.memory_space<hbm>>
    %dma_wait3A_174 = tpu.memref_squeeze %dma_wait3A_173 : memref<1x16x256xi32, #tpu.memory_space<hbm>> -> memref<16x256xi32, #tpu.memory_space<hbm>>
    %dma_wait3A_175 = tpu.memref_slice %arg11[%dma_wait3A_171] : memref<2x!tpu.dma_semaphore, #tpu.memory_space<semaphore_mem>> -> memref<1x!tpu.dma_semaphore, #tpu.memory_space<semaphore_mem>>
    %dma_wait3A_176 = tpu.memref_squeeze %dma_wait3A_175 : memref<1x!tpu.dma_semaphore, #tpu.memory_space<semaphore_mem>> -> memref<!tpu.dma_semaphore, #tpu.memory_space<semaphore_mem>>
    %dma_wait3A_177 = arith.constant 0 : i32
    %dma_wait3A_178 = tpu.memref_slice %arg3[%dma_wait3A_170, %dma_wait3A_177, %mul3A_2] : memref<4x16x8192xi32, #tpu.memory_space<hbm>> -> memref<1x16x256xi32, #tpu.memory_space<hbm>>
    %dma_wait3A_179 = tpu.memref_squeeze %dma_wait3A_178 : memref<1x16x256xi32, #tpu.memory_space<hbm>> -> memref<16x256xi32, #tpu.memory_space<hbm>>
    tpu.wait_dma2 semaphore(%dma_wait3A_176 : memref<!tpu.dma_semaphore, #tpu.memory_space<semaphore_mem>>) src(%dma_wait3A_179 : memref<16x256xi32, #tpu.memory_space<hbm>>) dst(%arg7 : memref<16x256xi32, #tpu.memory_space<vmem>>)
    %dma_wait3A_180 = arith.constant 1 : i32
    %dma_wait3A_181 = arith.constant 1 : i32
    %dma_wait3A_182 = arith.constant 0 : i32
    %dma_wait3A_183 = tpu.memref_slice %arg4[%dma_wait3A_180, %dma_wait3A_182, %mul3A_2] : memref<4x48x8192xf32, #tpu.memory_space<hbm>> -> memref<1x48x256xf32, #tpu.memory_space<hbm>>
    %dma_wait3A_184 = tpu.memref_squeeze %dma_wait3A_183 : memref<1x48x256xf32, #tpu.memory_space<hbm>> -> memref<48x256xf32, #tpu.memory_space<hbm>>
    %dma_wait3A_185 = tpu.memref_slice %arg12[%dma_wait3A_181] : memref<2x!tpu.dma_semaphore, #tpu.memory_space<semaphore_mem>> -> memref<1x!tpu.dma_semaphore, #tpu.memory_space<semaphore_mem>>
    %dma_wait3A_186 = tpu.memref_squeeze %dma_wait3A_185 : memref<1x!tpu.dma_semaphore, #tpu.memory_space<semaphore_mem>> -> memref<!tpu.dma_semaphore, #tpu.memory_space<semaphore_mem>>
    %dma_wait3A_187 = arith.constant 0 : i32
    %dma_wait3A_188 = tpu.memref_slice %arg4[%dma_wait3A_180, %dma_wait3A_187, %mul3A_2] : memref<4x48x8192xf32, #tpu.memory_space<hbm>> -> memref<1x48x256xf32, #tpu.memory_space<hbm>>
    %dma_wait3A_189 = tpu.memref_squeeze %dma_wait3A_188 : memref<1x48x256xf32, #tpu.memory_space<hbm>> -> memref<48x256xf32, #tpu.memory_space<hbm>>
    tpu.wait_dma2 semaphore(%dma_wait3A_186 : memref<!tpu.dma_semaphore, #tpu.memory_space<semaphore_mem>>) src(%arg9 : memref<48x256xf32, #tpu.memory_space<vmem>>) dst(%dma_wait3A_189 : memref<48x256xf32, #tpu.memory_space<hbm>>)
    %scan3A_190 = arith.constant 0 : i32
    %scan3A_191 = arith.constant 16 : i32
    %scan3A_192 = arith.addi %scan3A_190, %scan3A_191 : i32
    %scan3A_193 = arith.constant 1 : i32
    scf.for %scan3A_260 = %scan3A_190 to %scan3A_192 step %scan3A_193  : i32 {
      %mul3A_261 = arith.constant 1 : i32
      %mul3A_262 = arith.muli %scan3A_260, %mul3A_261 : i32
      %add3A_263 = arith.constant 0 : i32
      %add3A_264 = arith.addi %add3A_263, %mul3A_262 : i32
      %mul3A_265 = arith.constant 16 : i32
      %mul3A_266 = arith.muli %add3A_264, %mul3A_265 : i32
      %get3A = arith.constant 0 : i32
      %get3A_267 = arith.index_cast %get3A : i32 to index
      %get3A_268 = arith.index_cast %mul3A_266 : i32 to index
      %get3A_269 = tpu.vector_load %arg7[%get3A_267, %get3A_268] {strides = array<i32>} : memref<16x256xi32, #tpu.memory_space<vmem>>, vector<16xi32>,
      %gather3A = tpu.vector_load_idx %arg5[%get3A_269] : memref<24576xf32, #tpu.memory_space<vmem>>[vector<16xi32>], vector<16xf32>,
      %mul3A_270 = arith.constant 16 : i32
      %mul3A_271 = arith.muli %add3A_264, %mul3A_270 : i32
      %swap3A = arith.constant 0 : i32
      %swap3A_272 = arith.index_cast %swap3A : i32 to index
      %swap3A_273 = arith.index_cast %mul3A_271 : i32 to index
      %swap3A_274 = tpu.vector_load %arg9[%swap3A_272, %swap3A_273] {strides = array<i32>} : memref<48x256xf32, #tpu.memory_space<vmem>>, vector<16xf32>,
      tpu.vector_store %arg9[%swap3A_272, %swap3A_273], %gather3A {strides = array<i32>} : memref<48x256xf32, #tpu.memory_space<vmem>>, vector<16xf32>,
      %add3A_275 = arith.constant 8192 : i32
      %add3A_276 = vector.broadcast %add3A_275 : i32 to vector<16xi32>
      %add3A_277 = arith.addi %get3A_269, %add3A_276 : vector<16xi32>
      %gather3A_278 = tpu.vector_load_idx %arg5[%add3A_277] : memref<24576xf32, #tpu.memory_space<vmem>>[vector<16xi32>], vector<16xf32>,
      %mul3A_279 = arith.constant 16 : i32
      %mul3A_280 = arith.muli %add3A_264, %mul3A_279 : i32
      %swap3A_281 = arith.constant 1 : i32
      %swap3A_282 = arith.index_cast %swap3A_281 : i32 to index
      %swap3A_283 = arith.index_cast %mul3A_280 : i32 to index
      %swap3A_284 = tpu.vector_load %arg9[%swap3A_282, %swap3A_283] {strides = array<i32>} : memref<48x256xf32, #tpu.memory_space<vmem>>, vector<16xf32>,
      tpu.vector_store %arg9[%swap3A_282, %swap3A_283], %gather3A_278 {strides = array<i32>} : memref<48x256xf32, #tpu.memory_space<vmem>>, vector<16xf32>,
      %add3A_285 = arith.constant 16384 : i32
      %add3A_286 = vector.broadcast %add3A_285 : i32 to vector<16xi32>
      %add3A_287 = arith.addi %get3A_269, %add3A_286 : vector<16xi32>
      %gather3A_288 = tpu.vector_load_idx %arg5[%add3A_287] : memref<24576xf32, #tpu.memory_space<vmem>>[vector<16xi32>], vector<16xf32>,
      %mul3A_289 = arith.constant 16 : i32
      %mul3A_290 = arith.muli %add3A_264, %mul3A_289 : i32
      %swap3A_291 = arith.constant 2 : i32
      %swap3A_292 = arith.index_cast %swap3A_291 : i32 to index
      %swap3A_293 = arith.index_cast %mul3A_290 : i32 to index
      %swap3A_294 = tpu.vector_load %arg9[%swap3A_292, %swap3A_293] {strides = array<i32>} : memref<48x256xf32, #tpu.memory_space<vmem>>, vector<16xf32>,
      tpu.vector_store %arg9[%swap3A_292, %swap3A_293], %gather3A_288 {strides = array<i32>} : memref<48x256xf32, #tpu.memory_space<vmem>>, vector<16xf32>,
      %mul3A_295 = arith.constant 16 : i32
      %mul3A_296 = arith.muli %add3A_264, %mul3A_295 : i32
      %get3A_297 = arith.constant 1 : i32
      %get3A_298 = arith.index_cast %get3A_297 : i32 to index
      %get3A_299 = arith.index_cast %mul3A_296 : i32 to index
      %get3A_300 = tpu.vector_load %arg7[%get3A_298, %get3A_299] {strides = array<i32>} : memref<16x256xi32, #tpu.memory_space<vmem>>, vector<16xi32>,
      %gather3A_301 = tpu.vector_load_idx %arg5[%get3A_300] : memref<24576xf32, #tpu.memory_space<vmem>>[vector<16xi32>], vector<16xf32>,
      %mul3A_302 = arith.constant 16 : i32
      %mul3A_303 = arith.muli %add3A_264, %mul3A_302 : i32
      %swap3A_304 = arith.constant 3 : i32
      %swap3A_305 = arith.index_cast %swap3A_304 : i32 to index
      %swap3A_306 = arith.index_cast %mul3A_303 : i32 to index
      %swap3A_307 = tpu.vector_load %arg9[%swap3A_305, %swap3A_306] {strides = array<i32>} : memref<48x256xf32, #tpu.memory_space<vmem>>, vector<16xf32>,
      tpu.vector_store %arg9[%swap3A_305, %swap3A_306], %gather3A_301 {strides = array<i32>} : memref<48x256xf32, #tpu.memory_space<vmem>>, vector<16xf32>,
      %add3A_308 = arith.constant 8192 : i32
      %add3A_309 = vector.broadcast %add3A_308 : i32 to vector<16xi32>
      %add3A_310 = arith.addi %get3A_300, %add3A_309 : vector<16xi32>
      %gather3A_311 = tpu.vector_load_idx %arg5[%add3A_310] : memref<24576xf32, #tpu.memory_space<vmem>>[vector<16xi32>], vector<16xf32>,
      %mul3A_312 = arith.constant 16 : i32
      %mul3A_313 = arith.muli %add3A_264, %mul3A_312 : i32
      %swap3A_314 = arith.constant 4 : i32
      %swap3A_315 = arith.index_cast %swap3A_314 : i32 to index
      %swap3A_316 = arith.index_cast %mul3A_313 : i32 to index
      %swap3A_317 = tpu.vector_load %arg9[%swap3A_315, %swap3A_316] {strides = array<i32>} : memref<48x256xf32, #tpu.memory_space<vmem>>, vector<16xf32>,
      tpu.vector_store %arg9[%swap3A_315, %swap3A_316], %gather3A_311 {strides = array<i32>} : memref<48x256xf32, #tpu.memory_space<vmem>>, vector<16xf32>,
      %add3A_318 = arith.constant 16384 : i32
      %add3A_319 = vector.broadcast %add3A_318 : i32 to vector<16xi32>
      %add3A_320 = arith.addi %get3A_300, %add3A_319 : vector<16xi32>
      %gather3A_321 = tpu.vector_load_idx %arg5[%add3A_320] : memref<24576xf32, #tpu.memory_space<vmem>>[vector<16xi32>], vector<16xf32>,
      %mul3A_322 = arith.constant 16 : i32
      %mul3A_323 = arith.muli %add3A_264, %mul3A_322 : i32
      %swap3A_324 = arith.constant 5 : i32
      %swap3A_325 = arith.index_cast %swap3A_324 : i32 to index
      %swap3A_326 = arith.index_cast %mul3A_323 : i32 to index
      %swap3A_327 = tpu.vector_load %arg9[%swap3A_325, %swap3A_326] {strides = array<i32>} : memref<48x256xf32, #tpu.memory_space<vmem>>, vector<16xf32>,
      tpu.vector_store %arg9[%swap3A_325, %swap3A_326], %gather3A_321 {strides = array<i32>} : memref<48x256xf32, #tpu.memory_space<vmem>>, vector<16xf32>,
      %mul3A_328 = arith.constant 16 : i32
      %mul3A_329 = arith.muli %add3A_264, %mul3A_328 : i32
      %get3A_330 = arith.constant 2 : i32
      %get3A_331 = arith.index_cast %get3A_330 : i32 to index
      %get3A_332 = arith.index_cast %mul3A_329 : i32 to index
      %get3A_333 = tpu.vector_load %arg7[%get3A_331, %get3A_332] {strides = array<i32>} : memref<16x256xi32, #tpu.memory_space<vmem>>, vector<16xi32>,
      %gather3A_334 = tpu.vector_load_idx %arg5[%get3A_333] : memref<24576xf32, #tpu.memory_space<vmem>>[vector<16xi32>], vector<16xf32>,
      %mul3A_335 = arith.constant 16 : i32
      %mul3A_336 = arith.muli %add3A_264, %mul3A_335 : i32
      %swap3A_337 = arith.constant 6 : i32
      %swap3A_338 = arith.index_cast %swap3A_337 : i32 to index
      %swap3A_339 = arith.index_cast %mul3A_336 : i32 to index
      %swap3A_340 = tpu.vector_load %arg9[%swap3A_338, %swap3A_339] {strides = array<i32>} : memref<48x256xf32, #tpu.memory_space<vmem>>, vector<16xf32>,
      tpu.vector_store %arg9[%swap3A_338, %swap3A_339], %gather3A_334 {strides = array<i32>} : memref<48x256xf32, #tpu.memory_space<vmem>>, vector<16xf32>,
      %add3A_341 = arith.constant 8192 : i32
      %add3A_342 = vector.broadcast %add3A_341 : i32 to vector<16xi32>
      %add3A_343 = arith.addi %get3A_333, %add3A_342 : vector<16xi32>
      %gather3A_344 = tpu.vector_load_idx %arg5[%add3A_343] : memref<24576xf32, #tpu.memory_space<vmem>>[vector<16xi32>], vector<16xf32>,
      %mul3A_345 = arith.constant 16 : i32
      %mul3A_346 = arith.muli %add3A_264, %mul3A_345 : i32
      %swap3A_347 = arith.constant 7 : i32
      %swap3A_348 = arith.index_cast %swap3A_347 : i32 to index
      %swap3A_349 = arith.index_cast %mul3A_346 : i32 to index
      %swap3A_350 = tpu.vector_load %arg9[%swap3A_348, %swap3A_349] {strides = array<i32>} : memref<48x256xf32, #tpu.memory_space<vmem>>, vector<16xf32>,
      tpu.vector_store %arg9[%swap3A_348, %swap3A_349], %gather3A_344 {strides = array<i32>} : memref<48x256xf32, #tpu.memory_space<vmem>>, vector<16xf32>,
      %add3A_351 = arith.constant 16384 : i32
      %add3A_352 = vector.broadcast %add3A_351 : i32 to vector<16xi32>
      %add3A_353 = arith.addi %get3A_333, %add3A_352 : vector<16xi32>
      %gather3A_354 = tpu.vector_load_idx %arg5[%add3A_353] : memref<24576xf32, #tpu.memory_space<vmem>>[vector<16xi32>], vector<16xf32>,
      %mul3A_355 = arith.constant 16 : i32
      %mul3A_356 = arith.muli %add3A_264, %mul3A_355 : i32
      %swap3A_357 = arith.constant 8 : i32
      %swap3A_358 = arith.index_cast %swap3A_357 : i32 to index
      %swap3A_359 = arith.index_cast %mul3A_356 : i32 to index
      %swap3A_360 = tpu.vector_load %arg9[%swap3A_358, %swap3A_359] {strides = array<i32>} : memref<48x256xf32, #tpu.memory_space<vmem>>, vector<16xf32>,
      tpu.vector_store %arg9[%swap3A_358, %swap3A_359], %gather3A_354 {strides = array<i32>} : memref<48x256xf32, #tpu.memory_space<vmem>>, vector<16xf32>,
      %mul3A_361 = arith.constant 16 : i32
      %mul3A_362 = arith.muli %add3A_264, %mul3A_361 : i32
      %get3A_363 = arith.constant 3 : i32
      %get3A_364 = arith.index_cast %get3A_363 : i32 to index
      %get3A_365 = arith.index_cast %mul3A_362 : i32 to index
      %get3A_366 = tpu.vector_load %arg7[%get3A_364, %get3A_365] {strides = array<i32>} : memref<16x256xi32, #tpu.memory_space<vmem>>, vector<16xi32>,
      %gather3A_367 = tpu.vector_load_idx %arg5[%get3A_366] : memref<24576xf32, #tpu.memory_space<vmem>>[vector<16xi32>], vector<16xf32>,
      %mul3A_368 = arith.constant 16 : i32
      %mul3A_369 = arith.muli %add3A_264, %mul3A_368 : i32
      %swap3A_370 = arith.constant 9 : i32
      %swap3A_371 = arith.index_cast %swap3A_370 : i32 to index
      %swap3A_372 = arith.index_cast %mul3A_369 : i32 to index
      %swap3A_373 = tpu.vector_load %arg9[%swap3A_371, %swap3A_372] {strides = array<i32>} : memref<48x256xf32, #tpu.memory_space<vmem>>, vector<16xf32>,
      tpu.vector_store %arg9[%swap3A_371, %swap3A_372], %gather3A_367 {strides = array<i32>} : memref<48x256xf32, #tpu.memory_space<vmem>>, vector<16xf32>,
      %add3A_374 = arith.constant 8192 : i32
      %add3A_375 = vector.broadcast %add3A_374 : i32 to vector<16xi32>
      %add3A_376 = arith.addi %get3A_366, %add3A_375 : vector<16xi32>
      %gather3A_377 = tpu.vector_load_idx %arg5[%add3A_376] : memref<24576xf32, #tpu.memory_space<vmem>>[vector<16xi32>], vector<16xf32>,
      %mul3A_378 = arith.constant 16 : i32
      %mul3A_379 = arith.muli %add3A_264, %mul3A_378 : i32
      %swap3A_380 = arith.constant 10 : i32
      %swap3A_381 = arith.index_cast %swap3A_380 : i32 to index
      %swap3A_382 = arith.index_cast %mul3A_379 : i32 to index
      %swap3A_383 = tpu.vector_load %arg9[%swap3A_381, %swap3A_382] {strides = array<i32>} : memref<48x256xf32, #tpu.memory_space<vmem>>, vector<16xf32>,
      tpu.vector_store %arg9[%swap3A_381, %swap3A_382], %gather3A_377 {strides = array<i32>} : memref<48x256xf32, #tpu.memory_space<vmem>>, vector<16xf32>,
      %add3A_384 = arith.constant 16384 : i32
      %add3A_385 = vector.broadcast %add3A_384 : i32 to vector<16xi32>
      %add3A_386 = arith.addi %get3A_366, %add3A_385 : vector<16xi32>
      %gather3A_387 = tpu.vector_load_idx %arg5[%add3A_386] : memref<24576xf32, #tpu.memory_space<vmem>>[vector<16xi32>], vector<16xf32>,
      %mul3A_388 = arith.constant 16 : i32
      %mul3A_389 = arith.muli %add3A_264, %mul3A_388 : i32
      %swap3A_390 = arith.constant 11 : i32
      %swap3A_391 = arith.index_cast %swap3A_390 : i32 to index
      %swap3A_392 = arith.index_cast %mul3A_389 : i32 to index
      %swap3A_393 = tpu.vector_load %arg9[%swap3A_391, %swap3A_392] {strides = array<i32>} : memref<48x256xf32, #tpu.memory_space<vmem>>, vector<16xf32>,
      tpu.vector_store %arg9[%swap3A_391, %swap3A_392], %gather3A_387 {strides = array<i32>} : memref<48x256xf32, #tpu.memory_space<vmem>>, vector<16xf32>,
      %mul3A_394 = arith.constant 16 : i32
      %mul3A_395 = arith.muli %add3A_264, %mul3A_394 : i32
      %get3A_396 = arith.constant 4 : i32
      %get3A_397 = arith.index_cast %get3A_396 : i32 to index
      %get3A_398 = arith.index_cast %mul3A_395 : i32 to index
      %get3A_399 = tpu.vector_load %arg7[%get3A_397, %get3A_398] {strides = array<i32>} : memref<16x256xi32, #tpu.memory_space<vmem>>, vector<16xi32>,
      %gather3A_400 = tpu.vector_load_idx %arg5[%get3A_399] : memref<24576xf32, #tpu.memory_space<vmem>>[vector<16xi32>], vector<16xf32>,
      %mul3A_401 = arith.constant 16 : i32
      %mul3A_402 = arith.muli %add3A_264, %mul3A_401 : i32
      %swap3A_403 = arith.constant 12 : i32
      %swap3A_404 = arith.index_cast %swap3A_403 : i32 to index
      %swap3A_405 = arith.index_cast %mul3A_402 : i32 to index
      %swap3A_406 = tpu.vector_load %arg9[%swap3A_404, %swap3A_405] {strides = array<i32>} : memref<48x256xf32, #tpu.memory_space<vmem>>, vector<16xf32>,
      tpu.vector_store %arg9[%swap3A_404, %swap3A_405], %gather3A_400 {strides = array<i32>} : memref<48x256xf32, #tpu.memory_space<vmem>>, vector<16xf32>,
      %add3A_407 = arith.constant 8192 : i32
      %add3A_408 = vector.broadcast %add3A_407 : i32 to vector<16xi32>
      %add3A_409 = arith.addi %get3A_399, %add3A_408 : vector<16xi32>
      %gather3A_410 = tpu.vector_load_idx %arg5[%add3A_409] : memref<24576xf32, #tpu.memory_space<vmem>>[vector<16xi32>], vector<16xf32>,
      %mul3A_411 = arith.constant 16 : i32
      %mul3A_412 = arith.muli %add3A_264, %mul3A_411 : i32
      %swap3A_413 = arith.constant 13 : i32
      %swap3A_414 = arith.index_cast %swap3A_413 : i32 to index
      %swap3A_415 = arith.index_cast %mul3A_412 : i32 to index
      %swap3A_416 = tpu.vector_load %arg9[%swap3A_414, %swap3A_415] {strides = array<i32>} : memref<48x256xf32, #tpu.memory_space<vmem>>, vector<16xf32>,
      tpu.vector_store %arg9[%swap3A_414, %swap3A_415], %gather3A_410 {strides = array<i32>} : memref<48x256xf32, #tpu.memory_space<vmem>>, vector<16xf32>,
      %add3A_417 = arith.constant 16384 : i32
      %add3A_418 = vector.broadcast %add3A_417 : i32 to vector<16xi32>
      %add3A_419 = arith.addi %get3A_399, %add3A_418 : vector<16xi32>
      %gather3A_420 = tpu.vector_load_idx %arg5[%add3A_419] : memref<24576xf32, #tpu.memory_space<vmem>>[vector<16xi32>], vector<16xf32>,
      %mul3A_421 = arith.constant 16 : i32
      %mul3A_422 = arith.muli %add3A_264, %mul3A_421 : i32
      %swap3A_423 = arith.constant 14 : i32
      %swap3A_424 = arith.index_cast %swap3A_423 : i32 to index
      %swap3A_425 = arith.index_cast %mul3A_422 : i32 to index
      %swap3A_426 = tpu.vector_load %arg9[%swap3A_424, %swap3A_425] {strides = array<i32>} : memref<48x256xf32, #tpu.memory_space<vmem>>, vector<16xf32>,
      tpu.vector_store %arg9[%swap3A_424, %swap3A_425], %gather3A_420 {strides = array<i32>} : memref<48x256xf32, #tpu.memory_space<vmem>>, vector<16xf32>,
      %mul3A_427 = arith.constant 16 : i32
      %mul3A_428 = arith.muli %add3A_264, %mul3A_427 : i32
      %get3A_429 = arith.constant 5 : i32
      %get3A_430 = arith.index_cast %get3A_429 : i32 to index
      %get3A_431 = arith.index_cast %mul3A_428 : i32 to index
      %get3A_432 = tpu.vector_load %arg7[%get3A_430, %get3A_431] {strides = array<i32>} : memref<16x256xi32, #tpu.memory_space<vmem>>, vector<16xi32>,
      %gather3A_433 = tpu.vector_load_idx %arg5[%get3A_432] : memref<24576xf32, #tpu.memory_space<vmem>>[vector<16xi32>], vector<16xf32>,
      %mul3A_434 = arith.constant 16 : i32
      %mul3A_435 = arith.muli %add3A_264, %mul3A_434 : i32
      %swap3A_436 = arith.constant 15 : i32
      %swap3A_437 = arith.index_cast %swap3A_436 : i32 to index
      %swap3A_438 = arith.index_cast %mul3A_435 : i32 to index
      %swap3A_439 = tpu.vector_load %arg9[%swap3A_437, %swap3A_438] {strides = array<i32>} : memref<48x256xf32, #tpu.memory_space<vmem>>, vector<16xf32>,
      tpu.vector_store %arg9[%swap3A_437, %swap3A_438], %gather3A_433 {strides = array<i32>} : memref<48x256xf32, #tpu.memory_space<vmem>>, vector<16xf32>,
      %add3A_440 = arith.constant 8192 : i32
      %add3A_441 = vector.broadcast %add3A_440 : i32 to vector<16xi32>
      %add3A_442 = arith.addi %get3A_432, %add3A_441 : vector<16xi32>
      %gather3A_443 = tpu.vector_load_idx %arg5[%add3A_442] : memref<24576xf32, #tpu.memory_space<vmem>>[vector<16xi32>], vector<16xf32>,
      %mul3A_444 = arith.constant 16 : i32
      %mul3A_445 = arith.muli %add3A_264, %mul3A_444 : i32
      %swap3A_446 = arith.constant 16 : i32
      %swap3A_447 = arith.index_cast %swap3A_446 : i32 to index
      %swap3A_448 = arith.index_cast %mul3A_445 : i32 to index
      %swap3A_449 = tpu.vector_load %arg9[%swap3A_447, %swap3A_448] {strides = array<i32>} : memref<48x256xf32, #tpu.memory_space<vmem>>, vector<16xf32>,
      tpu.vector_store %arg9[%swap3A_447, %swap3A_448], %gather3A_443 {strides = array<i32>} : memref<48x256xf32, #tpu.memory_space<vmem>>, vector<16xf32>,
      %add3A_450 = arith.constant 16384 : i32
      %add3A_451 = vector.broadcast %add3A_450 : i32 to vector<16xi32>
      %add3A_452 = arith.addi %get3A_432, %add3A_451 : vector<16xi32>
      %gather3A_453 = tpu.vector_load_idx %arg5[%add3A_452] : memref<24576xf32, #tpu.memory_space<vmem>>[vector<16xi32>], vector<16xf32>,
      %mul3A_454 = arith.constant 16 : i32
      %mul3A_455 = arith.muli %add3A_264, %mul3A_454 : i32
      %swap3A_456 = arith.constant 17 : i32
      %swap3A_457 = arith.index_cast %swap3A_456 : i32 to index
      %swap3A_458 = arith.index_cast %mul3A_455 : i32 to index
      %swap3A_459 = tpu.vector_load %arg9[%swap3A_457, %swap3A_458] {strides = array<i32>} : memref<48x256xf32, #tpu.memory_space<vmem>>, vector<16xf32>,
      tpu.vector_store %arg9[%swap3A_457, %swap3A_458], %gather3A_453 {strides = array<i32>} : memref<48x256xf32, #tpu.memory_space<vmem>>, vector<16xf32>,
      %mul3A_460 = arith.constant 16 : i32
      %mul3A_461 = arith.muli %add3A_264, %mul3A_460 : i32
      %get3A_462 = arith.constant 6 : i32
      %get3A_463 = arith.index_cast %get3A_462 : i32 to index
      %get3A_464 = arith.index_cast %mul3A_461 : i32 to index
      %get3A_465 = tpu.vector_load %arg7[%get3A_463, %get3A_464] {strides = array<i32>} : memref<16x256xi32, #tpu.memory_space<vmem>>, vector<16xi32>,
      %gather3A_466 = tpu.vector_load_idx %arg5[%get3A_465] : memref<24576xf32, #tpu.memory_space<vmem>>[vector<16xi32>], vector<16xf32>,
      %mul3A_467 = arith.constant 16 : i32
      %mul3A_468 = arith.muli %add3A_264, %mul3A_467 : i32
      %swap3A_469 = arith.constant 18 : i32
      %swap3A_470 = arith.index_cast %swap3A_469 : i32 to index
      %swap3A_471 = arith.index_cast %mul3A_468 : i32 to index
      %swap3A_472 = tpu.vector_load %arg9[%swap3A_470, %swap3A_471] {strides = array<i32>} : memref<48x256xf32, #tpu.memory_space<vmem>>, vector<16xf32>,
      tpu.vector_store %arg9[%swap3A_470, %swap3A_471], %gather3A_466 {strides = array<i32>} : memref<48x256xf32, #tpu.memory_space<vmem>>, vector<16xf32>,
      %add3A_473 = arith.constant 8192 : i32
      %add3A_474 = vector.broadcast %add3A_473 : i32 to vector<16xi32>
      %add3A_475 = arith.addi %get3A_465, %add3A_474 : vector<16xi32>
      %gather3A_476 = tpu.vector_load_idx %arg5[%add3A_475] : memref<24576xf32, #tpu.memory_space<vmem>>[vector<16xi32>], vector<16xf32>,
      %mul3A_477 = arith.constant 16 : i32
      %mul3A_478 = arith.muli %add3A_264, %mul3A_477 : i32
      %swap3A_479 = arith.constant 19 : i32
      %swap3A_480 = arith.index_cast %swap3A_479 : i32 to index
      %swap3A_481 = arith.index_cast %mul3A_478 : i32 to index
      %swap3A_482 = tpu.vector_load %arg9[%swap3A_480, %swap3A_481] {strides = array<i32>} : memref<48x256xf32, #tpu.memory_space<vmem>>, vector<16xf32>,
      tpu.vector_store %arg9[%swap3A_480, %swap3A_481], %gather3A_476 {strides = array<i32>} : memref<48x256xf32, #tpu.memory_space<vmem>>, vector<16xf32>,
      %add3A_483 = arith.constant 16384 : i32
      %add3A_484 = vector.broadcast %add3A_483 : i32 to vector<16xi32>
      %add3A_485 = arith.addi %get3A_465, %add3A_484 : vector<16xi32>
      %gather3A_486 = tpu.vector_load_idx %arg5[%add3A_485] : memref<24576xf32, #tpu.memory_space<vmem>>[vector<16xi32>], vector<16xf32>,
      %mul3A_487 = arith.constant 16 : i32
      %mul3A_488 = arith.muli %add3A_264, %mul3A_487 : i32
      %swap3A_489 = arith.constant 20 : i32
      %swap3A_490 = arith.index_cast %swap3A_489 : i32 to index
      %swap3A_491 = arith.index_cast %mul3A_488 : i32 to index
      %swap3A_492 = tpu.vector_load %arg9[%swap3A_490, %swap3A_491] {strides = array<i32>} : memref<48x256xf32, #tpu.memory_space<vmem>>, vector<16xf32>,
      tpu.vector_store %arg9[%swap3A_490, %swap3A_491], %gather3A_486 {strides = array<i32>} : memref<48x256xf32, #tpu.memory_space<vmem>>, vector<16xf32>,
      %mul3A_493 = arith.constant 16 : i32
      %mul3A_494 = arith.muli %add3A_264, %mul3A_493 : i32
      %get3A_495 = arith.constant 7 : i32
      %get3A_496 = arith.index_cast %get3A_495 : i32 to index
      %get3A_497 = arith.index_cast %mul3A_494 : i32 to index
      %get3A_498 = tpu.vector_load %arg7[%get3A_496, %get3A_497] {strides = array<i32>} : memref<16x256xi32, #tpu.memory_space<vmem>>, vector<16xi32>,
      %gather3A_499 = tpu.vector_load_idx %arg5[%get3A_498] : memref<24576xf32, #tpu.memory_space<vmem>>[vector<16xi32>], vector<16xf32>,
      %mul3A_500 = arith.constant 16 : i32
      %mul3A_501 = arith.muli %add3A_264, %mul3A_500 : i32
      %swap3A_502 = arith.constant 21 : i32
      %swap3A_503 = arith.index_cast %swap3A_502 : i32 to index
      %swap3A_504 = arith.index_cast %mul3A_501 : i32 to index
      %swap3A_505 = tpu.vector_load %arg9[%swap3A_503, %swap3A_504] {strides = array<i32>} : memref<48x256xf32, #tpu.memory_space<vmem>>, vector<16xf32>,
      tpu.vector_store %arg9[%swap3A_503, %swap3A_504], %gather3A_499 {strides = array<i32>} : memref<48x256xf32, #tpu.memory_space<vmem>>, vector<16xf32>,
      %add3A_506 = arith.constant 8192 : i32
      %add3A_507 = vector.broadcast %add3A_506 : i32 to vector<16xi32>
      %add3A_508 = arith.addi %get3A_498, %add3A_507 : vector<16xi32>
      %gather3A_509 = tpu.vector_load_idx %arg5[%add3A_508] : memref<24576xf32, #tpu.memory_space<vmem>>[vector<16xi32>], vector<16xf32>,
      %mul3A_510 = arith.constant 16 : i32
      %mul3A_511 = arith.muli %add3A_264, %mul3A_510 : i32
      %swap3A_512 = arith.constant 22 : i32
      %swap3A_513 = arith.index_cast %swap3A_512 : i32 to index
      %swap3A_514 = arith.index_cast %mul3A_511 : i32 to index
      %swap3A_515 = tpu.vector_load %arg9[%swap3A_513, %swap3A_514] {strides = array<i32>} : memref<48x256xf32, #tpu.memory_space<vmem>>, vector<16xf32>,
      tpu.vector_store %arg9[%swap3A_513, %swap3A_514], %gather3A_509 {strides = array<i32>} : memref<48x256xf32, #tpu.memory_space<vmem>>, vector<16xf32>,
      %add3A_516 = arith.constant 16384 : i32
      %add3A_517 = vector.broadcast %add3A_516 : i32 to vector<16xi32>
      %add3A_518 = arith.addi %get3A_498, %add3A_517 : vector<16xi32>
      %gather3A_519 = tpu.vector_load_idx %arg5[%add3A_518] : memref<24576xf32, #tpu.memory_space<vmem>>[vector<16xi32>], vector<16xf32>,
      %mul3A_520 = arith.constant 16 : i32
      %mul3A_521 = arith.muli %add3A_264, %mul3A_520 : i32
      %swap3A_522 = arith.constant 23 : i32
      %swap3A_523 = arith.index_cast %swap3A_522 : i32 to index
      %swap3A_524 = arith.index_cast %mul3A_521 : i32 to index
      %swap3A_525 = tpu.vector_load %arg9[%swap3A_523, %swap3A_524] {strides = array<i32>} : memref<48x256xf32, #tpu.memory_space<vmem>>, vector<16xf32>,
      tpu.vector_store %arg9[%swap3A_523, %swap3A_524], %gather3A_519 {strides = array<i32>} : memref<48x256xf32, #tpu.memory_space<vmem>>, vector<16xf32>,
      %mul3A_526 = arith.constant 16 : i32
      %mul3A_527 = arith.muli %add3A_264, %mul3A_526 : i32
      %get3A_528 = arith.constant 8 : i32
      %get3A_529 = arith.index_cast %get3A_528 : i32 to index
      %get3A_530 = arith.index_cast %mul3A_527 : i32 to index
      %get3A_531 = tpu.vector_load %arg7[%get3A_529, %get3A_530] {strides = array<i32>} : memref<16x256xi32, #tpu.memory_space<vmem>>, vector<16xi32>,
      %gather3A_532 = tpu.vector_load_idx %arg5[%get3A_531] : memref<24576xf32, #tpu.memory_space<vmem>>[vector<16xi32>], vector<16xf32>,
      %mul3A_533 = arith.constant 16 : i32
      %mul3A_534 = arith.muli %add3A_264, %mul3A_533 : i32
      %swap3A_535 = arith.constant 24 : i32
      %swap3A_536 = arith.index_cast %swap3A_535 : i32 to index
      %swap3A_537 = arith.index_cast %mul3A_534 : i32 to index
      %swap3A_538 = tpu.vector_load %arg9[%swap3A_536, %swap3A_537] {strides = array<i32>} : memref<48x256xf32, #tpu.memory_space<vmem>>, vector<16xf32>,
      tpu.vector_store %arg9[%swap3A_536, %swap3A_537], %gather3A_532 {strides = array<i32>} : memref<48x256xf32, #tpu.memory_space<vmem>>, vector<16xf32>,
      %add3A_539 = arith.constant 8192 : i32
      %add3A_540 = vector.broadcast %add3A_539 : i32 to vector<16xi32>
      %add3A_541 = arith.addi %get3A_531, %add3A_540 : vector<16xi32>
      %gather3A_542 = tpu.vector_load_idx %arg5[%add3A_541] : memref<24576xf32, #tpu.memory_space<vmem>>[vector<16xi32>], vector<16xf32>,
      %mul3A_543 = arith.constant 16 : i32
      %mul3A_544 = arith.muli %add3A_264, %mul3A_543 : i32
      %swap3A_545 = arith.constant 25 : i32
      %swap3A_546 = arith.index_cast %swap3A_545 : i32 to index
      %swap3A_547 = arith.index_cast %mul3A_544 : i32 to index
      %swap3A_548 = tpu.vector_load %arg9[%swap3A_546, %swap3A_547] {strides = array<i32>} : memref<48x256xf32, #tpu.memory_space<vmem>>, vector<16xf32>,
      tpu.vector_store %arg9[%swap3A_546, %swap3A_547], %gather3A_542 {strides = array<i32>} : memref<48x256xf32, #tpu.memory_space<vmem>>, vector<16xf32>,
      %add3A_549 = arith.constant 16384 : i32
      %add3A_550 = vector.broadcast %add3A_549 : i32 to vector<16xi32>
      %add3A_551 = arith.addi %get3A_531, %add3A_550 : vector<16xi32>
      %gather3A_552 = tpu.vector_load_idx %arg5[%add3A_551] : memref<24576xf32, #tpu.memory_space<vmem>>[vector<16xi32>], vector<16xf32>,
      %mul3A_553 = arith.constant 16 : i32
      %mul3A_554 = arith.muli %add3A_264, %mul3A_553 : i32
      %swap3A_555 = arith.constant 26 : i32
      %swap3A_556 = arith.index_cast %swap3A_555 : i32 to index
      %swap3A_557 = arith.index_cast %mul3A_554 : i32 to index
      %swap3A_558 = tpu.vector_load %arg9[%swap3A_556, %swap3A_557] {strides = array<i32>} : memref<48x256xf32, #tpu.memory_space<vmem>>, vector<16xf32>,
      tpu.vector_store %arg9[%swap3A_556, %swap3A_557], %gather3A_552 {strides = array<i32>} : memref<48x256xf32, #tpu.memory_space<vmem>>, vector<16xf32>,
      %mul3A_559 = arith.constant 16 : i32
      %mul3A_560 = arith.muli %add3A_264, %mul3A_559 : i32
      %get3A_561 = arith.constant 9 : i32
      %get3A_562 = arith.index_cast %get3A_561 : i32 to index
      %get3A_563 = arith.index_cast %mul3A_560 : i32 to index
      %get3A_564 = tpu.vector_load %arg7[%get3A_562, %get3A_563] {strides = array<i32>} : memref<16x256xi32, #tpu.memory_space<vmem>>, vector<16xi32>,
      %gather3A_565 = tpu.vector_load_idx %arg5[%get3A_564] : memref<24576xf32, #tpu.memory_space<vmem>>[vector<16xi32>], vector<16xf32>,
      %mul3A_566 = arith.constant 16 : i32
      %mul3A_567 = arith.muli %add3A_264, %mul3A_566 : i32
      %swap3A_568 = arith.constant 27 : i32
      %swap3A_569 = arith.index_cast %swap3A_568 : i32 to index
      %swap3A_570 = arith.index_cast %mul3A_567 : i32 to index
      %swap3A_571 = tpu.vector_load %arg9[%swap3A_569, %swap3A_570] {strides = array<i32>} : memref<48x256xf32, #tpu.memory_space<vmem>>, vector<16xf32>,
      tpu.vector_store %arg9[%swap3A_569, %swap3A_570], %gather3A_565 {strides = array<i32>} : memref<48x256xf32, #tpu.memory_space<vmem>>, vector<16xf32>,
      %add3A_572 = arith.constant 8192 : i32
      %add3A_573 = vector.broadcast %add3A_572 : i32 to vector<16xi32>
      %add3A_574 = arith.addi %get3A_564, %add3A_573 : vector<16xi32>
      %gather3A_575 = tpu.vector_load_idx %arg5[%add3A_574] : memref<24576xf32, #tpu.memory_space<vmem>>[vector<16xi32>], vector<16xf32>,
      %mul3A_576 = arith.constant 16 : i32
      %mul3A_577 = arith.muli %add3A_264, %mul3A_576 : i32
      %swap3A_578 = arith.constant 28 : i32
      %swap3A_579 = arith.index_cast %swap3A_578 : i32 to index
      %swap3A_580 = arith.index_cast %mul3A_577 : i32 to index
      %swap3A_581 = tpu.vector_load %arg9[%swap3A_579, %swap3A_580] {strides = array<i32>} : memref<48x256xf32, #tpu.memory_space<vmem>>, vector<16xf32>,
      tpu.vector_store %arg9[%swap3A_579, %swap3A_580], %gather3A_575 {strides = array<i32>} : memref<48x256xf32, #tpu.memory_space<vmem>>, vector<16xf32>,
      %add3A_582 = arith.constant 16384 : i32
      %add3A_583 = vector.broadcast %add3A_582 : i32 to vector<16xi32>
      %add3A_584 = arith.addi %get3A_564, %add3A_583 : vector<16xi32>
      %gather3A_585 = tpu.vector_load_idx %arg5[%add3A_584] : memref<24576xf32, #tpu.memory_space<vmem>>[vector<16xi32>], vector<16xf32>,
      %mul3A_586 = arith.constant 16 : i32
      %mul3A_587 = arith.muli %add3A_264, %mul3A_586 : i32
      %swap3A_588 = arith.constant 29 : i32
      %swap3A_589 = arith.index_cast %swap3A_588 : i32 to index
      %swap3A_590 = arith.index_cast %mul3A_587 : i32 to index
      %swap3A_591 = tpu.vector_load %arg9[%swap3A_589, %swap3A_590] {strides = array<i32>} : memref<48x256xf32, #tpu.memory_space<vmem>>, vector<16xf32>,
      tpu.vector_store %arg9[%swap3A_589, %swap3A_590], %gather3A_585 {strides = array<i32>} : memref<48x256xf32, #tpu.memory_space<vmem>>, vector<16xf32>,
      %mul3A_592 = arith.constant 16 : i32
      %mul3A_593 = arith.muli %add3A_264, %mul3A_592 : i32
      %get3A_594 = arith.constant 10 : i32
      %get3A_595 = arith.index_cast %get3A_594 : i32 to index
      %get3A_596 = arith.index_cast %mul3A_593 : i32 to index
      %get3A_597 = tpu.vector_load %arg7[%get3A_595, %get3A_596] {strides = array<i32>} : memref<16x256xi32, #tpu.memory_space<vmem>>, vector<16xi32>,
      %gather3A_598 = tpu.vector_load_idx %arg5[%get3A_597] : memref<24576xf32, #tpu.memory_space<vmem>>[vector<16xi32>], vector<16xf32>,
      %mul3A_599 = arith.constant 16 : i32
      %mul3A_600 = arith.muli %add3A_264, %mul3A_599 : i32
      %swap3A_601 = arith.constant 30 : i32
      %swap3A_602 = arith.index_cast %swap3A_601 : i32 to index
      %swap3A_603 = arith.index_cast %mul3A_600 : i32 to index
      %swap3A_604 = tpu.vector_load %arg9[%swap3A_602, %swap3A_603] {strides = array<i32>} : memref<48x256xf32, #tpu.memory_space<vmem>>, vector<16xf32>,
      tpu.vector_store %arg9[%swap3A_602, %swap3A_603], %gather3A_598 {strides = array<i32>} : memref<48x256xf32, #tpu.memory_space<vmem>>, vector<16xf32>,
      %add3A_605 = arith.constant 8192 : i32
      %add3A_606 = vector.broadcast %add3A_605 : i32 to vector<16xi32>
      %add3A_607 = arith.addi %get3A_597, %add3A_606 : vector<16xi32>
      %gather3A_608 = tpu.vector_load_idx %arg5[%add3A_607] : memref<24576xf32, #tpu.memory_space<vmem>>[vector<16xi32>], vector<16xf32>,
      %mul3A_609 = arith.constant 16 : i32
      %mul3A_610 = arith.muli %add3A_264, %mul3A_609 : i32
      %swap3A_611 = arith.constant 31 : i32
      %swap3A_612 = arith.index_cast %swap3A_611 : i32 to index
      %swap3A_613 = arith.index_cast %mul3A_610 : i32 to index
      %swap3A_614 = tpu.vector_load %arg9[%swap3A_612, %swap3A_613] {strides = array<i32>} : memref<48x256xf32, #tpu.memory_space<vmem>>, vector<16xf32>,
      tpu.vector_store %arg9[%swap3A_612, %swap3A_613], %gather3A_608 {strides = array<i32>} : memref<48x256xf32, #tpu.memory_space<vmem>>, vector<16xf32>,
      %add3A_615 = arith.constant 16384 : i32
      %add3A_616 = vector.broadcast %add3A_615 : i32 to vector<16xi32>
      %add3A_617 = arith.addi %get3A_597, %add3A_616 : vector<16xi32>
      %gather3A_618 = tpu.vector_load_idx %arg5[%add3A_617] : memref<24576xf32, #tpu.memory_space<vmem>>[vector<16xi32>], vector<16xf32>,
      %mul3A_619 = arith.constant 16 : i32
      %mul3A_620 = arith.muli %add3A_264, %mul3A_619 : i32
      %swap3A_621 = arith.constant 32 : i32
      %swap3A_622 = arith.index_cast %swap3A_621 : i32 to index
      %swap3A_623 = arith.index_cast %mul3A_620 : i32 to index
      %swap3A_624 = tpu.vector_load %arg9[%swap3A_622, %swap3A_623] {strides = array<i32>} : memref<48x256xf32, #tpu.memory_space<vmem>>, vector<16xf32>,
      tpu.vector_store %arg9[%swap3A_622, %swap3A_623], %gather3A_618 {strides = array<i32>} : memref<48x256xf32, #tpu.memory_space<vmem>>, vector<16xf32>,
      %mul3A_625 = arith.constant 16 : i32
      %mul3A_626 = arith.muli %add3A_264, %mul3A_625 : i32
      %get3A_627 = arith.constant 11 : i32
      %get3A_628 = arith.index_cast %get3A_627 : i32 to index
      %get3A_629 = arith.index_cast %mul3A_626 : i32 to index
      %get3A_630 = tpu.vector_load %arg7[%get3A_628, %get3A_629] {strides = array<i32>} : memref<16x256xi32, #tpu.memory_space<vmem>>, vector<16xi32>,
      %gather3A_631 = tpu.vector_load_idx %arg5[%get3A_630] : memref<24576xf32, #tpu.memory_space<vmem>>[vector<16xi32>], vector<16xf32>,
      %mul3A_632 = arith.constant 16 : i32
      %mul3A_633 = arith.muli %add3A_264, %mul3A_632 : i32
      %swap3A_634 = arith.constant 33 : i32
      %swap3A_635 = arith.index_cast %swap3A_634 : i32 to index
      %swap3A_636 = arith.index_cast %mul3A_633 : i32 to index
      %swap3A_637 = tpu.vector_load %arg9[%swap3A_635, %swap3A_636] {strides = array<i32>} : memref<48x256xf32, #tpu.memory_space<vmem>>, vector<16xf32>,
      tpu.vector_store %arg9[%swap3A_635, %swap3A_636], %gather3A_631 {strides = array<i32>} : memref<48x256xf32, #tpu.memory_space<vmem>>, vector<16xf32>,
      %add3A_638 = arith.constant 8192 : i32
      %add3A_639 = vector.broadcast %add3A_638 : i32 to vector<16xi32>
      %add3A_640 = arith.addi %get3A_630, %add3A_639 : vector<16xi32>
      %gather3A_641 = tpu.vector_load_idx %arg5[%add3A_640] : memref<24576xf32, #tpu.memory_space<vmem>>[vector<16xi32>], vector<16xf32>,
      %mul3A_642 = arith.constant 16 : i32
      %mul3A_643 = arith.muli %add3A_264, %mul3A_642 : i32
      %swap3A_644 = arith.constant 34 : i32
      %swap3A_645 = arith.index_cast %swap3A_644 : i32 to index
      %swap3A_646 = arith.index_cast %mul3A_643 : i32 to index
      %swap3A_647 = tpu.vector_load %arg9[%swap3A_645, %swap3A_646] {strides = array<i32>} : memref<48x256xf32, #tpu.memory_space<vmem>>, vector<16xf32>,
      tpu.vector_store %arg9[%swap3A_645, %swap3A_646], %gather3A_641 {strides = array<i32>} : memref<48x256xf32, #tpu.memory_space<vmem>>, vector<16xf32>,
      %add3A_648 = arith.constant 16384 : i32
      %add3A_649 = vector.broadcast %add3A_648 : i32 to vector<16xi32>
      %add3A_650 = arith.addi %get3A_630, %add3A_649 : vector<16xi32>
      %gather3A_651 = tpu.vector_load_idx %arg5[%add3A_650] : memref<24576xf32, #tpu.memory_space<vmem>>[vector<16xi32>], vector<16xf32>,
      %mul3A_652 = arith.constant 16 : i32
      %mul3A_653 = arith.muli %add3A_264, %mul3A_652 : i32
      %swap3A_654 = arith.constant 35 : i32
      %swap3A_655 = arith.index_cast %swap3A_654 : i32 to index
      %swap3A_656 = arith.index_cast %mul3A_653 : i32 to index
      %swap3A_657 = tpu.vector_load %arg9[%swap3A_655, %swap3A_656] {strides = array<i32>} : memref<48x256xf32, #tpu.memory_space<vmem>>, vector<16xf32>,
      tpu.vector_store %arg9[%swap3A_655, %swap3A_656], %gather3A_651 {strides = array<i32>} : memref<48x256xf32, #tpu.memory_space<vmem>>, vector<16xf32>,
      %mul3A_658 = arith.constant 16 : i32
      %mul3A_659 = arith.muli %add3A_264, %mul3A_658 : i32
      %get3A_660 = arith.constant 12 : i32
      %get3A_661 = arith.index_cast %get3A_660 : i32 to index
      %get3A_662 = arith.index_cast %mul3A_659 : i32 to index
      %get3A_663 = tpu.vector_load %arg7[%get3A_661, %get3A_662] {strides = array<i32>} : memref<16x256xi32, #tpu.memory_space<vmem>>, vector<16xi32>,
      %gather3A_664 = tpu.vector_load_idx %arg5[%get3A_663] : memref<24576xf32, #tpu.memory_space<vmem>>[vector<16xi32>], vector<16xf32>,
      %mul3A_665 = arith.constant 16 : i32
      %mul3A_666 = arith.muli %add3A_264, %mul3A_665 : i32
      %swap3A_667 = arith.constant 36 : i32
      %swap3A_668 = arith.index_cast %swap3A_667 : i32 to index
      %swap3A_669 = arith.index_cast %mul3A_666 : i32 to index
      %swap3A_670 = tpu.vector_load %arg9[%swap3A_668, %swap3A_669] {strides = array<i32>} : memref<48x256xf32, #tpu.memory_space<vmem>>, vector<16xf32>,
      tpu.vector_store %arg9[%swap3A_668, %swap3A_669], %gather3A_664 {strides = array<i32>} : memref<48x256xf32, #tpu.memory_space<vmem>>, vector<16xf32>,
      %add3A_671 = arith.constant 8192 : i32
      %add3A_672 = vector.broadcast %add3A_671 : i32 to vector<16xi32>
      %add3A_673 = arith.addi %get3A_663, %add3A_672 : vector<16xi32>
      %gather3A_674 = tpu.vector_load_idx %arg5[%add3A_673] : memref<24576xf32, #tpu.memory_space<vmem>>[vector<16xi32>], vector<16xf32>,
      %mul3A_675 = arith.constant 16 : i32
      %mul3A_676 = arith.muli %add3A_264, %mul3A_675 : i32
      %swap3A_677 = arith.constant 37 : i32
      %swap3A_678 = arith.index_cast %swap3A_677 : i32 to index
      %swap3A_679 = arith.index_cast %mul3A_676 : i32 to index
      %swap3A_680 = tpu.vector_load %arg9[%swap3A_678, %swap3A_679] {strides = array<i32>} : memref<48x256xf32, #tpu.memory_space<vmem>>, vector<16xf32>,
      tpu.vector_store %arg9[%swap3A_678, %swap3A_679], %gather3A_674 {strides = array<i32>} : memref<48x256xf32, #tpu.memory_space<vmem>>, vector<16xf32>,
      %add3A_681 = arith.constant 16384 : i32
      %add3A_682 = vector.broadcast %add3A_681 : i32 to vector<16xi32>
      %add3A_683 = arith.addi %get3A_663, %add3A_682 : vector<16xi32>
      %gather3A_684 = tpu.vector_load_idx %arg5[%add3A_683] : memref<24576xf32, #tpu.memory_space<vmem>>[vector<16xi32>], vector<16xf32>,
      %mul3A_685 = arith.constant 16 : i32
      %mul3A_686 = arith.muli %add3A_264, %mul3A_685 : i32
      %swap3A_687 = arith.constant 38 : i32
      %swap3A_688 = arith.index_cast %swap3A_687 : i32 to index
      %swap3A_689 = arith.index_cast %mul3A_686 : i32 to index
      %swap3A_690 = tpu.vector_load %arg9[%swap3A_688, %swap3A_689] {strides = array<i32>} : memref<48x256xf32, #tpu.memory_space<vmem>>, vector<16xf32>,
      tpu.vector_store %arg9[%swap3A_688, %swap3A_689], %gather3A_684 {strides = array<i32>} : memref<48x256xf32, #tpu.memory_space<vmem>>, vector<16xf32>,
      %mul3A_691 = arith.constant 16 : i32
      %mul3A_692 = arith.muli %add3A_264, %mul3A_691 : i32
      %get3A_693 = arith.constant 13 : i32
      %get3A_694 = arith.index_cast %get3A_693 : i32 to index
      %get3A_695 = arith.index_cast %mul3A_692 : i32 to index
      %get3A_696 = tpu.vector_load %arg7[%get3A_694, %get3A_695] {strides = array<i32>} : memref<16x256xi32, #tpu.memory_space<vmem>>, vector<16xi32>,
      %gather3A_697 = tpu.vector_load_idx %arg5[%get3A_696] : memref<24576xf32, #tpu.memory_space<vmem>>[vector<16xi32>], vector<16xf32>,
      %mul3A_698 = arith.constant 16 : i32
      %mul3A_699 = arith.muli %add3A_264, %mul3A_698 : i32
      %swap3A_700 = arith.constant 39 : i32
      %swap3A_701 = arith.index_cast %swap3A_700 : i32 to index
      %swap3A_702 = arith.index_cast %mul3A_699 : i32 to index
      %swap3A_703 = tpu.vector_load %arg9[%swap3A_701, %swap3A_702] {strides = array<i32>} : memref<48x256xf32, #tpu.memory_space<vmem>>, vector<16xf32>,
      tpu.vector_store %arg9[%swap3A_701, %swap3A_702], %gather3A_697 {strides = array<i32>} : memref<48x256xf32, #tpu.memory_space<vmem>>, vector<16xf32>,
      %add3A_704 = arith.constant 8192 : i32
      %add3A_705 = vector.broadcast %add3A_704 : i32 to vector<16xi32>
      %add3A_706 = arith.addi %get3A_696, %add3A_705 : vector<16xi32>
      %gather3A_707 = tpu.vector_load_idx %arg5[%add3A_706] : memref<24576xf32, #tpu.memory_space<vmem>>[vector<16xi32>], vector<16xf32>,
      %mul3A_708 = arith.constant 16 : i32
      %mul3A_709 = arith.muli %add3A_264, %mul3A_708 : i32
      %swap3A_710 = arith.constant 40 : i32
      %swap3A_711 = arith.index_cast %swap3A_710 : i32 to index
      %swap3A_712 = arith.index_cast %mul3A_709 : i32 to index
      %swap3A_713 = tpu.vector_load %arg9[%swap3A_711, %swap3A_712] {strides = array<i32>} : memref<48x256xf32, #tpu.memory_space<vmem>>, vector<16xf32>,
      tpu.vector_store %arg9[%swap3A_711, %swap3A_712], %gather3A_707 {strides = array<i32>} : memref<48x256xf32, #tpu.memory_space<vmem>>, vector<16xf32>,
      %add3A_714 = arith.constant 16384 : i32
      %add3A_715 = vector.broadcast %add3A_714 : i32 to vector<16xi32>
      %add3A_716 = arith.addi %get3A_696, %add3A_715 : vector<16xi32>
      %gather3A_717 = tpu.vector_load_idx %arg5[%add3A_716] : memref<24576xf32, #tpu.memory_space<vmem>>[vector<16xi32>], vector<16xf32>,
      %mul3A_718 = arith.constant 16 : i32
      %mul3A_719 = arith.muli %add3A_264, %mul3A_718 : i32
      %swap3A_720 = arith.constant 41 : i32
      %swap3A_721 = arith.index_cast %swap3A_720 : i32 to index
      %swap3A_722 = arith.index_cast %mul3A_719 : i32 to index
      %swap3A_723 = tpu.vector_load %arg9[%swap3A_721, %swap3A_722] {strides = array<i32>} : memref<48x256xf32, #tpu.memory_space<vmem>>, vector<16xf32>,
      tpu.vector_store %arg9[%swap3A_721, %swap3A_722], %gather3A_717 {strides = array<i32>} : memref<48x256xf32, #tpu.memory_space<vmem>>, vector<16xf32>,
      %mul3A_724 = arith.constant 16 : i32
      %mul3A_725 = arith.muli %add3A_264, %mul3A_724 : i32
      %get3A_726 = arith.constant 14 : i32
      %get3A_727 = arith.index_cast %get3A_726 : i32 to index
      %get3A_728 = arith.index_cast %mul3A_725 : i32 to index
      %get3A_729 = tpu.vector_load %arg7[%get3A_727, %get3A_728] {strides = array<i32>} : memref<16x256xi32, #tpu.memory_space<vmem>>, vector<16xi32>,
      %gather3A_730 = tpu.vector_load_idx %arg5[%get3A_729] : memref<24576xf32, #tpu.memory_space<vmem>>[vector<16xi32>], vector<16xf32>,
      %mul3A_731 = arith.constant 16 : i32
      %mul3A_732 = arith.muli %add3A_264, %mul3A_731 : i32
      %swap3A_733 = arith.constant 42 : i32
      %swap3A_734 = arith.index_cast %swap3A_733 : i32 to index
      %swap3A_735 = arith.index_cast %mul3A_732 : i32 to index
      %swap3A_736 = tpu.vector_load %arg9[%swap3A_734, %swap3A_735] {strides = array<i32>} : memref<48x256xf32, #tpu.memory_space<vmem>>, vector<16xf32>,
      tpu.vector_store %arg9[%swap3A_734, %swap3A_735], %gather3A_730 {strides = array<i32>} : memref<48x256xf32, #tpu.memory_space<vmem>>, vector<16xf32>,
      %add3A_737 = arith.constant 8192 : i32
      %add3A_738 = vector.broadcast %add3A_737 : i32 to vector<16xi32>
      %add3A_739 = arith.addi %get3A_729, %add3A_738 : vector<16xi32>
      %gather3A_740 = tpu.vector_load_idx %arg5[%add3A_739] : memref<24576xf32, #tpu.memory_space<vmem>>[vector<16xi32>], vector<16xf32>,
      %mul3A_741 = arith.constant 16 : i32
      %mul3A_742 = arith.muli %add3A_264, %mul3A_741 : i32
      %swap3A_743 = arith.constant 43 : i32
      %swap3A_744 = arith.index_cast %swap3A_743 : i32 to index
      %swap3A_745 = arith.index_cast %mul3A_742 : i32 to index
      %swap3A_746 = tpu.vector_load %arg9[%swap3A_744, %swap3A_745] {strides = array<i32>} : memref<48x256xf32, #tpu.memory_space<vmem>>, vector<16xf32>,
      tpu.vector_store %arg9[%swap3A_744, %swap3A_745], %gather3A_740 {strides = array<i32>} : memref<48x256xf32, #tpu.memory_space<vmem>>, vector<16xf32>,
      %add3A_747 = arith.constant 16384 : i32
      %add3A_748 = vector.broadcast %add3A_747 : i32 to vector<16xi32>
      %add3A_749 = arith.addi %get3A_729, %add3A_748 : vector<16xi32>
      %gather3A_750 = tpu.vector_load_idx %arg5[%add3A_749] : memref<24576xf32, #tpu.memory_space<vmem>>[vector<16xi32>], vector<16xf32>,
      %mul3A_751 = arith.constant 16 : i32
      %mul3A_752 = arith.muli %add3A_264, %mul3A_751 : i32
      %swap3A_753 = arith.constant 44 : i32
      %swap3A_754 = arith.index_cast %swap3A_753 : i32 to index
      %swap3A_755 = arith.index_cast %mul3A_752 : i32 to index
      %swap3A_756 = tpu.vector_load %arg9[%swap3A_754, %swap3A_755] {strides = array<i32>} : memref<48x256xf32, #tpu.memory_space<vmem>>, vector<16xf32>,
      tpu.vector_store %arg9[%swap3A_754, %swap3A_755], %gather3A_750 {strides = array<i32>} : memref<48x256xf32, #tpu.memory_space<vmem>>, vector<16xf32>,
      %mul3A_757 = arith.constant 16 : i32
      %mul3A_758 = arith.muli %add3A_264, %mul3A_757 : i32
      %get3A_759 = arith.constant 15 : i32
      %get3A_760 = arith.index_cast %get3A_759 : i32 to index
      %get3A_761 = arith.index_cast %mul3A_758 : i32 to index
      %get3A_762 = tpu.vector_load %arg7[%get3A_760, %get3A_761] {strides = array<i32>} : memref<16x256xi32, #tpu.memory_space<vmem>>, vector<16xi32>,
      %gather3A_763 = tpu.vector_load_idx %arg5[%get3A_762] : memref<24576xf32, #tpu.memory_space<vmem>>[vector<16xi32>], vector<16xf32>,
      %mul3A_764 = arith.constant 16 : i32
      %mul3A_765 = arith.muli %add3A_264, %mul3A_764 : i32
      %swap3A_766 = arith.constant 45 : i32
      %swap3A_767 = arith.index_cast %swap3A_766 : i32 to index
      %swap3A_768 = arith.index_cast %mul3A_765 : i32 to index
      %swap3A_769 = tpu.vector_load %arg9[%swap3A_767, %swap3A_768] {strides = array<i32>} : memref<48x256xf32, #tpu.memory_space<vmem>>, vector<16xf32>,
      tpu.vector_store %arg9[%swap3A_767, %swap3A_768], %gather3A_763 {strides = array<i32>} : memref<48x256xf32, #tpu.memory_space<vmem>>, vector<16xf32>,
      %add3A_770 = arith.constant 8192 : i32
      %add3A_771 = vector.broadcast %add3A_770 : i32 to vector<16xi32>
      %add3A_772 = arith.addi %get3A_762, %add3A_771 : vector<16xi32>
      %gather3A_773 = tpu.vector_load_idx %arg5[%add3A_772] : memref<24576xf32, #tpu.memory_space<vmem>>[vector<16xi32>], vector<16xf32>,
      %mul3A_774 = arith.constant 16 : i32
      %mul3A_775 = arith.muli %add3A_264, %mul3A_774 : i32
      %swap3A_776 = arith.constant 46 : i32
      %swap3A_777 = arith.index_cast %swap3A_776 : i32 to index
      %swap3A_778 = arith.index_cast %mul3A_775 : i32 to index
      %swap3A_779 = tpu.vector_load %arg9[%swap3A_777, %swap3A_778] {strides = array<i32>} : memref<48x256xf32, #tpu.memory_space<vmem>>, vector<16xf32>,
      tpu.vector_store %arg9[%swap3A_777, %swap3A_778], %gather3A_773 {strides = array<i32>} : memref<48x256xf32, #tpu.memory_space<vmem>>, vector<16xf32>,
      %add3A_780 = arith.constant 16384 : i32
      %add3A_781 = vector.broadcast %add3A_780 : i32 to vector<16xi32>
      %add3A_782 = arith.addi %get3A_762, %add3A_781 : vector<16xi32>
      %gather3A_783 = tpu.vector_load_idx %arg5[%add3A_782] : memref<24576xf32, #tpu.memory_space<vmem>>[vector<16xi32>], vector<16xf32>,
      %mul3A_784 = arith.constant 16 : i32
      %mul3A_785 = arith.muli %add3A_264, %mul3A_784 : i32
      %swap3A_786 = arith.constant 47 : i32
      %swap3A_787 = arith.index_cast %swap3A_786 : i32 to index
      %swap3A_788 = arith.index_cast %mul3A_785 : i32 to index
      %swap3A_789 = tpu.vector_load %arg9[%swap3A_787, %swap3A_788] {strides = array<i32>} : memref<48x256xf32, #tpu.memory_space<vmem>>, vector<16xf32>,
      tpu.vector_store %arg9[%swap3A_787, %swap3A_788], %gather3A_783 {strides = array<i32>} : memref<48x256xf32, #tpu.memory_space<vmem>>, vector<16xf32>,
    }
    %scan3A_194 = arith.constant 16 : i32
    %dma_start3A_195 = arith.constant 2 : i32
    %dma_start3A_196 = arith.constant 0 : i32
    %dma_start3A_197 = arith.constant 0 : i32
    %dma_start3A_198 = tpu.memref_slice %arg4[%dma_start3A_195, %dma_start3A_197, %mul3A_2] : memref<4x48x8192xf32, #tpu.memory_space<hbm>> -> memref<1x48x256xf32, #tpu.memory_space<hbm>>
    %dma_start3A_199 = tpu.memref_squeeze %dma_start3A_198 : memref<1x48x256xf32, #tpu.memory_space<hbm>> -> memref<48x256xf32, #tpu.memory_space<hbm>>
    %dma_start3A_200 = tpu.memref_slice %arg12[%dma_start3A_196] : memref<2x!tpu.dma_semaphore, #tpu.memory_space<semaphore_mem>> -> memref<1x!tpu.dma_semaphore, #tpu.memory_space<semaphore_mem>>
    %dma_start3A_201 = tpu.memref_squeeze %dma_start3A_200 : memref<1x!tpu.dma_semaphore, #tpu.memory_space<semaphore_mem>> -> memref<!tpu.dma_semaphore, #tpu.memory_space<semaphore_mem>>
    %dma_start3A_202 = arith.constant 0 : i32
    %dma_start3A_203 = tpu.memref_slice %arg4[%dma_start3A_195, %dma_start3A_202, %mul3A_2] : memref<4x48x8192xf32, #tpu.memory_space<hbm>> -> memref<1x48x256xf32, #tpu.memory_space<hbm>>
    %dma_start3A_204 = tpu.memref_squeeze %dma_start3A_203 : memref<1x48x256xf32, #tpu.memory_space<hbm>> -> memref<48x256xf32, #tpu.memory_space<hbm>>
    tpu.enqueue_dma source(%arg9 : memref<48x256xf32, #tpu.memory_space<vmem>>) target(%dma_start3A_204 : memref<48x256xf32, #tpu.memory_space<hbm>>) target_semaphore(%dma_start3A_201 : memref<!tpu.dma_semaphore, #tpu.memory_space<semaphore_mem>>)
    %dma_wait3A_205 = arith.constant 3 : i32
    %dma_wait3A_206 = arith.constant 1 : i32
    %dma_wait3A_207 = arith.constant 0 : i32
    %dma_wait3A_208 = tpu.memref_slice %arg2[%dma_wait3A_205, %dma_wait3A_207] : memref<4x24576xf32, #tpu.memory_space<hbm>> -> memref<1x24576xf32, #tpu.memory_space<hbm>>
    %dma_wait3A_209 = tpu.memref_squeeze %dma_wait3A_208 : memref<1x24576xf32, #tpu.memory_space<hbm>> -> memref<24576xf32, #tpu.memory_space<hbm>>
    %dma_wait3A_210 = tpu.memref_slice %arg10[%dma_wait3A_206] : memref<2x!tpu.dma_semaphore, #tpu.memory_space<semaphore_mem>> -> memref<1x!tpu.dma_semaphore, #tpu.memory_space<semaphore_mem>>
    %dma_wait3A_211 = tpu.memref_squeeze %dma_wait3A_210 : memref<1x!tpu.dma_semaphore, #tpu.memory_space<semaphore_mem>> -> memref<!tpu.dma_semaphore, #tpu.memory_space<semaphore_mem>>
    %dma_wait3A_212 = arith.constant 0 : i32
    %dma_wait3A_213 = tpu.memref_slice %arg2[%dma_wait3A_205, %dma_wait3A_212] : memref<4x24576xf32, #tpu.memory_space<hbm>> -> memref<1x24576xf32, #tpu.memory_space<hbm>>
    %dma_wait3A_214 = tpu.memref_squeeze %dma_wait3A_213 : memref<1x24576xf32, #tpu.memory_space<hbm>> -> memref<24576xf32, #tpu.memory_space<hbm>>
    tpu.wait_dma2 semaphore(%dma_wait3A_211 : memref<!tpu.dma_semaphore, #tpu.memory_space<semaphore_mem>>) src(%dma_wait3A_214 : memref<24576xf32, #tpu.memory_space<hbm>>) dst(%arg6 : memref<24576xf32, #tpu.memory_space<vmem>>)
    %dma_wait3A_215 = arith.constant 3 : i32
    %dma_wait3A_216 = arith.constant 1 : i32
    %dma_wait3A_217 = arith.constant 0 : i32
    %dma_wait3A_218 = tpu.memref_slice %arg3[%dma_wait3A_215, %dma_wait3A_217, %mul3A_2] : memref<4x16x8192xi32, #tpu.memory_space<hbm>> -> memref<1x16x256xi32, #tpu.memory_space<hbm>>
    %dma_wait3A_219 = tpu.memref_squeeze %dma_wait3A_218 : memref<1x16x256xi32, #tpu.memory_space<hbm>> -> memref<16x256xi32, #tpu.memory_space<hbm>>
    %dma_wait3A_220 = tpu.memref_slice %arg11[%dma_wait3A_216] : memref<2x!tpu.dma_semaphore, #tpu.memory_space<semaphore_mem>> -> memref<1x!tpu.dma_semaphore, #tpu.memory_space<semaphore_mem>>
    %dma_wait3A_221 = tpu.memref_squeeze %dma_wait3A_220 : memref<1x!tpu.dma_semaphore, #tpu.memory_space<semaphore_mem>> -> memref<!tpu.dma_semaphore, #tpu.memory_space<semaphore_mem>>
    %dma_wait3A_222 = arith.constant 0 : i32
    %dma_wait3A_223 = tpu.memref_slice %arg3[%dma_wait3A_215, %dma_wait3A_222, %mul3A_2] : memref<4x16x8192xi32, #tpu.memory_space<hbm>> -> memref<1x16x256xi32, #tpu.memory_space<hbm>>
    %dma_wait3A_224 = tpu.memref_squeeze %dma_wait3A_223 : memref<1x16x256xi32, #tpu.memory_space<hbm>> -> memref<16x256xi32, #tpu.memory_space<hbm>>
    tpu.wait_dma2 semaphore(%dma_wait3A_221 : memref<!tpu.dma_semaphore, #tpu.memory_space<semaphore_mem>>) src(%dma_wait3A_224 : memref<16x256xi32, #tpu.memory_space<hbm>>) dst(%arg8 : memref<16x256xi32, #tpu.memory_space<vmem>>)
    %dma_wait3A_225 = arith.constant 2 : i32
    %dma_wait3A_226 = arith.constant 0 : i32
    %dma_wait3A_227 = arith.constant 0 : i32
    %dma_wait3A_228 = tpu.memref_slice %arg4[%dma_wait3A_225, %dma_wait3A_227, %mul3A_2] : memref<4x48x8192xf32, #tpu.memory_space<hbm>> -> memref<1x48x256xf32, #tpu.memory_space<hbm>>
    %dma_wait3A_229 = tpu.memref_squeeze %dma_wait3A_228 : memref<1x48x256xf32, #tpu.memory_space<hbm>> -> memref<48x256xf32, #tpu.memory_space<hbm>>
    %dma_wait3A_230 = tpu.memref_slice %arg12[%dma_wait3A_226] : memref<2x!tpu.dma_semaphore, #tpu.memory_space<semaphore_mem>> -> memref<1x!tpu.dma_semaphore, #tpu.memory_space<semaphore_mem>>
    %dma_wait3A_231 = tpu.memref_squeeze %dma_wait3A_230 : memref<1x!tpu.dma_semaphore, #tpu.memory_space<semaphore_mem>> -> memref<!tpu.dma_semaphore, #tpu.memory_space<semaphore_mem>>
    %dma_wait3A_232 = arith.constant 0 : i32
    %dma_wait3A_233 = tpu.memref_slice %arg4[%dma_wait3A_225, %dma_wait3A_232, %mul3A_2] : memref<4x48x8192xf32, #tpu.memory_space<hbm>> -> memref<1x48x256xf32, #tpu.memory_space<hbm>>
    %dma_wait3A_234 = tpu.memref_squeeze %dma_wait3A_233 : memref<1x48x256xf32, #tpu.memory_space<hbm>> -> memref<48x256xf32, #tpu.memory_space<hbm>>
    tpu.wait_dma2 semaphore(%dma_wait3A_231 : memref<!tpu.dma_semaphore, #tpu.memory_space<semaphore_mem>>) src(%arg9 : memref<48x256xf32, #tpu.memory_space<vmem>>) dst(%dma_wait3A_234 : memref<48x256xf32, #tpu.memory_space<hbm>>)
    %scan3A_235 = arith.constant 0 : i32
    %scan3A_236 = arith.constant 16 : i32
    %scan3A_237 = arith.addi %scan3A_235, %scan3A_236 : i32
    %scan3A_238 = arith.constant 1 : i32
    scf.for %scan3A_260 = %scan3A_235 to %scan3A_237 step %scan3A_238  : i32 {
      %mul3A_261 = arith.constant 1 : i32
      %mul3A_262 = arith.muli %scan3A_260, %mul3A_261 : i32
      %add3A_263 = arith.constant 0 : i32
      %add3A_264 = arith.addi %add3A_263, %mul3A_262 : i32
      %mul3A_265 = arith.constant 16 : i32
      %mul3A_266 = arith.muli %add3A_264, %mul3A_265 : i32
      %get3A = arith.constant 0 : i32
      %get3A_267 = arith.index_cast %get3A : i32 to index
      %get3A_268 = arith.index_cast %mul3A_266 : i32 to index
      %get3A_269 = tpu.vector_load %arg8[%get3A_267, %get3A_268] {strides = array<i32>} : memref<16x256xi32, #tpu.memory_space<vmem>>, vector<16xi32>,
      %gather3A = tpu.vector_load_idx %arg6[%get3A_269] : memref<24576xf32, #tpu.memory_space<vmem>>[vector<16xi32>], vector<16xf32>,
      %mul3A_270 = arith.constant 16 : i32
      %mul3A_271 = arith.muli %add3A_264, %mul3A_270 : i32
      %swap3A = arith.constant 0 : i32
      %swap3A_272 = arith.index_cast %swap3A : i32 to index
      %swap3A_273 = arith.index_cast %mul3A_271 : i32 to index
      %swap3A_274 = tpu.vector_load %arg9[%swap3A_272, %swap3A_273] {strides = array<i32>} : memref<48x256xf32, #tpu.memory_space<vmem>>, vector<16xf32>,
      tpu.vector_store %arg9[%swap3A_272, %swap3A_273], %gather3A {strides = array<i32>} : memref<48x256xf32, #tpu.memory_space<vmem>>, vector<16xf32>,
      %add3A_275 = arith.constant 8192 : i32
      %add3A_276 = vector.broadcast %add3A_275 : i32 to vector<16xi32>
      %add3A_277 = arith.addi %get3A_269, %add3A_276 : vector<16xi32>
      %gather3A_278 = tpu.vector_load_idx %arg6[%add3A_277] : memref<24576xf32, #tpu.memory_space<vmem>>[vector<16xi32>], vector<16xf32>,
      %mul3A_279 = arith.constant 16 : i32
      %mul3A_280 = arith.muli %add3A_264, %mul3A_279 : i32
      %swap3A_281 = arith.constant 1 : i32
      %swap3A_282 = arith.index_cast %swap3A_281 : i32 to index
      %swap3A_283 = arith.index_cast %mul3A_280 : i32 to index
      %swap3A_284 = tpu.vector_load %arg9[%swap3A_282, %swap3A_283] {strides = array<i32>} : memref<48x256xf32, #tpu.memory_space<vmem>>, vector<16xf32>,
      tpu.vector_store %arg9[%swap3A_282, %swap3A_283], %gather3A_278 {strides = array<i32>} : memref<48x256xf32, #tpu.memory_space<vmem>>, vector<16xf32>,
      %add3A_285 = arith.constant 16384 : i32
      %add3A_286 = vector.broadcast %add3A_285 : i32 to vector<16xi32>
      %add3A_287 = arith.addi %get3A_269, %add3A_286 : vector<16xi32>
      %gather3A_288 = tpu.vector_load_idx %arg6[%add3A_287] : memref<24576xf32, #tpu.memory_space<vmem>>[vector<16xi32>], vector<16xf32>,
      %mul3A_289 = arith.constant 16 : i32
      %mul3A_290 = arith.muli %add3A_264, %mul3A_289 : i32
      %swap3A_291 = arith.constant 2 : i32
      %swap3A_292 = arith.index_cast %swap3A_291 : i32 to index
      %swap3A_293 = arith.index_cast %mul3A_290 : i32 to index
      %swap3A_294 = tpu.vector_load %arg9[%swap3A_292, %swap3A_293] {strides = array<i32>} : memref<48x256xf32, #tpu.memory_space<vmem>>, vector<16xf32>,
      tpu.vector_store %arg9[%swap3A_292, %swap3A_293], %gather3A_288 {strides = array<i32>} : memref<48x256xf32, #tpu.memory_space<vmem>>, vector<16xf32>,
      %mul3A_295 = arith.constant 16 : i32
      %mul3A_296 = arith.muli %add3A_264, %mul3A_295 : i32
      %get3A_297 = arith.constant 1 : i32
      %get3A_298 = arith.index_cast %get3A_297 : i32 to index
      %get3A_299 = arith.index_cast %mul3A_296 : i32 to index
      %get3A_300 = tpu.vector_load %arg8[%get3A_298, %get3A_299] {strides = array<i32>} : memref<16x256xi32, #tpu.memory_space<vmem>>, vector<16xi32>,
      %gather3A_301 = tpu.vector_load_idx %arg6[%get3A_300] : memref<24576xf32, #tpu.memory_space<vmem>>[vector<16xi32>], vector<16xf32>,
      %mul3A_302 = arith.constant 16 : i32
      %mul3A_303 = arith.muli %add3A_264, %mul3A_302 : i32
      %swap3A_304 = arith.constant 3 : i32
      %swap3A_305 = arith.index_cast %swap3A_304 : i32 to index
      %swap3A_306 = arith.index_cast %mul3A_303 : i32 to index
      %swap3A_307 = tpu.vector_load %arg9[%swap3A_305, %swap3A_306] {strides = array<i32>} : memref<48x256xf32, #tpu.memory_space<vmem>>, vector<16xf32>,
      tpu.vector_store %arg9[%swap3A_305, %swap3A_306], %gather3A_301 {strides = array<i32>} : memref<48x256xf32, #tpu.memory_space<vmem>>, vector<16xf32>,
      %add3A_308 = arith.constant 8192 : i32
      %add3A_309 = vector.broadcast %add3A_308 : i32 to vector<16xi32>
      %add3A_310 = arith.addi %get3A_300, %add3A_309 : vector<16xi32>
      %gather3A_311 = tpu.vector_load_idx %arg6[%add3A_310] : memref<24576xf32, #tpu.memory_space<vmem>>[vector<16xi32>], vector<16xf32>,
      %mul3A_312 = arith.constant 16 : i32
      %mul3A_313 = arith.muli %add3A_264, %mul3A_312 : i32
      %swap3A_314 = arith.constant 4 : i32
      %swap3A_315 = arith.index_cast %swap3A_314 : i32 to index
      %swap3A_316 = arith.index_cast %mul3A_313 : i32 to index
      %swap3A_317 = tpu.vector_load %arg9[%swap3A_315, %swap3A_316] {strides = array<i32>} : memref<48x256xf32, #tpu.memory_space<vmem>>, vector<16xf32>,
      tpu.vector_store %arg9[%swap3A_315, %swap3A_316], %gather3A_311 {strides = array<i32>} : memref<48x256xf32, #tpu.memory_space<vmem>>, vector<16xf32>,
      %add3A_318 = arith.constant 16384 : i32
      %add3A_319 = vector.broadcast %add3A_318 : i32 to vector<16xi32>
      %add3A_320 = arith.addi %get3A_300, %add3A_319 : vector<16xi32>
      %gather3A_321 = tpu.vector_load_idx %arg6[%add3A_320] : memref<24576xf32, #tpu.memory_space<vmem>>[vector<16xi32>], vector<16xf32>,
      %mul3A_322 = arith.constant 16 : i32
      %mul3A_323 = arith.muli %add3A_264, %mul3A_322 : i32
      %swap3A_324 = arith.constant 5 : i32
      %swap3A_325 = arith.index_cast %swap3A_324 : i32 to index
      %swap3A_326 = arith.index_cast %mul3A_323 : i32 to index
      %swap3A_327 = tpu.vector_load %arg9[%swap3A_325, %swap3A_326] {strides = array<i32>} : memref<48x256xf32, #tpu.memory_space<vmem>>, vector<16xf32>,
      tpu.vector_store %arg9[%swap3A_325, %swap3A_326], %gather3A_321 {strides = array<i32>} : memref<48x256xf32, #tpu.memory_space<vmem>>, vector<16xf32>,
      %mul3A_328 = arith.constant 16 : i32
      %mul3A_329 = arith.muli %add3A_264, %mul3A_328 : i32
      %get3A_330 = arith.constant 2 : i32
      %get3A_331 = arith.index_cast %get3A_330 : i32 to index
      %get3A_332 = arith.index_cast %mul3A_329 : i32 to index
      %get3A_333 = tpu.vector_load %arg8[%get3A_331, %get3A_332] {strides = array<i32>} : memref<16x256xi32, #tpu.memory_space<vmem>>, vector<16xi32>,
      %gather3A_334 = tpu.vector_load_idx %arg6[%get3A_333] : memref<24576xf32, #tpu.memory_space<vmem>>[vector<16xi32>], vector<16xf32>,
      %mul3A_335 = arith.constant 16 : i32
      %mul3A_336 = arith.muli %add3A_264, %mul3A_335 : i32
      %swap3A_337 = arith.constant 6 : i32
      %swap3A_338 = arith.index_cast %swap3A_337 : i32 to index
      %swap3A_339 = arith.index_cast %mul3A_336 : i32 to index
      %swap3A_340 = tpu.vector_load %arg9[%swap3A_338, %swap3A_339] {strides = array<i32>} : memref<48x256xf32, #tpu.memory_space<vmem>>, vector<16xf32>,
      tpu.vector_store %arg9[%swap3A_338, %swap3A_339], %gather3A_334 {strides = array<i32>} : memref<48x256xf32, #tpu.memory_space<vmem>>, vector<16xf32>,
      %add3A_341 = arith.constant 8192 : i32
      %add3A_342 = vector.broadcast %add3A_341 : i32 to vector<16xi32>
      %add3A_343 = arith.addi %get3A_333, %add3A_342 : vector<16xi32>
      %gather3A_344 = tpu.vector_load_idx %arg6[%add3A_343] : memref<24576xf32, #tpu.memory_space<vmem>>[vector<16xi32>], vector<16xf32>,
      %mul3A_345 = arith.constant 16 : i32
      %mul3A_346 = arith.muli %add3A_264, %mul3A_345 : i32
      %swap3A_347 = arith.constant 7 : i32
      %swap3A_348 = arith.index_cast %swap3A_347 : i32 to index
      %swap3A_349 = arith.index_cast %mul3A_346 : i32 to index
      %swap3A_350 = tpu.vector_load %arg9[%swap3A_348, %swap3A_349] {strides = array<i32>} : memref<48x256xf32, #tpu.memory_space<vmem>>, vector<16xf32>,
      tpu.vector_store %arg9[%swap3A_348, %swap3A_349], %gather3A_344 {strides = array<i32>} : memref<48x256xf32, #tpu.memory_space<vmem>>, vector<16xf32>,
      %add3A_351 = arith.constant 16384 : i32
      %add3A_352 = vector.broadcast %add3A_351 : i32 to vector<16xi32>
      %add3A_353 = arith.addi %get3A_333, %add3A_352 : vector<16xi32>
      %gather3A_354 = tpu.vector_load_idx %arg6[%add3A_353] : memref<24576xf32, #tpu.memory_space<vmem>>[vector<16xi32>], vector<16xf32>,
      %mul3A_355 = arith.constant 16 : i32
      %mul3A_356 = arith.muli %add3A_264, %mul3A_355 : i32
      %swap3A_357 = arith.constant 8 : i32
      %swap3A_358 = arith.index_cast %swap3A_357 : i32 to index
      %swap3A_359 = arith.index_cast %mul3A_356 : i32 to index
      %swap3A_360 = tpu.vector_load %arg9[%swap3A_358, %swap3A_359] {strides = array<i32>} : memref<48x256xf32, #tpu.memory_space<vmem>>, vector<16xf32>,
      tpu.vector_store %arg9[%swap3A_358, %swap3A_359], %gather3A_354 {strides = array<i32>} : memref<48x256xf32, #tpu.memory_space<vmem>>, vector<16xf32>,
      %mul3A_361 = arith.constant 16 : i32
      %mul3A_362 = arith.muli %add3A_264, %mul3A_361 : i32
      %get3A_363 = arith.constant 3 : i32
      %get3A_364 = arith.index_cast %get3A_363 : i32 to index
      %get3A_365 = arith.index_cast %mul3A_362 : i32 to index
      %get3A_366 = tpu.vector_load %arg8[%get3A_364, %get3A_365] {strides = array<i32>} : memref<16x256xi32, #tpu.memory_space<vmem>>, vector<16xi32>,
      %gather3A_367 = tpu.vector_load_idx %arg6[%get3A_366] : memref<24576xf32, #tpu.memory_space<vmem>>[vector<16xi32>], vector<16xf32>,
      %mul3A_368 = arith.constant 16 : i32
      %mul3A_369 = arith.muli %add3A_264, %mul3A_368 : i32
      %swap3A_370 = arith.constant 9 : i32
      %swap3A_371 = arith.index_cast %swap3A_370 : i32 to index
      %swap3A_372 = arith.index_cast %mul3A_369 : i32 to index
      %swap3A_373 = tpu.vector_load %arg9[%swap3A_371, %swap3A_372] {strides = array<i32>} : memref<48x256xf32, #tpu.memory_space<vmem>>, vector<16xf32>,
      tpu.vector_store %arg9[%swap3A_371, %swap3A_372], %gather3A_367 {strides = array<i32>} : memref<48x256xf32, #tpu.memory_space<vmem>>, vector<16xf32>,
      %add3A_374 = arith.constant 8192 : i32
      %add3A_375 = vector.broadcast %add3A_374 : i32 to vector<16xi32>
      %add3A_376 = arith.addi %get3A_366, %add3A_375 : vector<16xi32>
      %gather3A_377 = tpu.vector_load_idx %arg6[%add3A_376] : memref<24576xf32, #tpu.memory_space<vmem>>[vector<16xi32>], vector<16xf32>,
      %mul3A_378 = arith.constant 16 : i32
      %mul3A_379 = arith.muli %add3A_264, %mul3A_378 : i32
      %swap3A_380 = arith.constant 10 : i32
      %swap3A_381 = arith.index_cast %swap3A_380 : i32 to index
      %swap3A_382 = arith.index_cast %mul3A_379 : i32 to index
      %swap3A_383 = tpu.vector_load %arg9[%swap3A_381, %swap3A_382] {strides = array<i32>} : memref<48x256xf32, #tpu.memory_space<vmem>>, vector<16xf32>,
      tpu.vector_store %arg9[%swap3A_381, %swap3A_382], %gather3A_377 {strides = array<i32>} : memref<48x256xf32, #tpu.memory_space<vmem>>, vector<16xf32>,
      %add3A_384 = arith.constant 16384 : i32
      %add3A_385 = vector.broadcast %add3A_384 : i32 to vector<16xi32>
      %add3A_386 = arith.addi %get3A_366, %add3A_385 : vector<16xi32>
      %gather3A_387 = tpu.vector_load_idx %arg6[%add3A_386] : memref<24576xf32, #tpu.memory_space<vmem>>[vector<16xi32>], vector<16xf32>,
      %mul3A_388 = arith.constant 16 : i32
      %mul3A_389 = arith.muli %add3A_264, %mul3A_388 : i32
      %swap3A_390 = arith.constant 11 : i32
      %swap3A_391 = arith.index_cast %swap3A_390 : i32 to index
      %swap3A_392 = arith.index_cast %mul3A_389 : i32 to index
      %swap3A_393 = tpu.vector_load %arg9[%swap3A_391, %swap3A_392] {strides = array<i32>} : memref<48x256xf32, #tpu.memory_space<vmem>>, vector<16xf32>,
      tpu.vector_store %arg9[%swap3A_391, %swap3A_392], %gather3A_387 {strides = array<i32>} : memref<48x256xf32, #tpu.memory_space<vmem>>, vector<16xf32>,
      %mul3A_394 = arith.constant 16 : i32
      %mul3A_395 = arith.muli %add3A_264, %mul3A_394 : i32
      %get3A_396 = arith.constant 4 : i32
      %get3A_397 = arith.index_cast %get3A_396 : i32 to index
      %get3A_398 = arith.index_cast %mul3A_395 : i32 to index
      %get3A_399 = tpu.vector_load %arg8[%get3A_397, %get3A_398] {strides = array<i32>} : memref<16x256xi32, #tpu.memory_space<vmem>>, vector<16xi32>,
      %gather3A_400 = tpu.vector_load_idx %arg6[%get3A_399] : memref<24576xf32, #tpu.memory_space<vmem>>[vector<16xi32>], vector<16xf32>,
      %mul3A_401 = arith.constant 16 : i32
      %mul3A_402 = arith.muli %add3A_264, %mul3A_401 : i32
      %swap3A_403 = arith.constant 12 : i32
      %swap3A_404 = arith.index_cast %swap3A_403 : i32 to index
      %swap3A_405 = arith.index_cast %mul3A_402 : i32 to index
      %swap3A_406 = tpu.vector_load %arg9[%swap3A_404, %swap3A_405] {strides = array<i32>} : memref<48x256xf32, #tpu.memory_space<vmem>>, vector<16xf32>,
      tpu.vector_store %arg9[%swap3A_404, %swap3A_405], %gather3A_400 {strides = array<i32>} : memref<48x256xf32, #tpu.memory_space<vmem>>, vector<16xf32>,
      %add3A_407 = arith.constant 8192 : i32
      %add3A_408 = vector.broadcast %add3A_407 : i32 to vector<16xi32>
      %add3A_409 = arith.addi %get3A_399, %add3A_408 : vector<16xi32>
      %gather3A_410 = tpu.vector_load_idx %arg6[%add3A_409] : memref<24576xf32, #tpu.memory_space<vmem>>[vector<16xi32>], vector<16xf32>,
      %mul3A_411 = arith.constant 16 : i32
      %mul3A_412 = arith.muli %add3A_264, %mul3A_411 : i32
      %swap3A_413 = arith.constant 13 : i32
      %swap3A_414 = arith.index_cast %swap3A_413 : i32 to index
      %swap3A_415 = arith.index_cast %mul3A_412 : i32 to index
      %swap3A_416 = tpu.vector_load %arg9[%swap3A_414, %swap3A_415] {strides = array<i32>} : memref<48x256xf32, #tpu.memory_space<vmem>>, vector<16xf32>,
      tpu.vector_store %arg9[%swap3A_414, %swap3A_415], %gather3A_410 {strides = array<i32>} : memref<48x256xf32, #tpu.memory_space<vmem>>, vector<16xf32>,
      %add3A_417 = arith.constant 16384 : i32
      %add3A_418 = vector.broadcast %add3A_417 : i32 to vector<16xi32>
      %add3A_419 = arith.addi %get3A_399, %add3A_418 : vector<16xi32>
      %gather3A_420 = tpu.vector_load_idx %arg6[%add3A_419] : memref<24576xf32, #tpu.memory_space<vmem>>[vector<16xi32>], vector<16xf32>,
      %mul3A_421 = arith.constant 16 : i32
      %mul3A_422 = arith.muli %add3A_264, %mul3A_421 : i32
      %swap3A_423 = arith.constant 14 : i32
      %swap3A_424 = arith.index_cast %swap3A_423 : i32 to index
      %swap3A_425 = arith.index_cast %mul3A_422 : i32 to index
      %swap3A_426 = tpu.vector_load %arg9[%swap3A_424, %swap3A_425] {strides = array<i32>} : memref<48x256xf32, #tpu.memory_space<vmem>>, vector<16xf32>,
      tpu.vector_store %arg9[%swap3A_424, %swap3A_425], %gather3A_420 {strides = array<i32>} : memref<48x256xf32, #tpu.memory_space<vmem>>, vector<16xf32>,
      %mul3A_427 = arith.constant 16 : i32
      %mul3A_428 = arith.muli %add3A_264, %mul3A_427 : i32
      %get3A_429 = arith.constant 5 : i32
      %get3A_430 = arith.index_cast %get3A_429 : i32 to index
      %get3A_431 = arith.index_cast %mul3A_428 : i32 to index
      %get3A_432 = tpu.vector_load %arg8[%get3A_430, %get3A_431] {strides = array<i32>} : memref<16x256xi32, #tpu.memory_space<vmem>>, vector<16xi32>,
      %gather3A_433 = tpu.vector_load_idx %arg6[%get3A_432] : memref<24576xf32, #tpu.memory_space<vmem>>[vector<16xi32>], vector<16xf32>,
      %mul3A_434 = arith.constant 16 : i32
      %mul3A_435 = arith.muli %add3A_264, %mul3A_434 : i32
      %swap3A_436 = arith.constant 15 : i32
      %swap3A_437 = arith.index_cast %swap3A_436 : i32 to index
      %swap3A_438 = arith.index_cast %mul3A_435 : i32 to index
      %swap3A_439 = tpu.vector_load %arg9[%swap3A_437, %swap3A_438] {strides = array<i32>} : memref<48x256xf32, #tpu.memory_space<vmem>>, vector<16xf32>,
      tpu.vector_store %arg9[%swap3A_437, %swap3A_438], %gather3A_433 {strides = array<i32>} : memref<48x256xf32, #tpu.memory_space<vmem>>, vector<16xf32>,
      %add3A_440 = arith.constant 8192 : i32
      %add3A_441 = vector.broadcast %add3A_440 : i32 to vector<16xi32>
      %add3A_442 = arith.addi %get3A_432, %add3A_441 : vector<16xi32>
      %gather3A_443 = tpu.vector_load_idx %arg6[%add3A_442] : memref<24576xf32, #tpu.memory_space<vmem>>[vector<16xi32>], vector<16xf32>,
      %mul3A_444 = arith.constant 16 : i32
      %mul3A_445 = arith.muli %add3A_264, %mul3A_444 : i32
      %swap3A_446 = arith.constant 16 : i32
      %swap3A_447 = arith.index_cast %swap3A_446 : i32 to index
      %swap3A_448 = arith.index_cast %mul3A_445 : i32 to index
      %swap3A_449 = tpu.vector_load %arg9[%swap3A_447, %swap3A_448] {strides = array<i32>} : memref<48x256xf32, #tpu.memory_space<vmem>>, vector<16xf32>,
      tpu.vector_store %arg9[%swap3A_447, %swap3A_448], %gather3A_443 {strides = array<i32>} : memref<48x256xf32, #tpu.memory_space<vmem>>, vector<16xf32>,
      %add3A_450 = arith.constant 16384 : i32
      %add3A_451 = vector.broadcast %add3A_450 : i32 to vector<16xi32>
      %add3A_452 = arith.addi %get3A_432, %add3A_451 : vector<16xi32>
      %gather3A_453 = tpu.vector_load_idx %arg6[%add3A_452] : memref<24576xf32, #tpu.memory_space<vmem>>[vector<16xi32>], vector<16xf32>,
      %mul3A_454 = arith.constant 16 : i32
      %mul3A_455 = arith.muli %add3A_264, %mul3A_454 : i32
      %swap3A_456 = arith.constant 17 : i32
      %swap3A_457 = arith.index_cast %swap3A_456 : i32 to index
      %swap3A_458 = arith.index_cast %mul3A_455 : i32 to index
      %swap3A_459 = tpu.vector_load %arg9[%swap3A_457, %swap3A_458] {strides = array<i32>} : memref<48x256xf32, #tpu.memory_space<vmem>>, vector<16xf32>,
      tpu.vector_store %arg9[%swap3A_457, %swap3A_458], %gather3A_453 {strides = array<i32>} : memref<48x256xf32, #tpu.memory_space<vmem>>, vector<16xf32>,
      %mul3A_460 = arith.constant 16 : i32
      %mul3A_461 = arith.muli %add3A_264, %mul3A_460 : i32
      %get3A_462 = arith.constant 6 : i32
      %get3A_463 = arith.index_cast %get3A_462 : i32 to index
      %get3A_464 = arith.index_cast %mul3A_461 : i32 to index
      %get3A_465 = tpu.vector_load %arg8[%get3A_463, %get3A_464] {strides = array<i32>} : memref<16x256xi32, #tpu.memory_space<vmem>>, vector<16xi32>,
      %gather3A_466 = tpu.vector_load_idx %arg6[%get3A_465] : memref<24576xf32, #tpu.memory_space<vmem>>[vector<16xi32>], vector<16xf32>,
      %mul3A_467 = arith.constant 16 : i32
      %mul3A_468 = arith.muli %add3A_264, %mul3A_467 : i32
      %swap3A_469 = arith.constant 18 : i32
      %swap3A_470 = arith.index_cast %swap3A_469 : i32 to index
      %swap3A_471 = arith.index_cast %mul3A_468 : i32 to index
      %swap3A_472 = tpu.vector_load %arg9[%swap3A_470, %swap3A_471] {strides = array<i32>} : memref<48x256xf32, #tpu.memory_space<vmem>>, vector<16xf32>,
      tpu.vector_store %arg9[%swap3A_470, %swap3A_471], %gather3A_466 {strides = array<i32>} : memref<48x256xf32, #tpu.memory_space<vmem>>, vector<16xf32>,
      %add3A_473 = arith.constant 8192 : i32
      %add3A_474 = vector.broadcast %add3A_473 : i32 to vector<16xi32>
      %add3A_475 = arith.addi %get3A_465, %add3A_474 : vector<16xi32>
      %gather3A_476 = tpu.vector_load_idx %arg6[%add3A_475] : memref<24576xf32, #tpu.memory_space<vmem>>[vector<16xi32>], vector<16xf32>,
      %mul3A_477 = arith.constant 16 : i32
      %mul3A_478 = arith.muli %add3A_264, %mul3A_477 : i32
      %swap3A_479 = arith.constant 19 : i32
      %swap3A_480 = arith.index_cast %swap3A_479 : i32 to index
      %swap3A_481 = arith.index_cast %mul3A_478 : i32 to index
      %swap3A_482 = tpu.vector_load %arg9[%swap3A_480, %swap3A_481] {strides = array<i32>} : memref<48x256xf32, #tpu.memory_space<vmem>>, vector<16xf32>,
      tpu.vector_store %arg9[%swap3A_480, %swap3A_481], %gather3A_476 {strides = array<i32>} : memref<48x256xf32, #tpu.memory_space<vmem>>, vector<16xf32>,
      %add3A_483 = arith.constant 16384 : i32
      %add3A_484 = vector.broadcast %add3A_483 : i32 to vector<16xi32>
      %add3A_485 = arith.addi %get3A_465, %add3A_484 : vector<16xi32>
      %gather3A_486 = tpu.vector_load_idx %arg6[%add3A_485] : memref<24576xf32, #tpu.memory_space<vmem>>[vector<16xi32>], vector<16xf32>,
      %mul3A_487 = arith.constant 16 : i32
      %mul3A_488 = arith.muli %add3A_264, %mul3A_487 : i32
      %swap3A_489 = arith.constant 20 : i32
      %swap3A_490 = arith.index_cast %swap3A_489 : i32 to index
      %swap3A_491 = arith.index_cast %mul3A_488 : i32 to index
      %swap3A_492 = tpu.vector_load %arg9[%swap3A_490, %swap3A_491] {strides = array<i32>} : memref<48x256xf32, #tpu.memory_space<vmem>>, vector<16xf32>,
      tpu.vector_store %arg9[%swap3A_490, %swap3A_491], %gather3A_486 {strides = array<i32>} : memref<48x256xf32, #tpu.memory_space<vmem>>, vector<16xf32>,
      %mul3A_493 = arith.constant 16 : i32
      %mul3A_494 = arith.muli %add3A_264, %mul3A_493 : i32
      %get3A_495 = arith.constant 7 : i32
      %get3A_496 = arith.index_cast %get3A_495 : i32 to index
      %get3A_497 = arith.index_cast %mul3A_494 : i32 to index
      %get3A_498 = tpu.vector_load %arg8[%get3A_496, %get3A_497] {strides = array<i32>} : memref<16x256xi32, #tpu.memory_space<vmem>>, vector<16xi32>,
      %gather3A_499 = tpu.vector_load_idx %arg6[%get3A_498] : memref<24576xf32, #tpu.memory_space<vmem>>[vector<16xi32>], vector<16xf32>,
      %mul3A_500 = arith.constant 16 : i32
      %mul3A_501 = arith.muli %add3A_264, %mul3A_500 : i32
      %swap3A_502 = arith.constant 21 : i32
      %swap3A_503 = arith.index_cast %swap3A_502 : i32 to index
      %swap3A_504 = arith.index_cast %mul3A_501 : i32 to index
      %swap3A_505 = tpu.vector_load %arg9[%swap3A_503, %swap3A_504] {strides = array<i32>} : memref<48x256xf32, #tpu.memory_space<vmem>>, vector<16xf32>,
      tpu.vector_store %arg9[%swap3A_503, %swap3A_504], %gather3A_499 {strides = array<i32>} : memref<48x256xf32, #tpu.memory_space<vmem>>, vector<16xf32>,
      %add3A_506 = arith.constant 8192 : i32
      %add3A_507 = vector.broadcast %add3A_506 : i32 to vector<16xi32>
      %add3A_508 = arith.addi %get3A_498, %add3A_507 : vector<16xi32>
      %gather3A_509 = tpu.vector_load_idx %arg6[%add3A_508] : memref<24576xf32, #tpu.memory_space<vmem>>[vector<16xi32>], vector<16xf32>,
      %mul3A_510 = arith.constant 16 : i32
      %mul3A_511 = arith.muli %add3A_264, %mul3A_510 : i32
      %swap3A_512 = arith.constant 22 : i32
      %swap3A_513 = arith.index_cast %swap3A_512 : i32 to index
      %swap3A_514 = arith.index_cast %mul3A_511 : i32 to index
      %swap3A_515 = tpu.vector_load %arg9[%swap3A_513, %swap3A_514] {strides = array<i32>} : memref<48x256xf32, #tpu.memory_space<vmem>>, vector<16xf32>,
      tpu.vector_store %arg9[%swap3A_513, %swap3A_514], %gather3A_509 {strides = array<i32>} : memref<48x256xf32, #tpu.memory_space<vmem>>, vector<16xf32>,
      %add3A_516 = arith.constant 16384 : i32
      %add3A_517 = vector.broadcast %add3A_516 : i32 to vector<16xi32>
      %add3A_518 = arith.addi %get3A_498, %add3A_517 : vector<16xi32>
      %gather3A_519 = tpu.vector_load_idx %arg6[%add3A_518] : memref<24576xf32, #tpu.memory_space<vmem>>[vector<16xi32>], vector<16xf32>,
      %mul3A_520 = arith.constant 16 : i32
      %mul3A_521 = arith.muli %add3A_264, %mul3A_520 : i32
      %swap3A_522 = arith.constant 23 : i32
      %swap3A_523 = arith.index_cast %swap3A_522 : i32 to index
      %swap3A_524 = arith.index_cast %mul3A_521 : i32 to index
      %swap3A_525 = tpu.vector_load %arg9[%swap3A_523, %swap3A_524] {strides = array<i32>} : memref<48x256xf32, #tpu.memory_space<vmem>>, vector<16xf32>,
      tpu.vector_store %arg9[%swap3A_523, %swap3A_524], %gather3A_519 {strides = array<i32>} : memref<48x256xf32, #tpu.memory_space<vmem>>, vector<16xf32>,
      %mul3A_526 = arith.constant 16 : i32
      %mul3A_527 = arith.muli %add3A_264, %mul3A_526 : i32
      %get3A_528 = arith.constant 8 : i32
      %get3A_529 = arith.index_cast %get3A_528 : i32 to index
      %get3A_530 = arith.index_cast %mul3A_527 : i32 to index
      %get3A_531 = tpu.vector_load %arg8[%get3A_529, %get3A_530] {strides = array<i32>} : memref<16x256xi32, #tpu.memory_space<vmem>>, vector<16xi32>,
      %gather3A_532 = tpu.vector_load_idx %arg6[%get3A_531] : memref<24576xf32, #tpu.memory_space<vmem>>[vector<16xi32>], vector<16xf32>,
      %mul3A_533 = arith.constant 16 : i32
      %mul3A_534 = arith.muli %add3A_264, %mul3A_533 : i32
      %swap3A_535 = arith.constant 24 : i32
      %swap3A_536 = arith.index_cast %swap3A_535 : i32 to index
      %swap3A_537 = arith.index_cast %mul3A_534 : i32 to index
      %swap3A_538 = tpu.vector_load %arg9[%swap3A_536, %swap3A_537] {strides = array<i32>} : memref<48x256xf32, #tpu.memory_space<vmem>>, vector<16xf32>,
      tpu.vector_store %arg9[%swap3A_536, %swap3A_537], %gather3A_532 {strides = array<i32>} : memref<48x256xf32, #tpu.memory_space<vmem>>, vector<16xf32>,
      %add3A_539 = arith.constant 8192 : i32
      %add3A_540 = vector.broadcast %add3A_539 : i32 to vector<16xi32>
      %add3A_541 = arith.addi %get3A_531, %add3A_540 : vector<16xi32>
      %gather3A_542 = tpu.vector_load_idx %arg6[%add3A_541] : memref<24576xf32, #tpu.memory_space<vmem>>[vector<16xi32>], vector<16xf32>,
      %mul3A_543 = arith.constant 16 : i32
      %mul3A_544 = arith.muli %add3A_264, %mul3A_543 : i32
      %swap3A_545 = arith.constant 25 : i32
      %swap3A_546 = arith.index_cast %swap3A_545 : i32 to index
      %swap3A_547 = arith.index_cast %mul3A_544 : i32 to index
      %swap3A_548 = tpu.vector_load %arg9[%swap3A_546, %swap3A_547] {strides = array<i32>} : memref<48x256xf32, #tpu.memory_space<vmem>>, vector<16xf32>,
      tpu.vector_store %arg9[%swap3A_546, %swap3A_547], %gather3A_542 {strides = array<i32>} : memref<48x256xf32, #tpu.memory_space<vmem>>, vector<16xf32>,
      %add3A_549 = arith.constant 16384 : i32
      %add3A_550 = vector.broadcast %add3A_549 : i32 to vector<16xi32>
      %add3A_551 = arith.addi %get3A_531, %add3A_550 : vector<16xi32>
      %gather3A_552 = tpu.vector_load_idx %arg6[%add3A_551] : memref<24576xf32, #tpu.memory_space<vmem>>[vector<16xi32>], vector<16xf32>,
      %mul3A_553 = arith.constant 16 : i32
      %mul3A_554 = arith.muli %add3A_264, %mul3A_553 : i32
      %swap3A_555 = arith.constant 26 : i32
      %swap3A_556 = arith.index_cast %swap3A_555 : i32 to index
      %swap3A_557 = arith.index_cast %mul3A_554 : i32 to index
      %swap3A_558 = tpu.vector_load %arg9[%swap3A_556, %swap3A_557] {strides = array<i32>} : memref<48x256xf32, #tpu.memory_space<vmem>>, vector<16xf32>,
      tpu.vector_store %arg9[%swap3A_556, %swap3A_557], %gather3A_552 {strides = array<i32>} : memref<48x256xf32, #tpu.memory_space<vmem>>, vector<16xf32>,
      %mul3A_559 = arith.constant 16 : i32
      %mul3A_560 = arith.muli %add3A_264, %mul3A_559 : i32
      %get3A_561 = arith.constant 9 : i32
      %get3A_562 = arith.index_cast %get3A_561 : i32 to index
      %get3A_563 = arith.index_cast %mul3A_560 : i32 to index
      %get3A_564 = tpu.vector_load %arg8[%get3A_562, %get3A_563] {strides = array<i32>} : memref<16x256xi32, #tpu.memory_space<vmem>>, vector<16xi32>,
      %gather3A_565 = tpu.vector_load_idx %arg6[%get3A_564] : memref<24576xf32, #tpu.memory_space<vmem>>[vector<16xi32>], vector<16xf32>,
      %mul3A_566 = arith.constant 16 : i32
      %mul3A_567 = arith.muli %add3A_264, %mul3A_566 : i32
      %swap3A_568 = arith.constant 27 : i32
      %swap3A_569 = arith.index_cast %swap3A_568 : i32 to index
      %swap3A_570 = arith.index_cast %mul3A_567 : i32 to index
      %swap3A_571 = tpu.vector_load %arg9[%swap3A_569, %swap3A_570] {strides = array<i32>} : memref<48x256xf32, #tpu.memory_space<vmem>>, vector<16xf32>,
      tpu.vector_store %arg9[%swap3A_569, %swap3A_570], %gather3A_565 {strides = array<i32>} : memref<48x256xf32, #tpu.memory_space<vmem>>, vector<16xf32>,
      %add3A_572 = arith.constant 8192 : i32
      %add3A_573 = vector.broadcast %add3A_572 : i32 to vector<16xi32>
      %add3A_574 = arith.addi %get3A_564, %add3A_573 : vector<16xi32>
      %gather3A_575 = tpu.vector_load_idx %arg6[%add3A_574] : memref<24576xf32, #tpu.memory_space<vmem>>[vector<16xi32>], vector<16xf32>,
      %mul3A_576 = arith.constant 16 : i32
      %mul3A_577 = arith.muli %add3A_264, %mul3A_576 : i32
      %swap3A_578 = arith.constant 28 : i32
      %swap3A_579 = arith.index_cast %swap3A_578 : i32 to index
      %swap3A_580 = arith.index_cast %mul3A_577 : i32 to index
      %swap3A_581 = tpu.vector_load %arg9[%swap3A_579, %swap3A_580] {strides = array<i32>} : memref<48x256xf32, #tpu.memory_space<vmem>>, vector<16xf32>,
      tpu.vector_store %arg9[%swap3A_579, %swap3A_580], %gather3A_575 {strides = array<i32>} : memref<48x256xf32, #tpu.memory_space<vmem>>, vector<16xf32>,
      %add3A_582 = arith.constant 16384 : i32
      %add3A_583 = vector.broadcast %add3A_582 : i32 to vector<16xi32>
      %add3A_584 = arith.addi %get3A_564, %add3A_583 : vector<16xi32>
      %gather3A_585 = tpu.vector_load_idx %arg6[%add3A_584] : memref<24576xf32, #tpu.memory_space<vmem>>[vector<16xi32>], vector<16xf32>,
      %mul3A_586 = arith.constant 16 : i32
      %mul3A_587 = arith.muli %add3A_264, %mul3A_586 : i32
      %swap3A_588 = arith.constant 29 : i32
      %swap3A_589 = arith.index_cast %swap3A_588 : i32 to index
      %swap3A_590 = arith.index_cast %mul3A_587 : i32 to index
      %swap3A_591 = tpu.vector_load %arg9[%swap3A_589, %swap3A_590] {strides = array<i32>} : memref<48x256xf32, #tpu.memory_space<vmem>>, vector<16xf32>,
      tpu.vector_store %arg9[%swap3A_589, %swap3A_590], %gather3A_585 {strides = array<i32>} : memref<48x256xf32, #tpu.memory_space<vmem>>, vector<16xf32>,
      %mul3A_592 = arith.constant 16 : i32
      %mul3A_593 = arith.muli %add3A_264, %mul3A_592 : i32
      %get3A_594 = arith.constant 10 : i32
      %get3A_595 = arith.index_cast %get3A_594 : i32 to index
      %get3A_596 = arith.index_cast %mul3A_593 : i32 to index
      %get3A_597 = tpu.vector_load %arg8[%get3A_595, %get3A_596] {strides = array<i32>} : memref<16x256xi32, #tpu.memory_space<vmem>>, vector<16xi32>,
      %gather3A_598 = tpu.vector_load_idx %arg6[%get3A_597] : memref<24576xf32, #tpu.memory_space<vmem>>[vector<16xi32>], vector<16xf32>,
      %mul3A_599 = arith.constant 16 : i32
      %mul3A_600 = arith.muli %add3A_264, %mul3A_599 : i32
      %swap3A_601 = arith.constant 30 : i32
      %swap3A_602 = arith.index_cast %swap3A_601 : i32 to index
      %swap3A_603 = arith.index_cast %mul3A_600 : i32 to index
      %swap3A_604 = tpu.vector_load %arg9[%swap3A_602, %swap3A_603] {strides = array<i32>} : memref<48x256xf32, #tpu.memory_space<vmem>>, vector<16xf32>,
      tpu.vector_store %arg9[%swap3A_602, %swap3A_603], %gather3A_598 {strides = array<i32>} : memref<48x256xf32, #tpu.memory_space<vmem>>, vector<16xf32>,
      %add3A_605 = arith.constant 8192 : i32
      %add3A_606 = vector.broadcast %add3A_605 : i32 to vector<16xi32>
      %add3A_607 = arith.addi %get3A_597, %add3A_606 : vector<16xi32>
      %gather3A_608 = tpu.vector_load_idx %arg6[%add3A_607] : memref<24576xf32, #tpu.memory_space<vmem>>[vector<16xi32>], vector<16xf32>,
      %mul3A_609 = arith.constant 16 : i32
      %mul3A_610 = arith.muli %add3A_264, %mul3A_609 : i32
      %swap3A_611 = arith.constant 31 : i32
      %swap3A_612 = arith.index_cast %swap3A_611 : i32 to index
      %swap3A_613 = arith.index_cast %mul3A_610 : i32 to index
      %swap3A_614 = tpu.vector_load %arg9[%swap3A_612, %swap3A_613] {strides = array<i32>} : memref<48x256xf32, #tpu.memory_space<vmem>>, vector<16xf32>,
      tpu.vector_store %arg9[%swap3A_612, %swap3A_613], %gather3A_608 {strides = array<i32>} : memref<48x256xf32, #tpu.memory_space<vmem>>, vector<16xf32>,
      %add3A_615 = arith.constant 16384 : i32
      %add3A_616 = vector.broadcast %add3A_615 : i32 to vector<16xi32>
      %add3A_617 = arith.addi %get3A_597, %add3A_616 : vector<16xi32>
      %gather3A_618 = tpu.vector_load_idx %arg6[%add3A_617] : memref<24576xf32, #tpu.memory_space<vmem>>[vector<16xi32>], vector<16xf32>,
      %mul3A_619 = arith.constant 16 : i32
      %mul3A_620 = arith.muli %add3A_264, %mul3A_619 : i32
      %swap3A_621 = arith.constant 32 : i32
      %swap3A_622 = arith.index_cast %swap3A_621 : i32 to index
      %swap3A_623 = arith.index_cast %mul3A_620 : i32 to index
      %swap3A_624 = tpu.vector_load %arg9[%swap3A_622, %swap3A_623] {strides = array<i32>} : memref<48x256xf32, #tpu.memory_space<vmem>>, vector<16xf32>,
      tpu.vector_store %arg9[%swap3A_622, %swap3A_623], %gather3A_618 {strides = array<i32>} : memref<48x256xf32, #tpu.memory_space<vmem>>, vector<16xf32>,
      %mul3A_625 = arith.constant 16 : i32
      %mul3A_626 = arith.muli %add3A_264, %mul3A_625 : i32
      %get3A_627 = arith.constant 11 : i32
      %get3A_628 = arith.index_cast %get3A_627 : i32 to index
      %get3A_629 = arith.index_cast %mul3A_626 : i32 to index
      %get3A_630 = tpu.vector_load %arg8[%get3A_628, %get3A_629] {strides = array<i32>} : memref<16x256xi32, #tpu.memory_space<vmem>>, vector<16xi32>,
      %gather3A_631 = tpu.vector_load_idx %arg6[%get3A_630] : memref<24576xf32, #tpu.memory_space<vmem>>[vector<16xi32>], vector<16xf32>,
      %mul3A_632 = arith.constant 16 : i32
      %mul3A_633 = arith.muli %add3A_264, %mul3A_632 : i32
      %swap3A_634 = arith.constant 33 : i32
      %swap3A_635 = arith.index_cast %swap3A_634 : i32 to index
      %swap3A_636 = arith.index_cast %mul3A_633 : i32 to index
      %swap3A_637 = tpu.vector_load %arg9[%swap3A_635, %swap3A_636] {strides = array<i32>} : memref<48x256xf32, #tpu.memory_space<vmem>>, vector<16xf32>,
      tpu.vector_store %arg9[%swap3A_635, %swap3A_636], %gather3A_631 {strides = array<i32>} : memref<48x256xf32, #tpu.memory_space<vmem>>, vector<16xf32>,
      %add3A_638 = arith.constant 8192 : i32
      %add3A_639 = vector.broadcast %add3A_638 : i32 to vector<16xi32>
      %add3A_640 = arith.addi %get3A_630, %add3A_639 : vector<16xi32>
      %gather3A_641 = tpu.vector_load_idx %arg6[%add3A_640] : memref<24576xf32, #tpu.memory_space<vmem>>[vector<16xi32>], vector<16xf32>,
      %mul3A_642 = arith.constant 16 : i32
      %mul3A_643 = arith.muli %add3A_264, %mul3A_642 : i32
      %swap3A_644 = arith.constant 34 : i32
      %swap3A_645 = arith.index_cast %swap3A_644 : i32 to index
      %swap3A_646 = arith.index_cast %mul3A_643 : i32 to index
      %swap3A_647 = tpu.vector_load %arg9[%swap3A_645, %swap3A_646] {strides = array<i32>} : memref<48x256xf32, #tpu.memory_space<vmem>>, vector<16xf32>,
      tpu.vector_store %arg9[%swap3A_645, %swap3A_646], %gather3A_641 {strides = array<i32>} : memref<48x256xf32, #tpu.memory_space<vmem>>, vector<16xf32>,
      %add3A_648 = arith.constant 16384 : i32
      %add3A_649 = vector.broadcast %add3A_648 : i32 to vector<16xi32>
      %add3A_650 = arith.addi %get3A_630, %add3A_649 : vector<16xi32>
      %gather3A_651 = tpu.vector_load_idx %arg6[%add3A_650] : memref<24576xf32, #tpu.memory_space<vmem>>[vector<16xi32>], vector<16xf32>,
      %mul3A_652 = arith.constant 16 : i32
      %mul3A_653 = arith.muli %add3A_264, %mul3A_652 : i32
      %swap3A_654 = arith.constant 35 : i32
      %swap3A_655 = arith.index_cast %swap3A_654 : i32 to index
      %swap3A_656 = arith.index_cast %mul3A_653 : i32 to index
      %swap3A_657 = tpu.vector_load %arg9[%swap3A_655, %swap3A_656] {strides = array<i32>} : memref<48x256xf32, #tpu.memory_space<vmem>>, vector<16xf32>,
      tpu.vector_store %arg9[%swap3A_655, %swap3A_656], %gather3A_651 {strides = array<i32>} : memref<48x256xf32, #tpu.memory_space<vmem>>, vector<16xf32>,
      %mul3A_658 = arith.constant 16 : i32
      %mul3A_659 = arith.muli %add3A_264, %mul3A_658 : i32
      %get3A_660 = arith.constant 12 : i32
      %get3A_661 = arith.index_cast %get3A_660 : i32 to index
      %get3A_662 = arith.index_cast %mul3A_659 : i32 to index
      %get3A_663 = tpu.vector_load %arg8[%get3A_661, %get3A_662] {strides = array<i32>} : memref<16x256xi32, #tpu.memory_space<vmem>>, vector<16xi32>,
      %gather3A_664 = tpu.vector_load_idx %arg6[%get3A_663] : memref<24576xf32, #tpu.memory_space<vmem>>[vector<16xi32>], vector<16xf32>,
      %mul3A_665 = arith.constant 16 : i32
      %mul3A_666 = arith.muli %add3A_264, %mul3A_665 : i32
      %swap3A_667 = arith.constant 36 : i32
      %swap3A_668 = arith.index_cast %swap3A_667 : i32 to index
      %swap3A_669 = arith.index_cast %mul3A_666 : i32 to index
      %swap3A_670 = tpu.vector_load %arg9[%swap3A_668, %swap3A_669] {strides = array<i32>} : memref<48x256xf32, #tpu.memory_space<vmem>>, vector<16xf32>,
      tpu.vector_store %arg9[%swap3A_668, %swap3A_669], %gather3A_664 {strides = array<i32>} : memref<48x256xf32, #tpu.memory_space<vmem>>, vector<16xf32>,
      %add3A_671 = arith.constant 8192 : i32
      %add3A_672 = vector.broadcast %add3A_671 : i32 to vector<16xi32>
      %add3A_673 = arith.addi %get3A_663, %add3A_672 : vector<16xi32>
      %gather3A_674 = tpu.vector_load_idx %arg6[%add3A_673] : memref<24576xf32, #tpu.memory_space<vmem>>[vector<16xi32>], vector<16xf32>,
      %mul3A_675 = arith.constant 16 : i32
      %mul3A_676 = arith.muli %add3A_264, %mul3A_675 : i32
      %swap3A_677 = arith.constant 37 : i32
      %swap3A_678 = arith.index_cast %swap3A_677 : i32 to index
      %swap3A_679 = arith.index_cast %mul3A_676 : i32 to index
      %swap3A_680 = tpu.vector_load %arg9[%swap3A_678, %swap3A_679] {strides = array<i32>} : memref<48x256xf32, #tpu.memory_space<vmem>>, vector<16xf32>,
      tpu.vector_store %arg9[%swap3A_678, %swap3A_679], %gather3A_674 {strides = array<i32>} : memref<48x256xf32, #tpu.memory_space<vmem>>, vector<16xf32>,
      %add3A_681 = arith.constant 16384 : i32
      %add3A_682 = vector.broadcast %add3A_681 : i32 to vector<16xi32>
      %add3A_683 = arith.addi %get3A_663, %add3A_682 : vector<16xi32>
      %gather3A_684 = tpu.vector_load_idx %arg6[%add3A_683] : memref<24576xf32, #tpu.memory_space<vmem>>[vector<16xi32>], vector<16xf32>,
      %mul3A_685 = arith.constant 16 : i32
      %mul3A_686 = arith.muli %add3A_264, %mul3A_685 : i32
      %swap3A_687 = arith.constant 38 : i32
      %swap3A_688 = arith.index_cast %swap3A_687 : i32 to index
      %swap3A_689 = arith.index_cast %mul3A_686 : i32 to index
      %swap3A_690 = tpu.vector_load %arg9[%swap3A_688, %swap3A_689] {strides = array<i32>} : memref<48x256xf32, #tpu.memory_space<vmem>>, vector<16xf32>,
      tpu.vector_store %arg9[%swap3A_688, %swap3A_689], %gather3A_684 {strides = array<i32>} : memref<48x256xf32, #tpu.memory_space<vmem>>, vector<16xf32>,
      %mul3A_691 = arith.constant 16 : i32
      %mul3A_692 = arith.muli %add3A_264, %mul3A_691 : i32
      %get3A_693 = arith.constant 13 : i32
      %get3A_694 = arith.index_cast %get3A_693 : i32 to index
      %get3A_695 = arith.index_cast %mul3A_692 : i32 to index
      %get3A_696 = tpu.vector_load %arg8[%get3A_694, %get3A_695] {strides = array<i32>} : memref<16x256xi32, #tpu.memory_space<vmem>>, vector<16xi32>,
      %gather3A_697 = tpu.vector_load_idx %arg6[%get3A_696] : memref<24576xf32, #tpu.memory_space<vmem>>[vector<16xi32>], vector<16xf32>,
      %mul3A_698 = arith.constant 16 : i32
      %mul3A_699 = arith.muli %add3A_264, %mul3A_698 : i32
      %swap3A_700 = arith.constant 39 : i32
      %swap3A_701 = arith.index_cast %swap3A_700 : i32 to index
      %swap3A_702 = arith.index_cast %mul3A_699 : i32 to index
      %swap3A_703 = tpu.vector_load %arg9[%swap3A_701, %swap3A_702] {strides = array<i32>} : memref<48x256xf32, #tpu.memory_space<vmem>>, vector<16xf32>,
      tpu.vector_store %arg9[%swap3A_701, %swap3A_702], %gather3A_697 {strides = array<i32>} : memref<48x256xf32, #tpu.memory_space<vmem>>, vector<16xf32>,
      %add3A_704 = arith.constant 8192 : i32
      %add3A_705 = vector.broadcast %add3A_704 : i32 to vector<16xi32>
      %add3A_706 = arith.addi %get3A_696, %add3A_705 : vector<16xi32>
      %gather3A_707 = tpu.vector_load_idx %arg6[%add3A_706] : memref<24576xf32, #tpu.memory_space<vmem>>[vector<16xi32>], vector<16xf32>,
      %mul3A_708 = arith.constant 16 : i32
      %mul3A_709 = arith.muli %add3A_264, %mul3A_708 : i32
      %swap3A_710 = arith.constant 40 : i32
      %swap3A_711 = arith.index_cast %swap3A_710 : i32 to index
      %swap3A_712 = arith.index_cast %mul3A_709 : i32 to index
      %swap3A_713 = tpu.vector_load %arg9[%swap3A_711, %swap3A_712] {strides = array<i32>} : memref<48x256xf32, #tpu.memory_space<vmem>>, vector<16xf32>,
      tpu.vector_store %arg9[%swap3A_711, %swap3A_712], %gather3A_707 {strides = array<i32>} : memref<48x256xf32, #tpu.memory_space<vmem>>, vector<16xf32>,
      %add3A_714 = arith.constant 16384 : i32
      %add3A_715 = vector.broadcast %add3A_714 : i32 to vector<16xi32>
      %add3A_716 = arith.addi %get3A_696, %add3A_715 : vector<16xi32>
      %gather3A_717 = tpu.vector_load_idx %arg6[%add3A_716] : memref<24576xf32, #tpu.memory_space<vmem>>[vector<16xi32>], vector<16xf32>,
      %mul3A_718 = arith.constant 16 : i32
      %mul3A_719 = arith.muli %add3A_264, %mul3A_718 : i32
      %swap3A_720 = arith.constant 41 : i32
      %swap3A_721 = arith.index_cast %swap3A_720 : i32 to index
      %swap3A_722 = arith.index_cast %mul3A_719 : i32 to index
      %swap3A_723 = tpu.vector_load %arg9[%swap3A_721, %swap3A_722] {strides = array<i32>} : memref<48x256xf32, #tpu.memory_space<vmem>>, vector<16xf32>,
      tpu.vector_store %arg9[%swap3A_721, %swap3A_722], %gather3A_717 {strides = array<i32>} : memref<48x256xf32, #tpu.memory_space<vmem>>, vector<16xf32>,
      %mul3A_724 = arith.constant 16 : i32
      %mul3A_725 = arith.muli %add3A_264, %mul3A_724 : i32
      %get3A_726 = arith.constant 14 : i32
      %get3A_727 = arith.index_cast %get3A_726 : i32 to index
      %get3A_728 = arith.index_cast %mul3A_725 : i32 to index
      %get3A_729 = tpu.vector_load %arg8[%get3A_727, %get3A_728] {strides = array<i32>} : memref<16x256xi32, #tpu.memory_space<vmem>>, vector<16xi32>,
      %gather3A_730 = tpu.vector_load_idx %arg6[%get3A_729] : memref<24576xf32, #tpu.memory_space<vmem>>[vector<16xi32>], vector<16xf32>,
      %mul3A_731 = arith.constant 16 : i32
      %mul3A_732 = arith.muli %add3A_264, %mul3A_731 : i32
      %swap3A_733 = arith.constant 42 : i32
      %swap3A_734 = arith.index_cast %swap3A_733 : i32 to index
      %swap3A_735 = arith.index_cast %mul3A_732 : i32 to index
      %swap3A_736 = tpu.vector_load %arg9[%swap3A_734, %swap3A_735] {strides = array<i32>} : memref<48x256xf32, #tpu.memory_space<vmem>>, vector<16xf32>,
      tpu.vector_store %arg9[%swap3A_734, %swap3A_735], %gather3A_730 {strides = array<i32>} : memref<48x256xf32, #tpu.memory_space<vmem>>, vector<16xf32>,
      %add3A_737 = arith.constant 8192 : i32
      %add3A_738 = vector.broadcast %add3A_737 : i32 to vector<16xi32>
      %add3A_739 = arith.addi %get3A_729, %add3A_738 : vector<16xi32>
      %gather3A_740 = tpu.vector_load_idx %arg6[%add3A_739] : memref<24576xf32, #tpu.memory_space<vmem>>[vector<16xi32>], vector<16xf32>,
      %mul3A_741 = arith.constant 16 : i32
      %mul3A_742 = arith.muli %add3A_264, %mul3A_741 : i32
      %swap3A_743 = arith.constant 43 : i32
      %swap3A_744 = arith.index_cast %swap3A_743 : i32 to index
      %swap3A_745 = arith.index_cast %mul3A_742 : i32 to index
      %swap3A_746 = tpu.vector_load %arg9[%swap3A_744, %swap3A_745] {strides = array<i32>} : memref<48x256xf32, #tpu.memory_space<vmem>>, vector<16xf32>,
      tpu.vector_store %arg9[%swap3A_744, %swap3A_745], %gather3A_740 {strides = array<i32>} : memref<48x256xf32, #tpu.memory_space<vmem>>, vector<16xf32>,
      %add3A_747 = arith.constant 16384 : i32
      %add3A_748 = vector.broadcast %add3A_747 : i32 to vector<16xi32>
      %add3A_749 = arith.addi %get3A_729, %add3A_748 : vector<16xi32>
      %gather3A_750 = tpu.vector_load_idx %arg6[%add3A_749] : memref<24576xf32, #tpu.memory_space<vmem>>[vector<16xi32>], vector<16xf32>,
      %mul3A_751 = arith.constant 16 : i32
      %mul3A_752 = arith.muli %add3A_264, %mul3A_751 : i32
      %swap3A_753 = arith.constant 44 : i32
      %swap3A_754 = arith.index_cast %swap3A_753 : i32 to index
      %swap3A_755 = arith.index_cast %mul3A_752 : i32 to index
      %swap3A_756 = tpu.vector_load %arg9[%swap3A_754, %swap3A_755] {strides = array<i32>} : memref<48x256xf32, #tpu.memory_space<vmem>>, vector<16xf32>,
      tpu.vector_store %arg9[%swap3A_754, %swap3A_755], %gather3A_750 {strides = array<i32>} : memref<48x256xf32, #tpu.memory_space<vmem>>, vector<16xf32>,
      %mul3A_757 = arith.constant 16 : i32
      %mul3A_758 = arith.muli %add3A_264, %mul3A_757 : i32
      %get3A_759 = arith.constant 15 : i32
      %get3A_760 = arith.index_cast %get3A_759 : i32 to index
      %get3A_761 = arith.index_cast %mul3A_758 : i32 to index
      %get3A_762 = tpu.vector_load %arg8[%get3A_760, %get3A_761] {strides = array<i32>} : memref<16x256xi32, #tpu.memory_space<vmem>>, vector<16xi32>,
      %gather3A_763 = tpu.vector_load_idx %arg6[%get3A_762] : memref<24576xf32, #tpu.memory_space<vmem>>[vector<16xi32>], vector<16xf32>,
      %mul3A_764 = arith.constant 16 : i32
      %mul3A_765 = arith.muli %add3A_264, %mul3A_764 : i32
      %swap3A_766 = arith.constant 45 : i32
      %swap3A_767 = arith.index_cast %swap3A_766 : i32 to index
      %swap3A_768 = arith.index_cast %mul3A_765 : i32 to index
      %swap3A_769 = tpu.vector_load %arg9[%swap3A_767, %swap3A_768] {strides = array<i32>} : memref<48x256xf32, #tpu.memory_space<vmem>>, vector<16xf32>,
      tpu.vector_store %arg9[%swap3A_767, %swap3A_768], %gather3A_763 {strides = array<i32>} : memref<48x256xf32, #tpu.memory_space<vmem>>, vector<16xf32>,
      %add3A_770 = arith.constant 8192 : i32
      %add3A_771 = vector.broadcast %add3A_770 : i32 to vector<16xi32>
      %add3A_772 = arith.addi %get3A_762, %add3A_771 : vector<16xi32>
      %gather3A_773 = tpu.vector_load_idx %arg6[%add3A_772] : memref<24576xf32, #tpu.memory_space<vmem>>[vector<16xi32>], vector<16xf32>,
      %mul3A_774 = arith.constant 16 : i32
      %mul3A_775 = arith.muli %add3A_264, %mul3A_774 : i32
      %swap3A_776 = arith.constant 46 : i32
      %swap3A_777 = arith.index_cast %swap3A_776 : i32 to index
      %swap3A_778 = arith.index_cast %mul3A_775 : i32 to index
      %swap3A_779 = tpu.vector_load %arg9[%swap3A_777, %swap3A_778] {strides = array<i32>} : memref<48x256xf32, #tpu.memory_space<vmem>>, vector<16xf32>,
      tpu.vector_store %arg9[%swap3A_777, %swap3A_778], %gather3A_773 {strides = array<i32>} : memref<48x256xf32, #tpu.memory_space<vmem>>, vector<16xf32>,
      %add3A_780 = arith.constant 16384 : i32
      %add3A_781 = vector.broadcast %add3A_780 : i32 to vector<16xi32>
      %add3A_782 = arith.addi %get3A_762, %add3A_781 : vector<16xi32>
      %gather3A_783 = tpu.vector_load_idx %arg6[%add3A_782] : memref<24576xf32, #tpu.memory_space<vmem>>[vector<16xi32>], vector<16xf32>,
      %mul3A_784 = arith.constant 16 : i32
      %mul3A_785 = arith.muli %add3A_264, %mul3A_784 : i32
      %swap3A_786 = arith.constant 47 : i32
      %swap3A_787 = arith.index_cast %swap3A_786 : i32 to index
      %swap3A_788 = arith.index_cast %mul3A_785 : i32 to index
      %swap3A_789 = tpu.vector_load %arg9[%swap3A_787, %swap3A_788] {strides = array<i32>} : memref<48x256xf32, #tpu.memory_space<vmem>>, vector<16xf32>,
      tpu.vector_store %arg9[%swap3A_787, %swap3A_788], %gather3A_783 {strides = array<i32>} : memref<48x256xf32, #tpu.memory_space<vmem>>, vector<16xf32>,
    }
    %scan3A_239 = arith.constant 16 : i32
    %dma_start3A_240 = arith.constant 3 : i32
    %dma_start3A_241 = arith.constant 1 : i32
    %dma_start3A_242 = arith.constant 0 : i32
    %dma_start3A_243 = tpu.memref_slice %arg4[%dma_start3A_240, %dma_start3A_242, %mul3A_2] : memref<4x48x8192xf32, #tpu.memory_space<hbm>> -> memref<1x48x256xf32, #tpu.memory_space<hbm>>
    %dma_start3A_244 = tpu.memref_squeeze %dma_start3A_243 : memref<1x48x256xf32, #tpu.memory_space<hbm>> -> memref<48x256xf32, #tpu.memory_space<hbm>>
    %dma_start3A_245 = tpu.memref_slice %arg12[%dma_start3A_241] : memref<2x!tpu.dma_semaphore, #tpu.memory_space<semaphore_mem>> -> memref<1x!tpu.dma_semaphore, #tpu.memory_space<semaphore_mem>>
    %dma_start3A_246 = tpu.memref_squeeze %dma_start3A_245 : memref<1x!tpu.dma_semaphore, #tpu.memory_space<semaphore_mem>> -> memref<!tpu.dma_semaphore, #tpu.memory_space<semaphore_mem>>
    %dma_start3A_247 = arith.constant 0 : i32
    %dma_start3A_248 = tpu.memref_slice %arg4[%dma_start3A_240, %dma_start3A_247, %mul3A_2] : memref<4x48x8192xf32, #tpu.memory_space<hbm>> -> memref<1x48x256xf32, #tpu.memory_space<hbm>>
    %dma_start3A_249 = tpu.memref_squeeze %dma_start3A_248 : memref<1x48x256xf32, #tpu.memory_space<hbm>> -> memref<48x256xf32, #tpu.memory_space<hbm>>
    tpu.enqueue_dma source(%arg9 : memref<48x256xf32, #tpu.memory_space<vmem>>) target(%dma_start3A_249 : memref<48x256xf32, #tpu.memory_space<hbm>>) target_semaphore(%dma_start3A_246 : memref<!tpu.dma_semaphore, #tpu.memory_space<semaphore_mem>>)
    %dma_wait3A_250 = arith.constant 3 : i32
    %dma_wait3A_251 = arith.constant 1 : i32
    %dma_wait3A_252 = arith.constant 0 : i32
    %dma_wait3A_253 = tpu.memref_slice %arg4[%dma_wait3A_250, %dma_wait3A_252, %mul3A_2] : memref<4x48x8192xf32, #tpu.memory_space<hbm>> -> memref<1x48x256xf32, #tpu.memory_space<hbm>>
    %dma_wait3A_254 = tpu.memref_squeeze %dma_wait3A_253 : memref<1x48x256xf32, #tpu.memory_space<hbm>> -> memref<48x256xf32, #tpu.memory_space<hbm>>
    %dma_wait3A_255 = tpu.memref_slice %arg12[%dma_wait3A_251] : memref<2x!tpu.dma_semaphore, #tpu.memory_space<semaphore_mem>> -> memref<1x!tpu.dma_semaphore, #tpu.memory_space<semaphore_mem>>
    %dma_wait3A_256 = tpu.memref_squeeze %dma_wait3A_255 : memref<1x!tpu.dma_semaphore, #tpu.memory_space<semaphore_mem>> -> memref<!tpu.dma_semaphore, #tpu.memory_space<semaphore_mem>>
    %dma_wait3A_257 = arith.constant 0 : i32
    %dma_wait3A_258 = tpu.memref_slice %arg4[%dma_wait3A_250, %dma_wait3A_257, %mul3A_2] : memref<4x48x8192xf32, #tpu.memory_space<hbm>> -> memref<1x48x256xf32, #tpu.memory_space<hbm>>
    %dma_wait3A_259 = tpu.memref_squeeze %dma_wait3A_258 : memref<1x48x256xf32, #tpu.memory_space<hbm>> -> memref<48x256xf32, #tpu.memory_space<hbm>>
    tpu.wait_dma2 semaphore(%dma_wait3A_256 : memref<!tpu.dma_semaphore, #tpu.memory_space<semaphore_mem>>) src(%arg9 : memref<48x256xf32, #tpu.memory_space<vmem>>) dst(%dma_wait3A_259 : memref<48x256xf32, #tpu.memory_space<hbm>>)
    return
  }
}

module attributes {stable_mosaic.version = 14 : i64} {
  func.func @_dense_body(%arg0: i32, %arg1: i32, %arg2: memref<1x48x8192xf32, #tpu.memory_space<vmem>>, %arg3: memref<1x3x8192xf32, #tpu.memory_space<vmem>>, %arg4: memref<512x51xbf16, #tpu.memory_space<vmem>>, %arg5: memref<512x1xf32, #tpu.memory_space<vmem>>, %arg6: memref<512x512xbf16, #tpu.memory_space<vmem>>, %arg7: memref<512x1xf32, #tpu.memory_space<vmem>>, %arg8: memref<32x3xf32, #tpu.memory_space<vmem>>, %arg9: memref<32x1xf32, #tpu.memory_space<vmem>>, %arg10: memref<32x32xf32, #tpu.memory_space<vmem>>, %arg11: memref<32x1xf32, #tpu.memory_space<vmem>>, %arg12: memref<8x32xf32, #tpu.memory_space<vmem>>, %arg13: memref<8x1xf32, #tpu.memory_space<vmem>>, %arg14: memref<1x3x8192xf32, #tpu.memory_space<vmem>>) attributes {dimension_semantics = [#tpu.dimension_semantics<arbitrary>, #tpu.dimension_semantics<arbitrary>], iteration_bounds = array<i64: 4, 1>, scalar_prefetch = 0 : i64, scratch_operands = 0 : i64, tpu.core_type = #tpu.core_type<tc>, window_params = [{transform_indices = @transform_0, window_bounds = array<i64: 1, 48, 8192>}, {transform_indices = @transform_1, window_bounds = array<i64: 1, 3, 8192>}, {pipeline_mode = #tpu.pipeline_mode<synchronous>, transform_indices = @transform_2, window_bounds = array<i64: 512, 51>}, {pipeline_mode = #tpu.pipeline_mode<synchronous>, transform_indices = @transform_3, window_bounds = array<i64: 512, 1>}, {pipeline_mode = #tpu.pipeline_mode<synchronous>, transform_indices = @transform_4, window_bounds = array<i64: 512, 512>}, {pipeline_mode = #tpu.pipeline_mode<synchronous>, transform_indices = @transform_5, window_bounds = array<i64: 512, 1>}, {pipeline_mode = #tpu.pipeline_mode<synchronous>, transform_indices = @transform_6, window_bounds = array<i64: 32, 3>}, {pipeline_mode = #tpu.pipeline_mode<synchronous>, transform_indices = @transform_7, window_bounds = array<i64: 32, 1>}, {pipeline_mode = #tpu.pipeline_mode<synchronous>, transform_indices = @transform_8, window_bounds = array<i64: 32, 32>}, {pipeline_mode = #tpu.pipeline_mode<synchronous>, transform_indices = @transform_9, window_bounds = array<i64: 32, 1>}, {pipeline_mode = #tpu.pipeline_mode<synchronous>, transform_indices = @transform_10, window_bounds = array<i64: 8, 32>}, {pipeline_mode = #tpu.pipeline_mode<synchronous>, transform_indices = @transform_11, window_bounds = array<i64: 8, 1>}, {transform_indices = @transform_12, window_bounds = array<i64: 1, 3, 8192>}]} {
    %get3A = arith.constant 0 : index
    %get3A_0 = arith.constant 0 : index
    %get3A_1 = arith.constant 0 : index
    %get3A_2 = vector.load %arg2[%get3A, %get3A_0, %get3A_1] : memref<1x48x8192xf32, #tpu.memory_space<vmem>>, vector<1x48x8192xf32>
    %get3A_3 = vector.shape_cast %get3A_2 : vector<1x48x8192xf32> to vector<48x8192xf32>
    %get3A_4 = arith.constant 0 : index
    %get3A_5 = arith.constant 0 : index
    %get3A_6 = arith.constant 0 : index
    %get3A_7 = vector.load %arg3[%get3A_4, %get3A_5, %get3A_6] : memref<1x3x8192xf32, #tpu.memory_space<vmem>>, vector<1x3x8192xf32>
    %get3A_8 = vector.shape_cast %get3A_7 : vector<1x3x8192xf32> to vector<3x8192xf32>
    %concatenate3A = tpu.concatenate %get3A_3, %get3A_8 in 0 : vector<48x8192xf32>, vector<3x8192xf32> -> vector<51x8192xf32>
    %get3A_9 = arith.constant 0 : index
    %get3A_10 = arith.constant 0 : index
    %get3A_11 = vector.load %arg4[%get3A_9, %get3A_10] : memref<512x51xbf16, #tpu.memory_space<vmem>>, vector<512x51xbf16>
    %convert_element_type3A = arith.truncf %concatenate3A : vector<51x8192xf32> to vector<51x8192xbf16>
    %dot_general3A = arith.constant dense<0.000000e+00> : vector<512x8192xf32>
    %dot_general3A_12 = tpu.matmul %get3A_11, %convert_element_type3A, %dot_general3A {dimension_numbers = #tpu.dot_dimension_numbers<[1], [0], [0], [1], [0, 0, 1, 1], [], []>, transpose_lhs_hint = false} : vector<512x51xbf16>, vector<51x8192xbf16>, vector<512x8192xf32> -> vector<512x8192xf32>
    %get3A_13 = arith.constant 0 : index
    %get3A_14 = arith.constant 0 : index
    %get3A_15 = vector.load %arg5[%get3A_13, %get3A_14] : memref<512x1xf32, #tpu.memory_space<vmem>>, vector<512x1xf32>
    %add3A = vector.broadcast %get3A_15 : vector<512x1xf32> to vector<512x8192xf32>
    %add3A_16 = arith.addf %dot_general3A_12, %add3A : vector<512x8192xf32>
    %max3A = arith.constant 0.000000e+00 : f32
    %max3A_17 = vector.broadcast %max3A : f32 to vector<512x8192xf32>
    %max3A_18 = arith.maximumf %add3A_16, %max3A_17 : vector<512x8192xf32>
    %get3A_19 = arith.constant 0 : index
    %get3A_20 = arith.constant 0 : index
    %get3A_21 = vector.load %arg6[%get3A_19, %get3A_20] : memref<512x512xbf16, #tpu.memory_space<vmem>>, vector<512x512xbf16>
    %convert_element_type3A_22 = arith.truncf %max3A_18 : vector<512x8192xf32> to vector<512x8192xbf16>
    %dot_general3A_23 = arith.constant dense<0.000000e+00> : vector<512x8192xf32>
    %dot_general3A_24 = tpu.matmul %get3A_21, %convert_element_type3A_22, %dot_general3A_23 {dimension_numbers = #tpu.dot_dimension_numbers<[1], [0], [0], [1], [0, 0, 1, 1], [], []>, transpose_lhs_hint = false} : vector<512x512xbf16>, vector<512x8192xbf16>, vector<512x8192xf32> -> vector<512x8192xf32>
    %get3A_25 = arith.constant 0 : index
    %get3A_26 = arith.constant 0 : index
    %get3A_27 = vector.load %arg7[%get3A_25, %get3A_26] : memref<512x1xf32, #tpu.memory_space<vmem>>, vector<512x1xf32>
    %add3A_28 = vector.broadcast %get3A_27 : vector<512x1xf32> to vector<512x8192xf32>
    %add3A_29 = arith.addf %dot_general3A_24, %add3A_28 : vector<512x8192xf32>
    %max3A_30 = arith.constant 0.000000e+00 : f32
    %max3A_31 = vector.broadcast %max3A_30 : f32 to vector<512x8192xf32>
    %max3A_32 = arith.maximumf %add3A_29, %max3A_31 : vector<512x8192xf32>
    %slice3A = vector.extract_strided_slice %max3A_32 {offsets = [0, 0], sizes = [256, 8192], strides = [1, 1]} : vector<512x8192xf32> to vector<256x8192xf32>
    %slice3A_33 = vector.extract_strided_slice %max3A_32 {offsets = [256, 0], sizes = [256, 8192], strides = [1, 1]} : vector<512x8192xf32> to vector<256x8192xf32>
    %max3A_34 = arith.maximumf %slice3A, %slice3A_33 : vector<256x8192xf32>
    %slice3A_35 = vector.extract_strided_slice %max3A_34 {offsets = [0, 0], sizes = [128, 8192], strides = [1, 1]} : vector<256x8192xf32> to vector<128x8192xf32>
    %slice3A_36 = vector.extract_strided_slice %max3A_34 {offsets = [128, 0], sizes = [128, 8192], strides = [1, 1]} : vector<256x8192xf32> to vector<128x8192xf32>
    %max3A_37 = arith.maximumf %slice3A_35, %slice3A_36 : vector<128x8192xf32>
    %slice3A_38 = vector.extract_strided_slice %max3A_37 {offsets = [0, 0], sizes = [64, 8192], strides = [1, 1]} : vector<128x8192xf32> to vector<64x8192xf32>
    %slice3A_39 = vector.extract_strided_slice %max3A_37 {offsets = [64, 0], sizes = [64, 8192], strides = [1, 1]} : vector<128x8192xf32> to vector<64x8192xf32>
    %max3A_40 = arith.maximumf %slice3A_38, %slice3A_39 : vector<64x8192xf32>
    %slice3A_41 = vector.extract_strided_slice %max3A_40 {offsets = [0, 0], sizes = [32, 8192], strides = [1, 1]} : vector<64x8192xf32> to vector<32x8192xf32>
    %slice3A_42 = vector.extract_strided_slice %max3A_40 {offsets = [32, 0], sizes = [32, 8192], strides = [1, 1]} : vector<64x8192xf32> to vector<32x8192xf32>
    %max3A_43 = arith.maximumf %slice3A_41, %slice3A_42 : vector<32x8192xf32>
    %get3A_44 = arith.constant 0 : index
    %get3A_45 = arith.constant 0 : index
    %get3A_46 = vector.load %arg8[%get3A_44, %get3A_45] : memref<32x3xf32, #tpu.memory_space<vmem>>, vector<32x3xf32>
    %dot_general3A_47 = arith.constant dense<0.000000e+00> : vector<32x8192xf32>
    %dot_general3A_48 = tpu.matmul %get3A_46, %get3A_8, %dot_general3A_47 {dimension_numbers = #tpu.dot_dimension_numbers<[1], [0], [0], [1], [0, 0, 1, 1], [], []>, transpose_lhs_hint = false} : vector<32x3xf32>, vector<3x8192xf32>, vector<32x8192xf32> -> vector<32x8192xf32>
    %get3A_49 = arith.constant 0 : index
    %get3A_50 = arith.constant 0 : index
    %get3A_51 = vector.load %arg9[%get3A_49, %get3A_50] : memref<32x1xf32, #tpu.memory_space<vmem>>, vector<32x1xf32>
    %add3A_52 = vector.broadcast %get3A_51 : vector<32x1xf32> to vector<32x8192xf32>
    %add3A_53 = arith.addf %dot_general3A_48, %add3A_52 : vector<32x8192xf32>
    %max3A_54 = arith.constant 0.000000e+00 : f32
    %max3A_55 = vector.broadcast %max3A_54 : f32 to vector<32x8192xf32>
    %max3A_56 = arith.maximumf %add3A_53, %max3A_55 : vector<32x8192xf32>
    %get3A_57 = arith.constant 0 : index
    %get3A_58 = arith.constant 0 : index
    %get3A_59 = vector.load %arg10[%get3A_57, %get3A_58] : memref<32x32xf32, #tpu.memory_space<vmem>>, vector<32x32xf32>
    %dot_general3A_60 = arith.constant dense<0.000000e+00> : vector<32x8192xf32>
    %dot_general3A_61 = tpu.matmul %get3A_59, %max3A_56, %dot_general3A_60 {dimension_numbers = #tpu.dot_dimension_numbers<[1], [0], [0], [1], [0, 0, 1, 1], [], []>, transpose_lhs_hint = false} : vector<32x32xf32>, vector<32x8192xf32>, vector<32x8192xf32> -> vector<32x8192xf32>
    %get3A_62 = arith.constant 0 : index
    %get3A_63 = arith.constant 0 : index
    %get3A_64 = vector.load %arg11[%get3A_62, %get3A_63] : memref<32x1xf32, #tpu.memory_space<vmem>>, vector<32x1xf32>
    %add3A_65 = vector.broadcast %get3A_64 : vector<32x1xf32> to vector<32x8192xf32>
    %add3A_66 = arith.addf %dot_general3A_61, %add3A_65 : vector<32x8192xf32>
    %max3A_67 = arith.constant 0.000000e+00 : f32
    %max3A_68 = vector.broadcast %max3A_67 : f32 to vector<32x8192xf32>
    %max3A_69 = arith.maximumf %add3A_66, %max3A_68 : vector<32x8192xf32>
    %add3A_70 = arith.addf %max3A_43, %max3A_69 : vector<32x8192xf32>
    %get3A_71 = arith.constant 0 : index
    %get3A_72 = arith.constant 0 : index
    %get3A_73 = vector.load %arg12[%get3A_71, %get3A_72] : memref<8x32xf32, #tpu.memory_space<vmem>>, vector<8x32xf32>
    %dot_general3A_74 = arith.constant dense<0.000000e+00> : vector<8x8192xf32>
    %dot_general3A_75 = tpu.matmul %get3A_73, %add3A_70, %dot_general3A_74 {dimension_numbers = #tpu.dot_dimension_numbers<[1], [0], [0], [1], [0, 0, 1, 1], [], []>, transpose_lhs_hint = false} : vector<8x32xf32>, vector<32x8192xf32>, vector<8x8192xf32> -> vector<8x8192xf32>
    %get3A_76 = arith.constant 0 : index
    %get3A_77 = arith.constant 0 : index
    %get3A_78 = vector.load %arg13[%get3A_76, %get3A_77] : memref<8x1xf32, #tpu.memory_space<vmem>>, vector<8x1xf32>
    %add3A_79 = vector.broadcast %get3A_78 : vector<8x1xf32> to vector<8x8192xf32>
    %add3A_80 = arith.addf %dot_general3A_75, %add3A_79 : vector<8x8192xf32>
    %slice3A_81 = vector.extract_strided_slice %add3A_80 {offsets = [0, 0], sizes = [3, 8192], strides = [1, 1]} : vector<8x8192xf32> to vector<3x8192xf32>
    %swap3A = arith.constant 0 : index
    %swap3A_82 = arith.constant 0 : index
    %swap3A_83 = arith.constant 0 : index
    %swap3A_84 = vector.load %arg14[%swap3A, %swap3A_82, %swap3A_83] : memref<1x3x8192xf32, #tpu.memory_space<vmem>>, vector<1x3x8192xf32>
    %swap3A_85 = vector.shape_cast %swap3A_84 : vector<1x3x8192xf32> to vector<3x8192xf32>
    %swap3A_86 = vector.shape_cast %slice3A_81 : vector<3x8192xf32> to vector<1x3x8192xf32>
    tpu.vector_store %arg14[%swap3A, %swap3A_82, %swap3A_83], %swap3A_86 {strides = array<i32>} : memref<1x3x8192xf32, #tpu.memory_space<vmem>>, vector<1x3x8192xf32>,
    return
  }
  func.func @transform_0(%arg0: i32, %arg1: i32) -> (i32, i32, i32) {
    %c0_i32 = arith.constant 0 : i32
    %c0_i32_0 = arith.constant 0 : i32
    return %arg0, %c0_i32, %arg1 : i32, i32, i32
  }
  func.func @transform_1(%arg0: i32, %arg1: i32) -> (i32, i32, i32) {
    %c0_i32 = arith.constant 0 : i32
    %c0_i32_0 = arith.constant 0 : i32
    return %arg0, %c0_i32, %arg1 : i32, i32, i32
  }
  func.func @transform_2(%arg0: i32, %arg1: i32) -> (i32, i32) {
    %c0_i32 = arith.constant 0 : i32
    %c0_i32_0 = arith.constant 0 : i32
    %c0_i32_1 = arith.constant 0 : i32
    return %c0_i32, %c0_i32_0 : i32, i32
  }
  func.func @transform_3(%arg0: i32, %arg1: i32) -> (i32, i32) {
    %c0_i32 = arith.constant 0 : i32
    %c0_i32_0 = arith.constant 0 : i32
    %c0_i32_1 = arith.constant 0 : i32
    return %c0_i32, %c0_i32_0 : i32, i32
  }
  func.func @transform_4(%arg0: i32, %arg1: i32) -> (i32, i32) {
    %c0_i32 = arith.constant 0 : i32
    %c0_i32_0 = arith.constant 0 : i32
    %c0_i32_1 = arith.constant 0 : i32
    return %c0_i32, %c0_i32_0 : i32, i32
  }
  func.func @transform_5(%arg0: i32, %arg1: i32) -> (i32, i32) {
    %c0_i32 = arith.constant 0 : i32
    %c0_i32_0 = arith.constant 0 : i32
    %c0_i32_1 = arith.constant 0 : i32
    return %c0_i32, %c0_i32_0 : i32, i32
  }
  func.func @transform_6(%arg0: i32, %arg1: i32) -> (i32, i32) {
    %c0_i32 = arith.constant 0 : i32
    %c0_i32_0 = arith.constant 0 : i32
    %c0_i32_1 = arith.constant 0 : i32
    return %c0_i32, %c0_i32_0 : i32, i32
  }
  func.func @transform_7(%arg0: i32, %arg1: i32) -> (i32, i32) {
    %c0_i32 = arith.constant 0 : i32
    %c0_i32_0 = arith.constant 0 : i32
    %c0_i32_1 = arith.constant 0 : i32
    return %c0_i32, %c0_i32_0 : i32, i32
  }
  func.func @transform_8(%arg0: i32, %arg1: i32) -> (i32, i32) {
    %c0_i32 = arith.constant 0 : i32
    %c0_i32_0 = arith.constant 0 : i32
    %c0_i32_1 = arith.constant 0 : i32
    return %c0_i32, %c0_i32_0 : i32, i32
  }
  func.func @transform_9(%arg0: i32, %arg1: i32) -> (i32, i32) {
    %c0_i32 = arith.constant 0 : i32
    %c0_i32_0 = arith.constant 0 : i32
    %c0_i32_1 = arith.constant 0 : i32
    return %c0_i32, %c0_i32_0 : i32, i32
  }
  func.func @transform_10(%arg0: i32, %arg1: i32) -> (i32, i32) {
    %c0_i32 = arith.constant 0 : i32
    %c0_i32_0 = arith.constant 0 : i32
    %c0_i32_1 = arith.constant 0 : i32
    return %c0_i32, %c0_i32_0 : i32, i32
  }
  func.func @transform_11(%arg0: i32, %arg1: i32) -> (i32, i32) {
    %c0_i32 = arith.constant 0 : i32
    %c0_i32_0 = arith.constant 0 : i32
    %c0_i32_1 = arith.constant 0 : i32
    return %c0_i32, %c0_i32_0 : i32, i32
  }
  func.func @transform_12(%arg0: i32, %arg1: i32) -> (i32, i32, i32) {
    %c0_i32 = arith.constant 0 : i32
    %c0_i32_0 = arith.constant 0 : i32
    return %arg0, %c0_i32, %arg1 : i32, i32, i32
  }
}

</mosaic_0001>

<sc_bundles>
// kernel: kernel.4.cloned.1.call-start
scs
__scs_entry_jumppad:
0x0: {  	(pc) =	sbr.rel $0x88, $3  }
0x1: {  	(tag) =	ssettag $0x0;
	lr =	simm.s32 $0x1  }
0x2: {  	[smem:$0x3F95] =	sst lr;
	_ =	strace $0xD0000000  }
0x3: {  	_ = 	snop  }
0x4: {  	_ = 	snop  }
0x5: {  	_ = 	snop  }
0x6: {  	_ = 	snop  }
0x7: {  	_ = 	snop  }
__scs_overlays_trampoline_lowered:
0x8: {  	[smem:$0x3FA4] =	sst s0  }
0x9: {  	[smem:$0x3FA5] =	sst s1  }
0xa: {  	[smem:$0x3FA6] =	sst s2  }
0xb: {  	[smem:$0x3FA7] =	sst s3  }
0xc: {  	[smem:$0x3FA8] =	sst s4  }
0xd: {  	[smem:$0x3FA9] =	sst s5  }
0xe: {  	[smem:$0x3FAA] =	sst s6  }
0xf: {  	[smem:$0x3FAB] =	sst s7  }
0x10: {  	[smem:$0x3FAC] =	sst s8  }
0x11: {  	[smem:$0x3FAD] =	sst s9;
	s0 =	simm.s32 @!p0 $0x0  }
0x12: {  	s1 =	sld [smem:$0x3F93];
	s0 =	simm.s32 @p0 $0x1  }
0x13: {  	[smem:$0x3FAE] =	sst s0;
	s0 =	simm.s32 @!p1 $0x0  }
0x14: {  	s2 =	sld [smem:$0x3F92];
	s0 =	simm.s32 @p1 $0x1  }
0x15: {  	[smem:$0x3FAF] =	sst s0;
	s0 =	simm.s32 @!p2 $0x0  }
0x16: {  	s3 =	sld [smem:$0x3FDB];
	s0 =	simm.s32 @p2 $0x1  }
0x17: {  	s4 =	simm.s32 $0x1BF5;
	[smem:$0x3FB1] =	sst s0  }
0x18: {  	s0 =	sld [smem:$0x3F94];
	_ =	swait.ge [sflag:s4], $0x0  }
0x19: {  	s7 =	sld [smem:$0x3F95]  }
0x1a: {  	s8 =	sadd.s32 $0xFFFFE003, lr  }
0x1b: {  	s9 =	sadd.s32 $0xFFFFFEF7, lr;
	s5 =	simm.s32 $0xFFFFFFFF;
	p2 =	slt.u32 s8, $0xFFFFF086  }
0x1c: {  	p1 =	slt.u32 s9, $0xF7A;
	s5 =	simm.s32 @!p2 $0x0  }
0x1d: {  	s5 =	simm.s32 @p1 $0x1;
	p0 =	seq.s32 s7, s2  }
0x1e: {  	s7 =	smul.u32 @!p0 $0xF7A, s2;
	p2 =	seq.s32 @!p0 s5, $0x0  }
0x1f: {  	s9 =	smul.u32 $0xF7A, s1;
	s8 =	simm.s32 @!p0 $0x1BF5;
	p2 =	por !p2, p0  }
0x20: {  	[sflag:s8] =	ssyncset.s32 @!p0 $0xFFFFF086;
	s6 =	sadd.s32 @!p0 s3, s7;
	s7 =	simm.s32 @!p0 $0x108  }
0x21: {  	s3 =	sadd.s32 s3, s9;
	s6 =	sadd.s32 @!p0 $0x88, s6;
	s7 =	simm.s32 @p2 $0x1082  }
0x22: {  	[simem:s7], [sflag:s8] =	dma.local @!p0 [hbm:s6], $0xF7A  }
0x23: {  	s9 =	sor.u32 $0xD0000000, s2;
	s6 =	simm.s32 $0x108;
	_ =	swait.ge @!p0 [sflag:s8], $0x0  }
0x24: {  	s3 =	sadd.s32 $0x88, s3;
	s6 =	simm.s32 @!p1 $0x1082;
	[sflag:s4] =	ssyncset.s32 $0xFFFFF086  }
0x25: {  	[simem:s6], [sflag:s4] =	dma.local [hbm:s3], $0xF7A  }
0x26: {  	[smem:$0x3F95] =	sst s1;
	(tag) =	ssettag s2;
	_ =	strace s9  }
0x27: {  	s1 =	sld [smem:$0x3FA5]  }
0x28: {  	s2 =	sld [smem:$0x3FA6]  }
0x29: {  	s4 =	sld [smem:$0x3FA8]  }
0x2a: {  	p0 =	seq.s32 s5, $0x0;
	s5 =	sld [smem:$0x3FA9]  }
0x2b: {  	s6 =	sld [smem:$0x3FAA]  }
0x2c: {  	s7 =	sld [smem:$0x3FAB]  }
0x2d: {  	s3 =	simm.s32 $0x108;
	s8 =	sld [smem:$0x3FAC]  }
0x2e: {  	s3 =	simm.s32 @!p0 $0x1082;
	s9 =	sld [smem:$0x3FAD]  }
0x2f: {  	lr =	sadd.s32 s0, s3;
	s0 =	sld [smem:$0x3FA4]  }
0x30: {  	s3 =	sld [smem:$0x3FA7]  }
0x31: {  	[smem:$0x3FB0] =	sst s10  }
0x32: {  	s10 =	sld [smem:$0x3FAE];
	_ =	sdelay $0x3  }
0x33: {  	p0 =	seq.s32 s10, $0x1;
	s10 =	sld [smem:$0x3FB0];
	_ =	sdelay $0x3  }
0x34: {  	[smem:$0x3FB0] =	sst s10  }
0x35: {  	s10 =	sld [smem:$0x3FAF];
	_ =	sdelay $0x3  }
0x36: {  	p1 =	seq.s32 s10, $0x1;
	s10 =	sld [smem:$0x3FB0];
	_ =	sdelay $0x3  }
0x37: {  	[smem:$0x3FB0] =	sst s10  }
0x38: {  	s10 =	sld [smem:$0x3FB1]  }
0x39: {  	_ = 	snop;
	(pc) =	sbr.ind lr, $3  }
0x3a: {  	_ = 	snop  }
0x3b: {  	_ = 	snop  }
0x3c: {  	p2 =	seq.s32 s10, $0x1;
	s10 =	sld [smem:$0x3FB0]  }
0x3d: {  	_ =	shalt  }
0x3e: {  	_ =	shalt  }
0x3f: {  	_ =	shalt  }
0x40: {  	_ =	shalt  }
0x41: {  	_ =	shalt  }
0x42: {  	_ =	shalt  }
0x43: {  	_ =	shalt  }
0x44: {  	_ =	shalt  }
0x45: {  	_ =	shalt  }
0x46: {  	_ =	shalt  }
0x47: {  	_ =	shalt  }
0x48: {  	_ =	shalt  }
0x49: {  	_ =	shalt  }
0x4a: {  	_ =	shalt  }
0x4b: {  	_ =	shalt  }
0x4c: {  	_ =	shalt  }
0x4d: {  	_ =	shalt  }
0x4e: {  	_ =	shalt  }
0x4f: {  	_ =	shalt  }
0x50: {  	_ =	shalt  }
0x51: {  	_ =	shalt  }
0x52: {  	_ =	shalt  }
0x53: {  	_ =	shalt  }
0x54: {  	_ =	shalt  }
0x55: {  	_ =	shalt  }
0x56: {  	_ =	shalt  }
0x57: {  	_ =	shalt  }
0x58: {  	_ =	shalt  }
0x59: {  	_ =	shalt  }
0x5a: {  	_ =	shalt  }
0x5b: {  	_ =	shalt  }
0x5c: {  	_ =	shalt  }
0x5d: {  	_ =	shalt  }
0x5e: {  	_ =	shalt  }
0x5f: {  	_ =	shalt  }
0x60: {  	_ =	shalt  }
0x61: {  	_ =	shalt  }
0x62: {  	_ =	shalt  }
0x63: {  	_ =	shalt  }
0x64: {  	_ =	shalt  }
0x65: {  	_ =	shalt  }
0x66: {  	_ =	shalt  }
0x67: {  	_ =	shalt  }
0x68: {  	_ =	shalt  }
0x69: {  	_ =	shalt  }
0x6a: {  	_ =	shalt  }
0x6b: {  	_ =	shalt  }
0x6c: {  	_ =	shalt  }
0x6d: {  	_ =	shalt  }
0x6e: {  	_ =	shalt  }
0x6f: {  	_ =	shalt  }
0x70: {  	_ =	shalt  }
0x71: {  	_ =	shalt  }
0x72: {  	_ =	shalt  }
0x73: {  	_ =	shalt  }
0x74: {  	_ =	shalt  }
0x75: {  	_ =	shalt  }
0x76: {  	_ =	shalt  }
0x77: {  	_ =	shalt  }
0x78: {  	_ =	shalt  }
0x79: {  	_ =	shalt  }
0x7a: {  	_ =	shalt  }
0x7b: {  	_ =	shalt  }
0x7c: {  	_ =	shalt  }
0x7d: {  	_ =	shalt  }
0x7e: {  	_ =	shalt  }
0x7f: {  	_ =	shalt  }
0x80: {  	_ =	shalt  }
0x81: {  	_ =	shalt  }
0x82: {  	_ =	shalt  }
0x83: {  	_ =	shalt  }
0x84: {  	_ =	shalt  }
0x85: {  	_ =	shalt  }
0x86: {  	_ =	shalt  }
0x87: {  	_ =	shalt  }
.Lfunc_end0:
.L_simem_size_0:
called_computation_lowered:
.L_overlay_start_0:
0x88: {  	s2 =	sld [smem:$0x3FD9]  }
0x89: {  	s3 =	sld [smem:$0x3FFE];
	_ =	sdelay $0x1  }
0x8a: {  	s1 =	srdreg.scid  }
0x8b: {  	s0 =	sand.u32 $0x1, s1  }
0x8c: {  	s17 =	sshll.u32 s0, $0xA;
	s2 =	sadd.s32 s3, s2  }
0x8d: {  	s2 =	sadd.s32 s2, s17  }
0x8e: {  	[smem:$0x3FBC] =	sst s2  }
0x8f: {  	_ = 	snop  }
0x90: {  	s2 =	sld [smem:$0x3FC8]  }
0x91: {  	s18 =	sld [smem:$0x3FD0];
	(tm) =	ssettm $0x1  }
0x92: {  	s4 =	sld [smem:$0x3FFB];
	_ =	sdelay $0x3  }
0x93: {  	_ =	strace s4  }
0x94: {  	s4 =	sld [smem:$0x3FFC];
	_ =	sdelay $0x3  }
0x95: {  	_ =	strace s4  }
0x96: {  	s4 =	sld [smem:$0x3FFD];
	_ =	sdelay $0x3  }
0x97: {  	_ =	strace s4  }
0x98: {  	_ =	strace $0x8FFFFFFF  }
0x99: {  	s19 =	sld [smem:$0x3FDB];
	_ =	sdelay $0x1  }
0x9a: {  	s5 =	simm.s32 $_scs_section_size  }
0x9b: {  	s6 =	simm.s32 $_size__tile_overlayer_lowered;
	s7 =	simm.s32 $_tile_overlayer_lowered  }
0x9c: {  	s22 =	simm.s32 $0x1BFF;
	s21 =	sshll.u32 s7, $0x1;
	s4 =	sadd.s32 s5, s19  }
0x9d: {  	s8 =	simm.s32 $0x0;
	s20 =	sshll.u32 s6, $0x1;
	s6 =	sadd.s32 s21, s4  }
0x9e: {  	[timem:s8], [sflag:s22] =	dma.local [hbm:s6], s20  }
0x9f: {  	_ =	swait.ge [sflag:s22], s20  }
0xa0: {  	s5 =	ssub.s32 $0x0, s20;
	[sflag:s22] =	ssyncset.done $0x0  }
0xa1: {  	[sflag:s22] =	ssyncadd.s32 s5;
	_ =	sdelay $0x1  }
0xa2: {  	s23 =	simm.s32 $0x1B8B  }
0xa3: {  	_ =	swait.ge [sflag:s23], $0x1  }
0xa4: {  	[sflag:s23] =	ssyncset.done $0x0  }
0xa5: {  	s25 =	simm.s32 $0x1B8E;
	s24 =	sld [smem:$0x3FFE];
	[sflag:s23] =	ssyncadd.s32 $0xFFFFFFFF  }
0xa6: {  	s26 =	simm.s32 $execute0_lowered;
	[smem:$0x3FD2] =	sst s25  }
0xa7: {  	s6 =	sshll.u32 s26, $0x1;
	_ =	strace $0x80000046;
	[dreg:$0x1] =	wrdreg $0xFFFFFFFF  }
0xa8: {  	s28 =	simm.s32 $_size_execute0_lowered;
	s4 =	sadd.s32 s4, s6;
	[dreg:$0x0] =	wrdreg $0x0  }
0xa9: {  	s6 =	sshll.u32 s28, $0x1;
	[dreg:$0x2] =	wrdreg s4  }
0xaa: {  	[dreg:$0x3] =	wrdreg s6  }
0xab: {  	[dreg:$0x4] =	wrdreg $0xC0  }
0xac: {  	_ =	task [dreg:s8], $0x5FFFF  }
0xad: {  	[dreg:$0x1] =	wrdreg $0xFFFFFFFF  }
0xae: {  	[dreg:$0x0] =	wrdreg $0x60  }
0xaf: {  	[dreg:$0x2] =	wrdreg s18  }
0xb0: {  	[dreg:$0x3] =	wrdreg s2  }
0xb1: {  	[dreg:$0x4] =	wrdreg s24  }
0xb2: {  	[dreg:$0x5] =	wrdreg $0x9  }
0xb3: {  	_ =	task.clear_ibuf [dreg:s8], $0x6FFFF;
	_ =	strace $0x90000046  }
0xb4: {  	s29 =	simm.s32 $0x9;
	_ =	strace $0x80000048  }
0xb5: {  	_ =	swait.ge [sflag:s29], $0x1  }
0xb6: {  	[sflag:s29] =	ssyncadd.s32 $0xFFFFFFFF  }
0xb7: {  	_ =	strace $0x90000048  }
0xb8: {  	_ =	sfence  }
0xb9: {  	s30 =	sld [smem:$0x0];
	_ =	sdelay $0x2  }
0xba: {  	s31 =	sshll.u32 s1, $0xD;
	s1 =	sshrl.u32 s1, $0x2  }
0xbb: {  	s3 =	sand.u32 $0x4000, s31;
	s1 =	sadd.s32 s1, s30  }
0xbc: {  	s0 =	sor.u32 s3, s0;
	s1 =	sshll.u32 s1, $0x11  }
0xbd: {  	s0 =	sor.u32 s1, s0  }
0xbe: {  	s0 =	sadd.s32 $0x8F2B, s0  }
0xbf: {  	[sflag:s0] =	ssyncadd.remote.s32 $0x1  }
0xc0: {  	_ =	sfence.sel $0xFFFF  }
0xc1: {  	[dreg:$0x0] =	wrdreg $0xFFFFFFFF;
	(pc) =	sbr.abs _section_cstart, $3  }
0xc2: {  	[dreg:$0x1] =	wrdreg $0xFFFFFFFF  }
0xc3: {  	_ =	task.clear_ibuf [dreg:s8], $0x2FFFF;
	_ =	strace $0x9FFFFFFF  }
0xc4: {  	(tm) =	ssettm $0x7FFFFFFF  }
0xc5: {  	_ =	shalt  }
tec
execute0_lowered:
.L_overlay_start_1:
0x0: {  	(tag) =	ssettag $0x1  }
0x1: {  	s8 =	rddreg [dreg:$0x0]  }
0x2: {  	s0 =	rddreg [dreg:$0x1]  }
0x3: {  	s1 =	rddreg [dreg:$0x2];
	s3 =	simm.s32 $0x0;
	s2 =	srdreg.scid  }
0x4: {  	s5 =	stileid.u32;
	s16 =	simm.s32 $0x80;
	s17 =	simm.s32 $0x200  }
0x5: {  	s18 =	simm.s32 $0x800;
	s19 =	simm.s32 $0x10000;
	s21 =	simm.s32 $0x6000  }
0x6: {  	s28 =	simm.s32 $0x4;
	s29 =	simm.s32 $0x5;
	s30 =	simm.s32 $0x6  }
0x7: {  	s31 =	simm.s32 $0x0;
	[smem:$0x7FF] =	sst s3;
	s2 =	sand.u32 $0x1, s2  }
0x8: {  	s5 =	sshll.u32 s5, $0x9;
	s1 =	sadd.s32 $0x1A00, s1;
	s23 =	sadd.s32 $0x10, s8  }
0x9: {  	s25 =	sadd.s32 $0x20, s8;
	s11 =	sadd.s32 $0x30, s8;
	s4 =	ssub.s32 $0x2, s2  }
0xa: {  	s2 =	sshll.u32 s2, $0x8;
	_ =	strace $0x80000047;
	[dreg:$0x4] =	wrdreg s23  }
0xb: {  	[dreg:$0x6] =	wrdreg s25;
	s23 =	simm.s32 $0x1;
	s6 =	sshrl.u32 s4, $0x1  }
0xc: {  	s25 =	simm.s32 $0xE000;
	s2 =	sor.u32 s2, s5;
	s22 =	ssub.s32 s4, s6  }
0xd: {  	s4 =	sadd.s32 s0, s2;
	s7 =	sadd.s32 s1, s2;
	s2 =	sor.u32 $0xC000, s2  }
0xe: {  	s24 =	sadd.s32 $0x4000, s4;
	s26 =	sadd.s32 $0x8000, s4;
	s1 =	sadd.s32 s1, s2  }
0xf: {  	s12 =	sadd.s32 s0, s2;
	s13 =	sadd.s32 $0x18000, s7;
	[dreg:$0x5] =	wrdreg s24  }
0x10: {  	s14 =	sadd.s32 $0x24000, s7;
	s15 =	smax.u32 s22, $0x1;
	[dreg:$0x7] =	wrdreg s26  }
0x11: {  	[dreg:$0x8] =	wrdreg s1;
	s24 =	simm.s32 $0x3;
	s26 =	simm.s32 $0x2  }
.LBB2_1:
0x12: {  	s0 =	rddreg [dreg:$0x0]  }
0x13: {  	[tilespmem:s3], [sflag:$0x1] =	stream.strided.gather [hbm4b:s0+s16], $0x6000, s17, s16, $0x38;
	[tilespmem:$0x11000] =	vst v63  }
0x14: {  	s10 =	simm.s32 $0xC000  }
0x15: {  	[tilespmem:s10], [sflag:$0x3] =	stream.strided.gather [hbm4b:s4+s18], $0x1000, s19, s18, $0x38;
	[tilespmem:$0x11000] =	vst v63  }
0x16: {  	s20 =	rddreg [dreg:$0x4]  }
0x17: {  	[tilespmem:s21], [sflag:$0x2] =	stream.strided.gather [hbm4b:s20+s16], $0x6000, s17, s16, $0x38;
	[tilespmem:$0x11000] =	vst v63  }
0x18: {  	s22 =	rddreg [dreg:$0x5];
	s1 =	simm.s32 $0xD000  }
0x19: {  	[tilespmem:s1], [sflag:$0x4] =	stream.strided.gather [hbm4b:s22+s18], $0x1000, s19, s18, $0x38;
	[tilespmem:$0x11000] =	vst v63  }
0x1a: {  	_ =	swait.ge [sflag:s23], $0x6000  }
0x1b: {  	[sflag:s23] =	ssyncset.done $0x0  }
0x1c: {  	[sflag:s23] =	ssyncadd.s32 $0xFFFFA000  }
0x1d: {  	_ =	swait.ge [sflag:s24], $0x1000  }
0x1e: {  	[sflag:s24] =	ssyncset.done $0x0  }
0x1f: {  	s2 =	simm.s32 $0x0;
	s0 =	simm.s32 $0x0;
	[sflag:s24] =	ssyncadd.s32 $0xFFFFF000  }
.LBB2_2:
0x20: {  	s1 =	sand.u32 $0x70, s2;
	s5 =	sand.u32 $0x400, s0  }
0x21: {  	s1 =	sor.u32 s1, s5  }
0x22: {  	v0 =	vld [tilespmem:s1+$0xC000];
	_ =	sdelay $0x7  }
0x23: {  	v1 =	vld.idx.msk [tilespmem:v0+s3+$0x0], $0xffff  }
0x24: {  	v2 =	vadd.s32 $0x2000, v0;
	_ =	sdelay $0x3  }
0x25: {  	[tilespmem:s1+$0xE000] =	vst v1  }
0x26: {  	v1 =	vld.idx.msk [tilespmem:v2+s3+$0x0], $0xffff  }
0x27: {  	v0 =	vadd.s32 $0x4000, v0  }
0x28: {  	s20 =	sand.u32 $0xFFFFFC00, s0  }
0x29: {  	s5 =	sadd.s32 s20, s2  }
0x2a: {  	s6 =	sor.u32 $0x80, s5  }
0x2b: {  	[tilespmem:s6+$0xE000] =	vst v1  }
0x2c: {  	v0 =	vld.idx.msk [tilespmem:v0+s3+$0x0], $0xffff;
	_ =	sdelay $0x4  }
0x2d: {  	[tilespmem:s1+$0xE100] =	vst v0  }
0x2e: {  	v0 =	vld [tilespmem:s6+$0xC000];
	_ =	sdelay $0x7  }
0x2f: {  	v1 =	vld.idx.msk [tilespmem:v0+s3+$0x0], $0xffff  }
0x30: {  	v34 =	vadd.s32 $0x2000, v0;
	_ =	sdelay $0x2  }
0x31: {  	s22 =	sor.u32 $0x180, s5  }
0x32: {  	[tilespmem:s22+$0xE000] =	vst v1  }
0x33: {  	v1 =	vld.idx.msk [tilespmem:v34+s3+$0x0], $0xffff  }
0x34: {  	v0 =	vadd.s32 $0x4000, v0;
	_ =	sdelay $0x3  }
0x35: {  	[tilespmem:s1+$0xE200] =	vst v1  }
0x36: {  	v0 =	vld.idx.msk [tilespmem:v0+s3+$0x0], $0xffff;
	_ =	sdelay $0x3  }
0x37: {  	s9 =	sor.u32 $0x280, s5  }
0x38: {  	[tilespmem:s9+$0xE000] =	vst v0  }
0x39: {  	v0 =	vld [tilespmem:s1+$0xC100];
	_ =	sdelay $0x7  }
0x3a: {  	v1 =	vld.idx.msk [tilespmem:v0+s3+$0x0], $0xffff  }
0x3b: {  	v35 =	vadd.s32 $0x2000, v0;
	_ =	sdelay $0x3  }
0x3c: {  	[tilespmem:s1+$0xE300] =	vst v1  }
0x3d: {  	v1 =	vld.idx.msk [tilespmem:v35+s3+$0x0], $0xffff  }
0x3e: {  	v0 =	vadd.s32 $0x4000, v0;
	_ =	sdelay $0x1  }
0x3f: {  	s20 =	sor.u32 s2, s0  }
0x40: {  	s10 =	sor.u32 $0x380, s20  }
0x41: {  	[tilespmem:s10+$0xE000] =	vst v1  }
0x42: {  	v0 =	vld.idx.msk [tilespmem:v0+s3+$0x0], $0xffff;
	_ =	sdelay $0x4  }
0x43: {  	[tilespmem:s1+$0xE800] =	vst v0  }
0x44: {  	v0 =	vld [tilespmem:s22+$0xC000];
	_ =	sdelay $0x7  }
0x45: {  	v1 =	vld.idx.msk [tilespmem:v0+s3+$0x0], $0xffff  }
0x46: {  	v36 =	vadd.s32 $0x2000, v0;
	_ =	sdelay $0x2  }
0x47: {  	s22 =	sor.u32 $0x880, s5  }
0x48: {  	[tilespmem:s22+$0xE000] =	vst v1  }
0x49: {  	v1 =	vld.idx.msk [tilespmem:v36+s3+$0x0], $0xffff  }
0x4a: {  	v0 =	vadd.s32 $0x4000, v0;
	_ =	sdelay $0x3  }
0x4b: {  	[tilespmem:s1+$0xE900] =	vst v1  }
0x4c: {  	v0 =	vld.idx.msk [tilespmem:v0+s3+$0x0], $0xffff;
	_ =	sdelay $0x3  }
0x4d: {  	s8 =	sor.u32 $0x980, s5  }
0x4e: {  	[tilespmem:s8+$0xE000] =	vst v0  }
0x4f: {  	v0 =	vld [tilespmem:s1+$0xC200];
	_ =	sdelay $0x7  }
0x50: {  	v1 =	vld.idx.msk [tilespmem:v0+s3+$0x0], $0xffff  }
0x51: {  	v37 =	vadd.s32 $0x2000, v0;
	_ =	sdelay $0x3  }
0x52: {  	[tilespmem:s1+$0xEA00] =	vst v1  }
0x53: {  	v1 =	vld.idx.msk [tilespmem:v37+s3+$0x0], $0xffff  }
0x54: {  	v0 =	vadd.s32 $0x4000, v0;
	_ =	sdelay $0x2  }
0x55: {  	s5 =	sor.u32 $0xA80, s5  }
0x56: {  	[tilespmem:s5+$0xE000] =	vst v1  }
0x57: {  	v0 =	vld.idx.msk [tilespmem:v0+s3+$0x0], $0xffff;
	_ =	sdelay $0x4  }
0x58: {  	[tilespmem:s1+$0xEB00] =	vst v0  }
0x59: {  	v0 =	vld [tilespmem:s9+$0xC000];
	_ =	sdelay $0x7  }
0x5a: {  	v1 =	vld.idx.msk [tilespmem:v0+s3+$0x0], $0xffff  }
0x5b: {  	v38 =	vadd.s32 $0x2000, v0;
	_ =	sdelay $0x2  }
0x5c: {  	s20 =	sor.u32 $0xB80, s20  }
0x5d: {  	[tilespmem:s20+$0xE000] =	vst v1  }
0x5e: {  	v1 =	vld.idx.msk [tilespmem:v38+s3+$0x0], $0xffff  }
0x5f: {  	v0 =	vadd.s32 $0x4000, v0;
	_ =	sdelay $0x2  }
0x60: {  	v39 =	vld [tilespmem:s1+$0xC300]  }
0x61: {  	[tilespmem:s1+$0xF000] =	vst v1  }
0x62: {  	v0 =	vld.idx.msk [tilespmem:v0+s3+$0x0], $0xffff;
	_ =	sdelay $0x4  }
0x63: {  	[tilespmem:s1+$0xF080] =	vst v0  }
0x64: {  	v0 =	vld.idx.msk [tilespmem:v39+s3+$0x0], $0xffff  }
0x65: {  	v40 =	vadd.s32 $0x2000, v39;
	_ =	sdelay $0x3  }
0x66: {  	[tilespmem:s1+$0xF100] =	vst v0  }
0x67: {  	v0 =	vld.idx.msk [tilespmem:v40+s3+$0x0], $0xffff  }
0x68: {  	v41 =	vadd.s32 $0x4000, v39;
	_ =	sdelay $0x3  }
0x69: {  	[tilespmem:s1+$0xF180] =	vst v0  }
0x6a: {  	v0 =	vld.idx.msk [tilespmem:v41+s3+$0x0], $0xffff;
	_ =	sdelay $0x4  }
0x6b: {  	[tilespmem:s1+$0xF200] =	vst v0  }
0x6c: {  	v0 =	vld [tilespmem:s10+$0xC000];
	_ =	sdelay $0x7  }
0x6d: {  	v42 =	vld.idx.msk [tilespmem:v0+s3+$0x0], $0xffff  }
0x6e: {  	v43 =	vadd.s32 $0x2000, v0;
	_ =	sdelay $0x3  }
0x6f: {  	[tilespmem:s1+$0xF280] =	vst v42  }
0x70: {  	v1 =	vld.idx.msk [tilespmem:v43+s3+$0x0], $0xffff  }
0x71: {  	v0 =	vadd.s32 $0x4000, v0;
	_ =	sdelay $0x2  }
0x72: {  	v44 =	vld [tilespmem:s1+$0xC800]  }
0x73: {  	[tilespmem:s1+$0xF300] =	vst v1  }
0x74: {  	v0 =	vld.idx.msk [tilespmem:v0+s3+$0x0], $0xffff;
	_ =	sdelay $0x4  }
0x75: {  	[tilespmem:s1+$0xF380] =	vst v0  }
0x76: {  	v0 =	vld.idx.msk [tilespmem:v44+s3+$0x0], $0xffff  }
0x77: {  	v45 =	vadd.s32 $0x2000, v44;
	_ =	sdelay $0x3  }
0x78: {  	[tilespmem:s1+$0xF800] =	vst v0  }
0x79: {  	v0 =	vld.idx.msk [tilespmem:v45+s3+$0x0], $0xffff  }
0x7a: {  	v46 =	vadd.s32 $0x4000, v44;
	_ =	sdelay $0x3  }
0x7b: {  	[tilespmem:s1+$0xF880] =	vst v0  }
0x7c: {  	v0 =	vld.idx.msk [tilespmem:v46+s3+$0x0], $0xffff;
	_ =	sdelay $0x4  }
0x7d: {  	[tilespmem:s1+$0xF900] =	vst v0  }
0x7e: {  	v0 =	vld [tilespmem:s22+$0xC000];
	_ =	sdelay $0x7  }
0x7f: {  	v47 =	vld.idx.msk [tilespmem:v0+s3+$0x0], $0xffff  }
0x80: {  	v48 =	vadd.s32 $0x2000, v0;
	_ =	sdelay $0x3  }
0x81: {  	[tilespmem:s1+$0xF980] =	vst v47  }
0x82: {  	v1 =	vld.idx.msk [tilespmem:v48+s3+$0x0], $0xffff  }
0x83: {  	v0 =	vadd.s32 $0x4000, v0;
	_ =	sdelay $0x2  }
0x84: {  	v49 =	vld [tilespmem:s1+$0xC900]  }
0x85: {  	[tilespmem:s1+$0xFA00] =	vst v1  }
0x86: {  	v0 =	vld.idx.msk [tilespmem:v0+s3+$0x0], $0xffff;
	_ =	sdelay $0x4  }
0x87: {  	[tilespmem:s1+$0xFA80] =	vst v0  }
0x88: {  	v0 =	vld.idx.msk [tilespmem:v49+s3+$0x0], $0xffff  }
0x89: {  	v50 =	vadd.s32 $0x2000, v49;
	_ =	sdelay $0x3  }
0x8a: {  	[tilespmem:s1+$0xFB00] =	vst v0  }
0x8b: {  	v0 =	vld.idx.msk [tilespmem:v50+s3+$0x0], $0xffff  }
0x8c: {  	v51 =	vadd.s32 $0x4000, v49;
	_ =	sdelay $0x3  }
0x8d: {  	[tilespmem:s1+$0xFB80] =	vst v0  }
0x8e: {  	v0 =	vld.idx.msk [tilespmem:v51+s3+$0x0], $0xffff;
	_ =	sdelay $0x4  }
0x8f: {  	[tilespmem:s1+$0x10000] =	vst v0  }
0x90: {  	v0 =	vld [tilespmem:s8+$0xC000];
	_ =	sdelay $0x7  }
0x91: {  	v52 =	vld.idx.msk [tilespmem:v0+s3+$0x0], $0xffff  }
0x92: {  	v53 =	vadd.s32 $0x2000, v0;
	_ =	sdelay $0x3  }
0x93: {  	[tilespmem:s1+$0x10080] =	vst v52  }
0x94: {  	v1 =	vld.idx.msk [tilespmem:v53+s3+$0x0], $0xffff  }
0x95: {  	v0 =	vadd.s32 $0x4000, v0;
	_ =	sdelay $0x2  }
0x96: {  	v54 =	vld [tilespmem:s1+$0xCA00]  }
0x97: {  	[tilespmem:s1+$0x10100] =	vst v1  }
0x98: {  	v0 =	vld.idx.msk [tilespmem:v0+s3+$0x0], $0xffff;
	_ =	sdelay $0x4  }
0x99: {  	[tilespmem:s1+$0x10180] =	vst v0  }
0x9a: {  	v0 =	vld.idx.msk [tilespmem:v54+s3+$0x0], $0xffff  }
0x9b: {  	v55 =	vadd.s32 $0x2000, v54;
	_ =	sdelay $0x3  }
0x9c: {  	[tilespmem:s1+$0x10200] =	vst v0  }
0x9d: {  	v0 =	vld.idx.msk [tilespmem:v55+s3+$0x0], $0xffff  }
0x9e: {  	v56 =	vadd.s32 $0x4000, v54;
	_ =	sdelay $0x3  }
0x9f: {  	[tilespmem:s1+$0x10280] =	vst v0  }
0xa0: {  	v0 =	vld.idx.msk [tilespmem:v56+s3+$0x0], $0xffff;
	_ =	sdelay $0x4  }
0xa1: {  	[tilespmem:s1+$0x10300] =	vst v0  }
0xa2: {  	v0 =	vld [tilespmem:s5+$0xC000];
	_ =	sdelay $0x7  }
0xa3: {  	v57 =	vld.idx.msk [tilespmem:v0+s3+$0x0], $0xffff  }
0xa4: {  	v58 =	vadd.s32 $0x2000, v0;
	_ =	sdelay $0x3  }
0xa5: {  	[tilespmem:s1+$0x10380] =	vst v57  }
0xa6: {  	v1 =	vld.idx.msk [tilespmem:v58+s3+$0x0], $0xffff  }
0xa7: {  	v0 =	vadd.s32 $0x4000, v0;
	_ =	sdelay $0x2  }
0xa8: {  	v59 =	vld [tilespmem:s1+$0xCB00]  }
0xa9: {  	[tilespmem:s1+$0x10800] =	vst v1  }
0xaa: {  	v0 =	vld.idx.msk [tilespmem:v0+s3+$0x0], $0xffff;
	_ =	sdelay $0x4  }
0xab: {  	[tilespmem:s1+$0x10880] =	vst v0  }
0xac: {  	v0 =	vld.idx.msk [tilespmem:v59+s3+$0x0], $0xffff  }
0xad: {  	v60 =	vadd.s32 $0x2000, v59;
	_ =	sdelay $0x3  }
0xae: {  	[tilespmem:s1+$0x10900] =	vst v0  }
0xaf: {  	v0 =	vld.idx.msk [tilespmem:v60+s3+$0x0], $0xffff  }
0xb0: {  	v61 =	vadd.s32 $0x4000, v59;
	_ =	sdelay $0x3  }
0xb1: {  	[tilespmem:s1+$0x10980] =	vst v0  }
0xb2: {  	v0 =	vld.idx.msk [tilespmem:v61+s3+$0x0], $0xffff;
	_ =	sdelay $0x4  }
0xb3: {  	[tilespmem:s1+$0x10A00] =	vst v0  }
0xb4: {  	v0 =	vld [tilespmem:s20+$0xC000];
	_ =	sdelay $0x7  }
0xb5: {  	v62 =	vld.idx.msk [tilespmem:v0+s3+$0x0], $0xffff  }
0xb6: {  	v63 =	vadd.s32 $0x2000, v0;
	_ =	sdelay $0x3  }
0xb7: {  	[tilespmem:s1+$0x10A80] =	vst v62  }
0xb8: {  	v1 =	vld.idx.msk [tilespmem:v63+s3+$0x0], $0xffff  }
0xb9: {  	v0 =	vadd.s32 $0x4000, v0;
	_ =	sdelay $0x3  }
0xba: {  	[tilespmem:s1+$0x10B00] =	vst v1  }
0xbb: {  	p0 =	sne.s32 s2, $0xF0;
	v0 =	vld.idx.msk [tilespmem:v0+s3+$0x0], $0xffff  }
.Ltmp0:
0xbc: {  	_ = 	snop;
	(pc) =	sbr.rel @p0 .LBB2_2-.Ltmp0, $2  }
0xbd: {  	_ =	sdelay $0x2  }
0xbe: {  	s0 =	sadd.s32 $0x80, s0;
	s2 =	sadd.s32 $0x10, s2;
	[tilespmem:s1+$0x10B80] =	vst v0  }
0xbf: {  	[hbm4b:s7+s18] =	stream.strided.scatter [tilespmem:s25], [sflag:$0x5], $0x3000, s19, s18, $0x38;
	[tilespmem:$0x11000] =	vst v63  }
0xc0: {  	s0 =	simm.s32 $0x0;
	s1 =	rddreg [dreg:$0x6]  }
0xc1: {  	[tilespmem:s0], [sflag:$0x1] =	stream.strided.gather [hbm4b:s1+s16], $0x6000, s17, s16, $0x38;
	[tilespmem:$0x11000] =	vst v63  }
0xc2: {  	s22 =	rddreg [dreg:$0x7];
	s2 =	simm.s32 $0xC000  }
0xc3: {  	[tilespmem:s2], [sflag:$0x3] =	stream.strided.gather [hbm4b:s22+s18], $0x1000, s19, s18, $0x38;
	[tilespmem:$0x11000] =	vst v63  }
0xc4: {  	_ =	swait.ge [sflag:s26], $0x6000  }
0xc5: {  	[sflag:s26] =	ssyncset.done $0x0  }
0xc6: {  	[sflag:s26] =	ssyncadd.s32 $0xFFFFA000  }
0xc7: {  	_ =	swait.ge [sflag:s28], $0x1000  }
0xc8: {  	[sflag:s28] =	ssyncset.done $0x0  }
0xc9: {  	[sflag:s28] =	ssyncadd.s32 $0xFFFFF000  }
0xca: {  	_ =	swait.ge [sflag:s29], $0x3000  }
0xcb: {  	[sflag:s29] =	ssyncset.done $0x0  }
0xcc: {  	s2 =	simm.s32 $0x0;
	[sflag:s29] =	ssyncadd.s32 $0xFFFFD000  }
.LBB2_4:
0xcd: {  	s1 =	sand.u32 $0x70, s2;
	s5 =	sand.u32 $0x400, s0  }
0xce: {  	s1 =	sor.u32 s1, s5  }
0xcf: {  	v0 =	vld [tilespmem:s1+$0xD000];
	_ =	sdelay $0x7  }
0xd0: {  	v1 =	vld.idx.msk [tilespmem:v0+s21+$0x0], $0xffff  }
0xd1: {  	v2 =	vadd.s32 $0x2000, v0;
	_ =	sdelay $0x3  }
0xd2: {  	[tilespmem:s1+$0xE000] =	vst v1  }
0xd3: {  	v1 =	vld.idx.msk [tilespmem:v2+s21+$0x0], $0xffff  }
0xd4: {  	v0 =	vadd.s32 $0x4000, v0  }
0xd5: {  	s20 =	sand.u32 $0xFFFFFC00, s0  }
0xd6: {  	s5 =	sadd.s32 s20, s2  }
0xd7: {  	s6 =	sor.u32 $0x80, s5  }
0xd8: {  	[tilespmem:s6+$0xE000] =	vst v1  }
0xd9: {  	v0 =	vld.idx.msk [tilespmem:v0+s21+$0x0], $0xffff;
	_ =	sdelay $0x4  }
0xda: {  	[tilespmem:s1+$0xE100] =	vst v0  }
0xdb: {  	v0 =	vld [tilespmem:s6+$0xD000];
	_ =	sdelay $0x7  }
0xdc: {  	v1 =	vld.idx.msk [tilespmem:v0+s21+$0x0], $0xffff  }
0xdd: {  	v34 =	vadd.s32 $0x2000, v0;
	_ =	sdelay $0x2  }
0xde: {  	s22 =	sor.u32 $0x180, s5  }
0xdf: {  	[tilespmem:s22+$0xE000] =	vst v1  }
0xe0: {  	v1 =	vld.idx.msk [tilespmem:v34+s21+$0x0], $0xffff  }
0xe1: {  	v0 =	vadd.s32 $0x4000, v0;
	_ =	sdelay $0x3  }
0xe2: {  	[tilespmem:s1+$0xE200] =	vst v1  }
0xe3: {  	v0 =	vld.idx.msk [tilespmem:v0+s21+$0x0], $0xffff;
	_ =	sdelay $0x3  }
0xe4: {  	s9 =	sor.u32 $0x280, s5  }
0xe5: {  	[tilespmem:s9+$0xE000] =	vst v0  }
0xe6: {  	v0 =	vld [tilespmem:s1+$0xD100];
	_ =	sdelay $0x7  }
0xe7: {  	v1 =	vld.idx.msk [tilespmem:v0+s21+$0x0], $0xffff  }
0xe8: {  	v35 =	vadd.s32 $0x2000, v0;
	_ =	sdelay $0x3  }
0xe9: {  	[tilespmem:s1+$0xE300] =	vst v1  }
0xea: {  	v1 =	vld.idx.msk [tilespmem:v35+s21+$0x0], $0xffff  }
0xeb: {  	v0 =	vadd.s32 $0x4000, v0;
	_ =	sdelay $0x1  }
0xec: {  	s10 =	sor.u32 s2, s0  }
0xed: {  	s20 =	sor.u32 $0x380, s10  }
0xee: {  	[tilespmem:s20+$0xE000] =	vst v1  }
0xef: {  	v0 =	vld.idx.msk [tilespmem:v0+s21+$0x0], $0xffff;
	_ =	sdelay $0x4  }
0xf0: {  	[tilespmem:s1+$0xE800] =	vst v0  }
0xf1: {  	v0 =	vld [tilespmem:s22+$0xD000];
	_ =	sdelay $0x7  }
0xf2: {  	v1 =	vld.idx.msk [tilespmem:v0+s21+$0x0], $0xffff  }
0xf3: {  	v36 =	vadd.s32 $0x2000, v0;
	_ =	sdelay $0x2  }
0xf4: {  	s22 =	sor.u32 $0x880, s5  }
0xf5: {  	[tilespmem:s22+$0xE000] =	vst v1  }
0xf6: {  	v1 =	vld.idx.msk [tilespmem:v36+s21+$0x0], $0xffff  }
0xf7: {  	v0 =	vadd.s32 $0x4000, v0;
	_ =	sdelay $0x3  }
0xf8: {  	[tilespmem:s1+$0xE900] =	vst v1  }
0xf9: {  	v0 =	vld.idx.msk [tilespmem:v0+s21+$0x0], $0xffff;
	_ =	sdelay $0x3  }
0xfa: {  	s8 =	sor.u32 $0x980, s5  }
0xfb: {  	[tilespmem:s8+$0xE000] =	vst v0  }
0xfc: {  	v0 =	vld [tilespmem:s1+$0xD200];
	_ =	sdelay $0x7  }
0xfd: {  	v1 =	vld.idx.msk [tilespmem:v0+s21+$0x0], $0xffff  }
0xfe: {  	v37 =	vadd.s32 $0x2000, v0;
	_ =	sdelay $0x3  }
0xff: {  	[tilespmem:s1+$0xEA00] =	vst v1  }
0x100: {  	v1 =	vld.idx.msk [tilespmem:v37+s21+$0x0], $0xffff  }
0x101: {  	v0 =	vadd.s32 $0x4000, v0;
	_ =	sdelay $0x2  }
0x102: {  	s5 =	sor.u32 $0xA80, s5  }
0x103: {  	[tilespmem:s5+$0xE000] =	vst v1  }
0x104: {  	v0 =	vld.idx.msk [tilespmem:v0+s21+$0x0], $0xffff;
	_ =	sdelay $0x4  }
0x105: {  	[tilespmem:s1+$0xEB00] =	vst v0  }
0x106: {  	v0 =	vld [tilespmem:s9+$0xD000];
	_ =	sdelay $0x7  }
0x107: {  	v1 =	vld.idx.msk [tilespmem:v0+s21+$0x0], $0xffff  }
0x108: {  	v38 =	vadd.s32 $0x2000, v0;
	_ =	sdelay $0x2  }
0x109: {  	s10 =	sor.u32 $0xB80, s10  }
0x10a: {  	[tilespmem:s10+$0xE000] =	vst v1  }
0x10b: {  	v1 =	vld.idx.msk [tilespmem:v38+s21+$0x0], $0xffff  }
0x10c: {  	v0 =	vadd.s32 $0x4000, v0;
	_ =	sdelay $0x2  }
0x10d: {  	v39 =	vld [tilespmem:s1+$0xD300]  }
0x10e: {  	[tilespmem:s1+$0xF000] =	vst v1  }
0x10f: {  	v0 =	vld.idx.msk [tilespmem:v0+s21+$0x0], $0xffff;
	_ =	sdelay $0x4  }
0x110: {  	[tilespmem:s1+$0xF080] =	vst v0  }
0x111: {  	v0 =	vld.idx.msk [tilespmem:v39+s21+$0x0], $0xffff  }
0x112: {  	v40 =	vadd.s32 $0x2000, v39;
	_ =	sdelay $0x3  }
0x113: {  	[tilespmem:s1+$0xF100] =	vst v0  }
0x114: {  	v0 =	vld.idx.msk [tilespmem:v40+s21+$0x0], $0xffff  }
0x115: {  	v41 =	vadd.s32 $0x4000, v39;
	_ =	sdelay $0x3  }
0x116: {  	[tilespmem:s1+$0xF180] =	vst v0  }
0x117: {  	v0 =	vld.idx.msk [tilespmem:v41+s21+$0x0], $0xffff;
	_ =	sdelay $0x4  }
0x118: {  	[tilespmem:s1+$0xF200] =	vst v0  }
0x119: {  	v0 =	vld [tilespmem:s20+$0xD000];
	_ =	sdelay $0x7  }
0x11a: {  	v42 =	vld.idx.msk [tilespmem:v0+s21+$0x0], $0xffff  }
0x11b: {  	v43 =	vadd.s32 $0x2000, v0;
	_ =	sdelay $0x3  }
0x11c: {  	[tilespmem:s1+$0xF280] =	vst v42  }
0x11d: {  	v1 =	vld.idx.msk [tilespmem:v43+s21+$0x0], $0xffff  }
0x11e: {  	v0 =	vadd.s32 $0x4000, v0;
	_ =	sdelay $0x2  }
0x11f: {  	v44 =	vld [tilespmem:s1+$0xD800]  }
0x120: {  	[tilespmem:s1+$0xF300] =	vst v1  }
0x121: {  	v0 =	vld.idx.msk [tilespmem:v0+s21+$0x0], $0xffff;
	_ =	sdelay $0x4  }
0x122: {  	[tilespmem:s1+$0xF380] =	vst v0  }
0x123: {  	v0 =	vld.idx.msk [tilespmem:v44+s21+$0x0], $0xffff  }
0x124: {  	v45 =	vadd.s32 $0x2000, v44;
	_ =	sdelay $0x3  }
0x125: {  	[tilespmem:s1+$0xF800] =	vst v0  }
0x126: {  	v0 =	vld.idx.msk [tilespmem:v45+s21+$0x0], $0xffff  }
0x127: {  	v46 =	vadd.s32 $0x4000, v44;
	_ =	sdelay $0x3  }
0x128: {  	[tilespmem:s1+$0xF880] =	vst v0  }
0x129: {  	v0 =	vld.idx.msk [tilespmem:v46+s21+$0x0], $0xffff;
	_ =	sdelay $0x4  }
0x12a: {  	[tilespmem:s1+$0xF900] =	vst v0  }
0x12b: {  	v0 =	vld [tilespmem:s22+$0xD000];
	_ =	sdelay $0x7  }
0x12c: {  	v47 =	vld.idx.msk [tilespmem:v0+s21+$0x0], $0xffff  }
0x12d: {  	v48 =	vadd.s32 $0x2000, v0;
	_ =	sdelay $0x3  }
0x12e: {  	[tilespmem:s1+$0xF980] =	vst v47  }
0x12f: {  	v1 =	vld.idx.msk [tilespmem:v48+s21+$0x0], $0xffff  }
0x130: {  	v0 =	vadd.s32 $0x4000, v0;
	_ =	sdelay $0x2  }
0x131: {  	v49 =	vld [tilespmem:s1+$0xD900]  }
0x132: {  	[tilespmem:s1+$0xFA00] =	vst v1  }
0x133: {  	v0 =	vld.idx.msk [tilespmem:v0+s21+$0x0], $0xffff;
	_ =	sdelay $0x4  }
0x134: {  	[tilespmem:s1+$0xFA80] =	vst v0  }
0x135: {  	v0 =	vld.idx.msk [tilespmem:v49+s21+$0x0], $0xffff  }
0x136: {  	v50 =	vadd.s32 $0x2000, v49;
	_ =	sdelay $0x3  }
0x137: {  	[tilespmem:s1+$0xFB00] =	vst v0  }
0x138: {  	v0 =	vld.idx.msk [tilespmem:v50+s21+$0x0], $0xffff  }
0x139: {  	v51 =	vadd.s32 $0x4000, v49;
	_ =	sdelay $0x3  }
0x13a: {  	[tilespmem:s1+$0xFB80] =	vst v0  }
0x13b: {  	v0 =	vld.idx.msk [tilespmem:v51+s21+$0x0], $0xffff;
	_ =	sdelay $0x4  }
0x13c: {  	[tilespmem:s1+$0x10000] =	vst v0  }
0x13d: {  	v0 =	vld [tilespmem:s8+$0xD000];
	_ =	sdelay $0x7  }
0x13e: {  	v52 =	vld.idx.msk [tilespmem:v0+s21+$0x0], $0xffff  }
0x13f: {  	v53 =	vadd.s32 $0x2000, v0;
	_ =	sdelay $0x3  }
0x140: {  	[tilespmem:s1+$0x10080] =	vst v52  }
0x141: {  	v1 =	vld.idx.msk [tilespmem:v53+s21+$0x0], $0xffff  }
0x142: {  	v0 =	vadd.s32 $0x4000, v0;
	_ =	sdelay $0x2  }
0x143: {  	v54 =	vld [tilespmem:s1+$0xDA00]  }
0x144: {  	[tilespmem:s1+$0x10100] =	vst v1  }
0x145: {  	v0 =	vld.idx.msk [tilespmem:v0+s21+$0x0], $0xffff;
	_ =	sdelay $0x4  }
0x146: {  	[tilespmem:s1+$0x10180] =	vst v0  }
0x147: {  	v0 =	vld.idx.msk [tilespmem:v54+s21+$0x0], $0xffff  }
0x148: {  	v55 =	vadd.s32 $0x2000, v54;
	_ =	sdelay $0x3  }
0x149: {  	[tilespmem:s1+$0x10200] =	vst v0  }
0x14a: {  	v0 =	vld.idx.msk [tilespmem:v55+s21+$0x0], $0xffff  }
0x14b: {  	v56 =	vadd.s32 $0x4000, v54;
	_ =	sdelay $0x3  }
0x14c: {  	[tilespmem:s1+$0x10280] =	vst v0  }
0x14d: {  	v0 =	vld.idx.msk [tilespmem:v56+s21+$0x0], $0xffff;
	_ =	sdelay $0x4  }
0x14e: {  	[tilespmem:s1+$0x10300] =	vst v0  }
0x14f: {  	v0 =	vld [tilespmem:s5+$0xD000];
	_ =	sdelay $0x7  }
0x150: {  	v57 =	vld.idx.msk [tilespmem:v0+s21+$0x0], $0xffff  }
0x151: {  	v58 =	vadd.s32 $0x2000, v0;
	_ =	sdelay $0x3  }
0x152: {  	[tilespmem:s1+$0x10380] =	vst v57  }
0x153: {  	v1 =	vld.idx.msk [tilespmem:v58+s21+$0x0], $0xffff  }
0x154: {  	v0 =	vadd.s32 $0x4000, v0;
	_ =	sdelay $0x2  }
0x155: {  	v59 =	vld [tilespmem:s1+$0xDB00]  }
0x156: {  	[tilespmem:s1+$0x10800] =	vst v1  }
0x157: {  	v0 =	vld.idx.msk [tilespmem:v0+s21+$0x0], $0xffff;
	_ =	sdelay $0x4  }
0x158: {  	[tilespmem:s1+$0x10880] =	vst v0  }
0x159: {  	v0 =	vld.idx.msk [tilespmem:v59+s21+$0x0], $0xffff  }
0x15a: {  	v60 =	vadd.s32 $0x2000, v59;
	_ =	sdelay $0x3  }
0x15b: {  	[tilespmem:s1+$0x10900] =	vst v0  }
0x15c: {  	v0 =	vld.idx.msk [tilespmem:v60+s21+$0x0], $0xffff  }
0x15d: {  	v61 =	vadd.s32 $0x4000, v59;
	_ =	sdelay $0x3  }
0x15e: {  	[tilespmem:s1+$0x10980] =	vst v0  }
0x15f: {  	v0 =	vld.idx.msk [tilespmem:v61+s21+$0x0], $0xffff;
	_ =	sdelay $0x4  }
0x160: {  	[tilespmem:s1+$0x10A00] =	vst v0  }
0x161: {  	v0 =	vld [tilespmem:s10+$0xD000];
	_ =	sdelay $0x7  }
0x162: {  	v62 =	vld.idx.msk [tilespmem:v0+s21+$0x0], $0xffff  }
0x163: {  	v63 =	vadd.s32 $0x2000, v0;
	_ =	sdelay $0x3  }
0x164: {  	[tilespmem:s1+$0x10A80] =	vst v62  }
0x165: {  	v1 =	vld.idx.msk [tilespmem:v63+s21+$0x0], $0xffff  }
0x166: {  	v0 =	vadd.s32 $0x4000, v0;
	_ =	sdelay $0x3  }
0x167: {  	[tilespmem:s1+$0x10B00] =	vst v1  }
0x168: {  	p0 =	sne.s32 s2, $0xF0;
	v0 =	vld.idx.msk [tilespmem:v0+s21+$0x0], $0xffff  }
.Ltmp1:
0x169: {  	_ = 	snop;
	(pc) =	sbr.rel @p0 .LBB2_4-.Ltmp1, $2  }
0x16a: {  	_ =	sdelay $0x2  }
0x16b: {  	s0 =	sadd.s32 $0x80, s0;
	s2 =	sadd.s32 $0x10, s2;
	[tilespmem:s1+$0x10B80] =	vst v0  }
0x16c: {  	s0 =	rddreg [dreg:$0x8]  }
0x16d: {  	[hbm4b:s0+s18] =	stream.strided.scatter [tilespmem:s25], [sflag:$0x6], $0x3000, s19, s18, $0x38;
	[tilespmem:$0x11000] =	vst v63  }
0x16e: {  	_ = 	snop  }
0x16f: {  	[tilespmem:s21], [sflag:$0x2] =	stream.strided.gather [hbm4b:s11+s16], $0x6000, s17, s16, $0x38;
	[tilespmem:$0x11000] =	vst v63  }
0x170: {  	s22 =	simm.s32 $0xD000  }
0x171: {  	[tilespmem:s22], [sflag:$0x4] =	stream.strided.gather [hbm4b:s12+s18], $0x1000, s19, s18, $0x38;
	[tilespmem:$0x11000] =	vst v63  }
0x172: {  	_ =	swait.ge [sflag:s23], $0x6000  }
0x173: {  	[sflag:s23] =	ssyncset.done $0x0  }
0x174: {  	[sflag:s23] =	ssyncadd.s32 $0xFFFFA000  }
0x175: {  	_ =	swait.ge [sflag:s24], $0x1000  }
0x176: {  	[sflag:s24] =	ssyncset.done $0x0  }
0x177: {  	[sflag:s24] =	ssyncadd.s32 $0xFFFFF000  }
0x178: {  	_ =	swait.ge [sflag:s30], $0x3000  }
0x179: {  	[sflag:s30] =	ssyncset.done $0x0  }
0x17a: {  	s2 =	simm.s32 $0x0;
	s0 =	simm.s32 $0x0;
	[sflag:s30] =	ssyncadd.s32 $0xFFFFD000  }
.LBB2_6:
0x17b: {  	s1 =	sand.u32 $0x70, s2;
	s5 =	sand.u32 $0x400, s0  }
0x17c: {  	s1 =	sor.u32 s1, s5  }
0x17d: {  	v0 =	vld [tilespmem:s1+$0xC000];
	_ =	sdelay $0x7  }
0x17e: {  	v1 =	vld.idx.msk [tilespmem:v0+s3+$0x0], $0xffff  }
0x17f: {  	v2 =	vadd.s32 $0x2000, v0;
	_ =	sdelay $0x3  }
0x180: {  	[tilespmem:s1+$0xE000] =	vst v1  }
0x181: {  	v1 =	vld.idx.msk [tilespmem:v2+s3+$0x0], $0xffff  }
0x182: {  	v0 =	vadd.s32 $0x4000, v0  }
0x183: {  	s20 =	sand.u32 $0xFFFFFC00, s0  }
0x184: {  	s5 =	sadd.s32 s20, s2  }
0x185: {  	s6 =	sor.u32 $0x80, s5  }
0x186: {  	[tilespmem:s6+$0xE000] =	vst v1  }
0x187: {  	v0 =	vld.idx.msk [tilespmem:v0+s3+$0x0], $0xffff;
	_ =	sdelay $0x4  }
0x188: {  	[tilespmem:s1+$0xE100] =	vst v0  }
0x189: {  	v0 =	vld [tilespmem:s6+$0xC000];
	_ =	sdelay $0x7  }
0x18a: {  	v1 =	vld.idx.msk [tilespmem:v0+s3+$0x0], $0xffff  }
0x18b: {  	v34 =	vadd.s32 $0x2000, v0;
	_ =	sdelay $0x2  }
0x18c: {  	s22 =	sor.u32 $0x180, s5  }
0x18d: {  	[tilespmem:s22+$0xE000] =	vst v1  }
0x18e: {  	v1 =	vld.idx.msk [tilespmem:v34+s3+$0x0], $0xffff  }
0x18f: {  	v0 =	vadd.s32 $0x4000, v0;
	_ =	sdelay $0x3  }
0x190: {  	[tilespmem:s1+$0xE200] =	vst v1  }
0x191: {  	v0 =	vld.idx.msk [tilespmem:v0+s3+$0x0], $0xffff;
	_ =	sdelay $0x3  }
0x192: {  	s9 =	sor.u32 $0x280, s5  }
0x193: {  	[tilespmem:s9+$0xE000] =	vst v0  }
0x194: {  	v0 =	vld [tilespmem:s1+$0xC100];
	_ =	sdelay $0x7  }
0x195: {  	v1 =	vld.idx.msk [tilespmem:v0+s3+$0x0], $0xffff  }
0x196: {  	v35 =	vadd.s32 $0x2000, v0;
	_ =	sdelay $0x3  }
0x197: {  	[tilespmem:s1+$0xE300] =	vst v1  }
0x198: {  	v1 =	vld.idx.msk [tilespmem:v35+s3+$0x0], $0xffff  }
0x199: {  	v0 =	vadd.s32 $0x4000, v0;
	_ =	sdelay $0x1  }
0x19a: {  	s10 =	sor.u32 s2, s0  }
0x19b: {  	s20 =	sor.u32 $0x380, s10  }
0x19c: {  	[tilespmem:s20+$0xE000] =	vst v1  }
0x19d: {  	v0 =	vld.idx.msk [tilespmem:v0+s3+$0x0], $0xffff;
	_ =	sdelay $0x4  }
0x19e: {  	[tilespmem:s1+$0xE800] =	vst v0  }
0x19f: {  	v0 =	vld [tilespmem:s22+$0xC000];
	_ =	sdelay $0x7  }
0x1a0: {  	v1 =	vld.idx.msk [tilespmem:v0+s3+$0x0], $0xffff  }
0x1a1: {  	v36 =	vadd.s32 $0x2000, v0;
	_ =	sdelay $0x2  }
0x1a2: {  	s22 =	sor.u32 $0x880, s5  }
0x1a3: {  	[tilespmem:s22+$0xE000] =	vst v1  }
0x1a4: {  	v1 =	vld.idx.msk [tilespmem:v36+s3+$0x0], $0xffff  }
0x1a5: {  	v0 =	vadd.s32 $0x4000, v0;
	_ =	sdelay $0x3  }
0x1a6: {  	[tilespmem:s1+$0xE900] =	vst v1  }
0x1a7: {  	v0 =	vld.idx.msk [tilespmem:v0+s3+$0x0], $0xffff;
	_ =	sdelay $0x3  }
0x1a8: {  	s8 =	sor.u32 $0x980, s5  }
0x1a9: {  	[tilespmem:s8+$0xE000] =	vst v0  }
0x1aa: {  	v0 =	vld [tilespmem:s1+$0xC200];
	_ =	sdelay $0x7  }
0x1ab: {  	v1 =	vld.idx.msk [tilespmem:v0+s3+$0x0], $0xffff  }
0x1ac: {  	v37 =	vadd.s32 $0x2000, v0;
	_ =	sdelay $0x3  }
0x1ad: {  	[tilespmem:s1+$0xEA00] =	vst v1  }
0x1ae: {  	v1 =	vld.idx.msk [tilespmem:v37+s3+$0x0], $0xffff  }
0x1af: {  	v0 =	vadd.s32 $0x4000, v0;
	_ =	sdelay $0x2  }
0x1b0: {  	s5 =	sor.u32 $0xA80, s5  }
0x1b1: {  	[tilespmem:s5+$0xE000] =	vst v1  }
0x1b2: {  	v0 =	vld.idx.msk [tilespmem:v0+s3+$0x0], $0xffff;
	_ =	sdelay $0x4  }
0x1b3: {  	[tilespmem:s1+$0xEB00] =	vst v0  }
0x1b4: {  	v0 =	vld [tilespmem:s9+$0xC000];
	_ =	sdelay $0x7  }
0x1b5: {  	v1 =	vld.idx.msk [tilespmem:v0+s3+$0x0], $0xffff  }
0x1b6: {  	v38 =	vadd.s32 $0x2000, v0;
	_ =	sdelay $0x2  }
0x1b7: {  	s10 =	sor.u32 $0xB80, s10  }
0x1b8: {  	[tilespmem:s10+$0xE000] =	vst v1  }
0x1b9: {  	v1 =	vld.idx.msk [tilespmem:v38+s3+$0x0], $0xffff  }
0x1ba: {  	v0 =	vadd.s32 $0x4000, v0;
	_ =	sdelay $0x2  }
0x1bb: {  	v39 =	vld [tilespmem:s1+$0xC300]  }
0x1bc: {  	[tilespmem:s1+$0xF000] =	vst v1  }
0x1bd: {  	v0 =	vld.idx.msk [tilespmem:v0+s3+$0x0], $0xffff;
	_ =	sdelay $0x4  }
0x1be: {  	[tilespmem:s1+$0xF080] =	vst v0  }
0x1bf: {  	v0 =	vld.idx.msk [tilespmem:v39+s3+$0x0], $0xffff  }
0x1c0: {  	v40 =	vadd.s32 $0x2000, v39;
	_ =	sdelay $0x3  }
0x1c1: {  	[tilespmem:s1+$0xF100] =	vst v0  }
0x1c2: {  	v0 =	vld.idx.msk [tilespmem:v40+s3+$0x0], $0xffff  }
0x1c3: {  	v41 =	vadd.s32 $0x4000, v39;
	_ =	sdelay $0x3  }
0x1c4: {  	[tilespmem:s1+$0xF180] =	vst v0  }
0x1c5: {  	v0 =	vld.idx.msk [tilespmem:v41+s3+$0x0], $0xffff;
	_ =	sdelay $0x4  }
0x1c6: {  	[tilespmem:s1+$0xF200] =	vst v0  }
0x1c7: {  	v0 =	vld [tilespmem:s20+$0xC000];
	_ =	sdelay $0x7  }
0x1c8: {  	v42 =	vld.idx.msk [tilespmem:v0+s3+$0x0], $0xffff  }
0x1c9: {  	v43 =	vadd.s32 $0x2000, v0;
	_ =	sdelay $0x3  }
0x1ca: {  	[tilespmem:s1+$0xF280] =	vst v42  }
0x1cb: {  	v1 =	vld.idx.msk [tilespmem:v43+s3+$0x0], $0xffff  }
0x1cc: {  	v0 =	vadd.s32 $0x4000, v0;
	_ =	sdelay $0x2  }
0x1cd: {  	v44 =	vld [tilespmem:s1+$0xC800]  }
0x1ce: {  	[tilespmem:s1+$0xF300] =	vst v1  }
0x1cf: {  	v0 =	vld.idx.msk [tilespmem:v0+s3+$0x0], $0xffff;
	_ =	sdelay $0x4  }
0x1d0: {  	[tilespmem:s1+$0xF380] =	vst v0  }
0x1d1: {  	v0 =	vld.idx.msk [tilespmem:v44+s3+$0x0], $0xffff  }
0x1d2: {  	v45 =	vadd.s32 $0x2000, v44;
	_ =	sdelay $0x3  }
0x1d3: {  	[tilespmem:s1+$0xF800] =	vst v0  }
0x1d4: {  	v0 =	vld.idx.msk [tilespmem:v45+s3+$0x0], $0xffff  }
0x1d5: {  	v46 =	vadd.s32 $0x4000, v44;
	_ =	sdelay $0x3  }
0x1d6: {  	[tilespmem:s1+$0xF880] =	vst v0  }
0x1d7: {  	v0 =	vld.idx.msk [tilespmem:v46+s3+$0x0], $0xffff;
	_ =	sdelay $0x4  }
0x1d8: {  	[tilespmem:s1+$0xF900] =	vst v0  }
0x1d9: {  	v0 =	vld [tilespmem:s22+$0xC000];
	_ =	sdelay $0x7  }
0x1da: {  	v47 =	vld.idx.msk [tilespmem:v0+s3+$0x0], $0xffff  }
0x1db: {  	v48 =	vadd.s32 $0x2000, v0;
	_ =	sdelay $0x3  }
0x1dc: {  	[tilespmem:s1+$0xF980] =	vst v47  }
0x1dd: {  	v1 =	vld.idx.msk [tilespmem:v48+s3+$0x0], $0xffff  }
0x1de: {  	v0 =	vadd.s32 $0x4000, v0;
	_ =	sdelay $0x2  }
0x1df: {  	v49 =	vld [tilespmem:s1+$0xC900]  }
0x1e0: {  	[tilespmem:s1+$0xFA00] =	vst v1  }
0x1e1: {  	v0 =	vld.idx.msk [tilespmem:v0+s3+$0x0], $0xffff;
	_ =	sdelay $0x4  }
0x1e2: {  	[tilespmem:s1+$0xFA80] =	vst v0  }
0x1e3: {  	v0 =	vld.idx.msk [tilespmem:v49+s3+$0x0], $0xffff  }
0x1e4: {  	v50 =	vadd.s32 $0x2000, v49;
	_ =	sdelay $0x3  }
0x1e5: {  	[tilespmem:s1+$0xFB00] =	vst v0  }
0x1e6: {  	v0 =	vld.idx.msk [tilespmem:v50+s3+$0x0], $0xffff  }
0x1e7: {  	v51 =	vadd.s32 $0x4000, v49;
	_ =	sdelay $0x3  }
0x1e8: {  	[tilespmem:s1+$0xFB80] =	vst v0  }
0x1e9: {  	v0 =	vld.idx.msk [tilespmem:v51+s3+$0x0], $0xffff;
	_ =	sdelay $0x4  }
0x1ea: {  	[tilespmem:s1+$0x10000] =	vst v0  }
0x1eb: {  	v0 =	vld [tilespmem:s8+$0xC000];
	_ =	sdelay $0x7  }
0x1ec: {  	v52 =	vld.idx.msk [tilespmem:v0+s3+$0x0], $0xffff  }
0x1ed: {  	v53 =	vadd.s32 $0x2000, v0;
	_ =	sdelay $0x3  }
0x1ee: {  	[tilespmem:s1+$0x10080] =	vst v52  }
0x1ef: {  	v1 =	vld.idx.msk [tilespmem:v53+s3+$0x0], $0xffff  }
0x1f0: {  	v0 =	vadd.s32 $0x4000, v0;
	_ =	sdelay $0x2  }
0x1f1: {  	v54 =	vld [tilespmem:s1+$0xCA00]  }
0x1f2: {  	[tilespmem:s1+$0x10100] =	vst v1  }
0x1f3: {  	v0 =	vld.idx.msk [tilespmem:v0+s3+$0x0], $0xffff;
	_ =	sdelay $0x4  }
0x1f4: {  	[tilespmem:s1+$0x10180] =	vst v0  }
0x1f5: {  	v0 =	vld.idx.msk [tilespmem:v54+s3+$0x0], $0xffff  }
0x1f6: {  	v55 =	vadd.s32 $0x2000, v54;
	_ =	sdelay $0x3  }
0x1f7: {  	[tilespmem:s1+$0x10200] =	vst v0  }
0x1f8: {  	v0 =	vld.idx.msk [tilespmem:v55+s3+$0x0], $0xffff  }
0x1f9: {  	v56 =	vadd.s32 $0x4000, v54;
	_ =	sdelay $0x3  }
0x1fa: {  	[tilespmem:s1+$0x10280] =	vst v0  }
0x1fb: {  	v0 =	vld.idx.msk [tilespmem:v56+s3+$0x0], $0xffff;
	_ =	sdelay $0x4  }
0x1fc: {  	[tilespmem:s1+$0x10300] =	vst v0  }
0x1fd: {  	v0 =	vld [tilespmem:s5+$0xC000];
	_ =	sdelay $0x7  }
0x1fe: {  	v57 =	vld.idx.msk [tilespmem:v0+s3+$0x0], $0xffff  }
0x1ff: {  	v58 =	vadd.s32 $0x2000, v0;
	_ =	sdelay $0x3  }
0x200: {  	[tilespmem:s1+$0x10380] =	vst v57  }
0x201: {  	v1 =	vld.idx.msk [tilespmem:v58+s3+$0x0], $0xffff  }
0x202: {  	v0 =	vadd.s32 $0x4000, v0;
	_ =	sdelay $0x2  }
0x203: {  	v59 =	vld [tilespmem:s1+$0xCB00]  }
0x204: {  	[tilespmem:s1+$0x10800] =	vst v1  }
0x205: {  	v0 =	vld.idx.msk [tilespmem:v0+s3+$0x0], $0xffff;
	_ =	sdelay $0x4  }
0x206: {  	[tilespmem:s1+$0x10880] =	vst v0  }
0x207: {  	v0 =	vld.idx.msk [tilespmem:v59+s3+$0x0], $0xffff  }
0x208: {  	v60 =	vadd.s32 $0x2000, v59;
	_ =	sdelay $0x3  }
0x209: {  	[tilespmem:s1+$0x10900] =	vst v0  }
0x20a: {  	v0 =	vld.idx.msk [tilespmem:v60+s3+$0x0], $0xffff  }
0x20b: {  	v61 =	vadd.s32 $0x4000, v59;
	_ =	sdelay $0x3  }
0x20c: {  	[tilespmem:s1+$0x10980] =	vst v0  }
0x20d: {  	v0 =	vld.idx.msk [tilespmem:v61+s3+$0x0], $0xffff;
	_ =	sdelay $0x4  }
0x20e: {  	[tilespmem:s1+$0x10A00] =	vst v0  }
0x20f: {  	v0 =	vld [tilespmem:s10+$0xC000];
	_ =	sdelay $0x7  }
0x210: {  	v62 =	vld.idx.msk [tilespmem:v0+s3+$0x0], $0xffff  }
0x211: {  	v63 =	vadd.s32 $0x2000, v0;
	_ =	sdelay $0x3  }
0x212: {  	[tilespmem:s1+$0x10A80] =	vst v62  }
0x213: {  	v1 =	vld.idx.msk [tilespmem:v63+s3+$0x0], $0xffff  }
0x214: {  	v0 =	vadd.s32 $0x4000, v0;
	_ =	sdelay $0x3  }
0x215: {  	[tilespmem:s1+$0x10B00] =	vst v1  }
0x216: {  	p0 =	sne.s32 s2, $0xF0;
	v0 =	vld.idx.msk [tilespmem:v0+s3+$0x0], $0xffff  }
.Ltmp2:
0x217: {  	_ = 	snop;
	(pc) =	sbr.rel @p0 .LBB2_6-.Ltmp2, $2  }
0x218: {  	_ =	sdelay $0x2  }
0x219: {  	s0 =	sadd.s32 $0x80, s0;
	s2 =	sadd.s32 $0x10, s2;
	[tilespmem:s1+$0x10B80] =	vst v0  }
0x21a: {  	[hbm4b:s13+s18] =	stream.strided.scatter [tilespmem:s25], [sflag:$0x5], $0x3000, s19, s18, $0x38;
	[tilespmem:$0x11000] =	vst v63  }
0x21b: {  	_ =	swait.ge [sflag:s26], $0x6000  }
0x21c: {  	[sflag:s26] =	ssyncset.done $0x0  }
0x21d: {  	[sflag:s26] =	ssyncadd.s32 $0xFFFFA000  }
0x21e: {  	_ =	swait.ge [sflag:s28], $0x1000  }
0x21f: {  	[sflag:s28] =	ssyncset.done $0x0  }
0x220: {  	[sflag:s28] =	ssyncadd.s32 $0xFFFFF000  }
0x221: {  	_ =	swait.ge [sflag:s29], $0x3000  }
0x222: {  	[sflag:s29] =	ssyncset.done $0x0  }
0x223: {  	s0 =	simm.s32 $0x0;
	s2 =	simm.s32 $0x0;
	[sflag:s29] =	ssyncadd.s32 $0xFFFFD000  }
.LBB2_8:
0x224: {  	s1 =	sand.u32 $0x70, s2;
	s5 =	sand.u32 $0x400, s0  }
0x225: {  	s1 =	sor.u32 s1, s5  }
0x226: {  	v0 =	vld [tilespmem:s1+$0xD000];
	_ =	sdelay $0x7  }
0x227: {  	v1 =	vld.idx.msk [tilespmem:v0+s21+$0x0], $0xffff  }
0x228: {  	v2 =	vadd.s32 $0x2000, v0;
	_ =	sdelay $0x3  }
0x229: {  	[tilespmem:s1+$0xE000] =	vst v1  }
0x22a: {  	v1 =	vld.idx.msk [tilespmem:v2+s21+$0x0], $0xffff  }
0x22b: {  	v0 =	vadd.s32 $0x4000, v0  }
0x22c: {  	s20 =	sand.u32 $0xFFFFFC00, s0  }
0x22d: {  	s5 =	sadd.s32 s20, s2  }
0x22e: {  	s6 =	sor.u32 $0x80, s5  }
0x22f: {  	[tilespmem:s6+$0xE000] =	vst v1  }
0x230: {  	v0 =	vld.idx.msk [tilespmem:v0+s21+$0x0], $0xffff;
	_ =	sdelay $0x4  }
0x231: {  	[tilespmem:s1+$0xE100] =	vst v0  }
0x232: {  	v0 =	vld [tilespmem:s6+$0xD000];
	_ =	sdelay $0x7  }
0x233: {  	v1 =	vld.idx.msk [tilespmem:v0+s21+$0x0], $0xffff  }
0x234: {  	v34 =	vadd.s32 $0x2000, v0;
	_ =	sdelay $0x2  }
0x235: {  	s22 =	sor.u32 $0x180, s5  }
0x236: {  	[tilespmem:s22+$0xE000] =	vst v1  }
0x237: {  	v1 =	vld.idx.msk [tilespmem:v34+s21+$0x0], $0xffff  }
0x238: {  	v0 =	vadd.s32 $0x4000, v0;
	_ =	sdelay $0x3  }
0x239: {  	[tilespmem:s1+$0xE200] =	vst v1  }
0x23a: {  	v0 =	vld.idx.msk [tilespmem:v0+s21+$0x0], $0xffff;
	_ =	sdelay $0x3  }
0x23b: {  	s9 =	sor.u32 $0x280, s5  }
0x23c: {  	[tilespmem:s9+$0xE000] =	vst v0  }
0x23d: {  	v0 =	vld [tilespmem:s1+$0xD100];
	_ =	sdelay $0x7  }
0x23e: {  	v1 =	vld.idx.msk [tilespmem:v0+s21+$0x0], $0xffff  }
0x23f: {  	v35 =	vadd.s32 $0x2000, v0;
	_ =	sdelay $0x3  }
0x240: {  	[tilespmem:s1+$0xE300] =	vst v1  }
0x241: {  	v1 =	vld.idx.msk [tilespmem:v35+s21+$0x0], $0xffff  }
0x242: {  	v0 =	vadd.s32 $0x4000, v0;
	_ =	sdelay $0x1  }
0x243: {  	s10 =	sor.u32 s2, s0  }
0x244: {  	s20 =	sor.u32 $0x380, s10  }
0x245: {  	[tilespmem:s20+$0xE000] =	vst v1  }
0x246: {  	v0 =	vld.idx.msk [tilespmem:v0+s21+$0x0], $0xffff;
	_ =	sdelay $0x4  }
0x247: {  	[tilespmem:s1+$0xE800] =	vst v0  }
0x248: {  	v0 =	vld [tilespmem:s22+$0xD000];
	_ =	sdelay $0x7  }
0x249: {  	v1 =	vld.idx.msk [tilespmem:v0+s21+$0x0], $0xffff  }
0x24a: {  	v36 =	vadd.s32 $0x2000, v0;
	_ =	sdelay $0x2  }
0x24b: {  	s22 =	sor.u32 $0x880, s5  }
0x24c: {  	[tilespmem:s22+$0xE000] =	vst v1  }
0x24d: {  	v1 =	vld.idx.msk [tilespmem:v36+s21+$0x0], $0xffff  }
0x24e: {  	v0 =	vadd.s32 $0x4000, v0;
	_ =	sdelay $0x3  }
0x24f: {  	[tilespmem:s1+$0xE900] =	vst v1  }
0x250: {  	v0 =	vld.idx.msk [tilespmem:v0+s21+$0x0], $0xffff;
	_ =	sdelay $0x3  }
0x251: {  	s8 =	sor.u32 $0x980, s5  }
0x252: {  	[tilespmem:s8+$0xE000] =	vst v0  }
0x253: {  	v0 =	vld [tilespmem:s1+$0xD200];
	_ =	sdelay $0x7  }
0x254: {  	v1 =	vld.idx.msk [tilespmem:v0+s21+$0x0], $0xffff  }
0x255: {  	v37 =	vadd.s32 $0x2000, v0;
	_ =	sdelay $0x3  }
0x256: {  	[tilespmem:s1+$0xEA00] =	vst v1  }
0x257: {  	v1 =	vld.idx.msk [tilespmem:v37+s21+$0x0], $0xffff  }
0x258: {  	v0 =	vadd.s32 $0x4000, v0;
	_ =	sdelay $0x2  }
0x259: {  	s5 =	sor.u32 $0xA80, s5  }
0x25a: {  	[tilespmem:s5+$0xE000] =	vst v1  }
0x25b: {  	v0 =	vld.idx.msk [tilespmem:v0+s21+$0x0], $0xffff;
	_ =	sdelay $0x4  }
0x25c: {  	[tilespmem:s1+$0xEB00] =	vst v0  }
0x25d: {  	v0 =	vld [tilespmem:s9+$0xD000];
	_ =	sdelay $0x7  }
0x25e: {  	v1 =	vld.idx.msk [tilespmem:v0+s21+$0x0], $0xffff  }
0x25f: {  	v38 =	vadd.s32 $0x2000, v0;
	_ =	sdelay $0x2  }
0x260: {  	s10 =	sor.u32 $0xB80, s10  }
0x261: {  	[tilespmem:s10+$0xE000] =	vst v1  }
0x262: {  	v1 =	vld.idx.msk [tilespmem:v38+s21+$0x0], $0xffff  }
0x263: {  	v0 =	vadd.s32 $0x4000, v0;
	_ =	sdelay $0x2  }
0x264: {  	v39 =	vld [tilespmem:s1+$0xD300]  }
0x265: {  	[tilespmem:s1+$0xF000] =	vst v1  }
0x266: {  	v0 =	vld.idx.msk [tilespmem:v0+s21+$0x0], $0xffff;
	_ =	sdelay $0x4  }
0x267: {  	[tilespmem:s1+$0xF080] =	vst v0  }
0x268: {  	v0 =	vld.idx.msk [tilespmem:v39+s21+$0x0], $0xffff  }
0x269: {  	v40 =	vadd.s32 $0x2000, v39;
	_ =	sdelay $0x3  }
0x26a: {  	[tilespmem:s1+$0xF100] =	vst v0  }
0x26b: {  	v0 =	vld.idx.msk [tilespmem:v40+s21+$0x0], $0xffff  }
0x26c: {  	v41 =	vadd.s32 $0x4000, v39;
	_ =	sdelay $0x3  }
0x26d: {  	[tilespmem:s1+$0xF180] =	vst v0  }
0x26e: {  	v0 =	vld.idx.msk [tilespmem:v41+s21+$0x0], $0xffff;
	_ =	sdelay $0x4  }
0x26f: {  	[tilespmem:s1+$0xF200] =	vst v0  }
0x270: {  	v0 =	vld [tilespmem:s20+$0xD000];
	_ =	sdelay $0x7  }
0x271: {  	v42 =	vld.idx.msk [tilespmem:v0+s21+$0x0], $0xffff  }
0x272: {  	v43 =	vadd.s32 $0x2000, v0;
	_ =	sdelay $0x3  }
0x273: {  	[tilespmem:s1+$0xF280] =	vst v42  }
0x274: {  	v1 =	vld.idx.msk [tilespmem:v43+s21+$0x0], $0xffff  }
0x275: {  	v0 =	vadd.s32 $0x4000, v0;
	_ =	sdelay $0x2  }
0x276: {  	v44 =	vld [tilespmem:s1+$0xD800]  }
0x277: {  	[tilespmem:s1+$0xF300] =	vst v1  }
0x278: {  	v0 =	vld.idx.msk [tilespmem:v0+s21+$0x0], $0xffff;
	_ =	sdelay $0x4  }
0x279: {  	[tilespmem:s1+$0xF380] =	vst v0  }
0x27a: {  	v0 =	vld.idx.msk [tilespmem:v44+s21+$0x0], $0xffff  }
0x27b: {  	v45 =	vadd.s32 $0x2000, v44;
	_ =	sdelay $0x3  }
0x27c: {  	[tilespmem:s1+$0xF800] =	vst v0  }
0x27d: {  	v0 =	vld.idx.msk [tilespmem:v45+s21+$0x0], $0xffff  }
0x27e: {  	v46 =	vadd.s32 $0x4000, v44;
	_ =	sdelay $0x3  }
0x27f: {  	[tilespmem:s1+$0xF880] =	vst v0  }
0x280: {  	v0 =	vld.idx.msk [tilespmem:v46+s21+$0x0], $0xffff;
	_ =	sdelay $0x4  }
0x281: {  	[tilespmem:s1+$0xF900] =	vst v0  }
0x282: {  	v0 =	vld [tilespmem:s22+$0xD000];
	_ =	sdelay $0x7  }
0x283: {  	v47 =	vld.idx.msk [tilespmem:v0+s21+$0x0], $0xffff  }
0x284: {  	v48 =	vadd.s32 $0x2000, v0;
	_ =	sdelay $0x3  }
0x285: {  	[tilespmem:s1+$0xF980] =	vst v47  }
0x286: {  	v1 =	vld.idx.msk [tilespmem:v48+s21+$0x0], $0xffff  }
0x287: {  	v0 =	vadd.s32 $0x4000, v0;
	_ =	sdelay $0x2  }
0x288: {  	v49 =	vld [tilespmem:s1+$0xD900]  }
0x289: {  	[tilespmem:s1+$0xFA00] =	vst v1  }
0x28a: {  	v0 =	vld.idx.msk [tilespmem:v0+s21+$0x0], $0xffff;
	_ =	sdelay $0x4  }
0x28b: {  	[tilespmem:s1+$0xFA80] =	vst v0  }
0x28c: {  	v0 =	vld.idx.msk [tilespmem:v49+s21+$0x0], $0xffff  }
0x28d: {  	v50 =	vadd.s32 $0x2000, v49;
	_ =	sdelay $0x3  }
0x28e: {  	[tilespmem:s1+$0xFB00] =	vst v0  }
0x28f: {  	v0 =	vld.idx.msk [tilespmem:v50+s21+$0x0], $0xffff  }
0x290: {  	v51 =	vadd.s32 $0x4000, v49;
	_ =	sdelay $0x3  }
0x291: {  	[tilespmem:s1+$0xFB80] =	vst v0  }
0x292: {  	v0 =	vld.idx.msk [tilespmem:v51+s21+$0x0], $0xffff;
	_ =	sdelay $0x4  }
0x293: {  	[tilespmem:s1+$0x10000] =	vst v0  }
0x294: {  	v0 =	vld [tilespmem:s8+$0xD000];
	_ =	sdelay $0x7  }
0x295: {  	v52 =	vld.idx.msk [tilespmem:v0+s21+$0x0], $0xffff  }
0x296: {  	v53 =	vadd.s32 $0x2000, v0;
	_ =	sdelay $0x3  }
0x297: {  	[tilespmem:s1+$0x10080] =	vst v52  }
0x298: {  	v1 =	vld.idx.msk [tilespmem:v53+s21+$0x0], $0xffff  }
0x299: {  	v0 =	vadd.s32 $0x4000, v0;
	_ =	sdelay $0x2  }
0x29a: {  	v54 =	vld [tilespmem:s1+$0xDA00]  }
0x29b: {  	[tilespmem:s1+$0x10100] =	vst v1  }
0x29c: {  	v0 =	vld.idx.msk [tilespmem:v0+s21+$0x0], $0xffff;
	_ =	sdelay $0x4  }
0x29d: {  	[tilespmem:s1+$0x10180] =	vst v0  }
0x29e: {  	v0 =	vld.idx.msk [tilespmem:v54+s21+$0x0], $0xffff  }
0x29f: {  	v55 =	vadd.s32 $0x2000, v54;
	_ =	sdelay $0x3  }
0x2a0: {  	[tilespmem:s1+$0x10200] =	vst v0  }
0x2a1: {  	v0 =	vld.idx.msk [tilespmem:v55+s21+$0x0], $0xffff  }
0x2a2: {  	v56 =	vadd.s32 $0x4000, v54;
	_ =	sdelay $0x3  }
0x2a3: {  	[tilespmem:s1+$0x10280] =	vst v0  }
0x2a4: {  	v0 =	vld.idx.msk [tilespmem:v56+s21+$0x0], $0xffff;
	_ =	sdelay $0x4  }
0x2a5: {  	[tilespmem:s1+$0x10300] =	vst v0  }
0x2a6: {  	v0 =	vld [tilespmem:s5+$0xD000];
	_ =	sdelay $0x7  }
0x2a7: {  	v57 =	vld.idx.msk [tilespmem:v0+s21+$0x0], $0xffff  }
0x2a8: {  	v58 =	vadd.s32 $0x2000, v0;
	_ =	sdelay $0x3  }
0x2a9: {  	[tilespmem:s1+$0x10380] =	vst v57  }
0x2aa: {  	v1 =	vld.idx.msk [tilespmem:v58+s21+$0x0], $0xffff  }
0x2ab: {  	v0 =	vadd.s32 $0x4000, v0;
	_ =	sdelay $0x2  }
0x2ac: {  	v59 =	vld [tilespmem:s1+$0xDB00]  }
0x2ad: {  	[tilespmem:s1+$0x10800] =	vst v1  }
0x2ae: {  	v0 =	vld.idx.msk [tilespmem:v0+s21+$0x0], $0xffff;
	_ =	sdelay $0x4  }
0x2af: {  	[tilespmem:s1+$0x10880] =	vst v0  }
0x2b0: {  	v0 =	vld.idx.msk [tilespmem:v59+s21+$0x0], $0xffff  }
0x2b1: {  	v60 =	vadd.s32 $0x2000, v59;
	_ =	sdelay $0x3  }
0x2b2: {  	[tilespmem:s1+$0x10900] =	vst v0  }
0x2b3: {  	v0 =	vld.idx.msk [tilespmem:v60+s21+$0x0], $0xffff  }
0x2b4: {  	v61 =	vadd.s32 $0x4000, v59;
	_ =	sdelay $0x3  }
0x2b5: {  	[tilespmem:s1+$0x10980] =	vst v0  }
0x2b6: {  	v0 =	vld.idx.msk [tilespmem:v61+s21+$0x0], $0xffff;
	_ =	sdelay $0x4  }
0x2b7: {  	[tilespmem:s1+$0x10A00] =	vst v0  }
0x2b8: {  	v0 =	vld [tilespmem:s10+$0xD000];
	_ =	sdelay $0x7  }
0x2b9: {  	v62 =	vld.idx.msk [tilespmem:v0+s21+$0x0], $0xffff  }
0x2ba: {  	v63 =	vadd.s32 $0x2000, v0;
	_ =	sdelay $0x3  }
0x2bb: {  	[tilespmem:s1+$0x10A80] =	vst v62  }
0x2bc: {  	v1 =	vld.idx.msk [tilespmem:v63+s21+$0x0], $0xffff  }
0x2bd: {  	v0 =	vadd.s32 $0x4000, v0;
	_ =	sdelay $0x3  }
0x2be: {  	[tilespmem:s1+$0x10B00] =	vst v1  }
0x2bf: {  	p0 =	sne.s32 s2, $0xF0;
	v0 =	vld.idx.msk [tilespmem:v0+s21+$0x0], $0xffff  }
.Ltmp3:
0x2c0: {  	_ = 	snop;
	(pc) =	sbr.rel @p0 .LBB2_8-.Ltmp3, $2  }
0x2c1: {  	_ =	sdelay $0x2  }
0x2c2: {  	s0 =	sadd.s32 $0x80, s0;
	s2 =	sadd.s32 $0x10, s2;
	[tilespmem:s1+$0x10B80] =	vst v0  }
0x2c3: {  	s31 =	sadd.s32 $0x1, s31  }
0x2c4: {  	p0 =	sne.s32 s31, s15  }
.Ltmp4:
0x2c5: {  	_ = 	snop;
	(pc) =	sbr.rel @p0 .LBB2_1-.Ltmp4, $4  }
0x2c6: {  	[hbm4b:s14+s18] =	stream.strided.scatter [tilespmem:s25], [sflag:$0x6], $0x3000, s19, s18, $0x38;
	[tilespmem:$0x11000] =	vst v63  }
0x2c7: {  	_ =	swait.ge [sflag:s30], $0x3000  }
0x2c8: {  	[sflag:s30] =	ssyncset.done $0x0  }
0x2c9: {  	[sflag:s30] =	ssyncadd.s32 $0xFFFFD000  }
0x2ca: {  	_ =	sfence.sel $0x180000  }
0x2cb: {  	[bflag:$0x0] =	sbarrier.arrive $0xFFFF  }
0x2cc: {  	_ =	strace $0x90000047  }
0x2cd: {  	s0 =	stileid.u32;
	[bflag:$0x2] =	sbarrier.arrive $0xFFFF  }
0x2ce: {  	p0 =	sne.s32 s0, $0x0;
	s0 =	rddreg [dreg:$0x3]  }
0x2cf: {  	s0 =	sadd.s32 @!p0 $0x100000, s0  }
0x2d0: {  	[sflag:s0] =	ssyncadd.tile.s32 @!p0 $0x1;
	_ =	shalt  }
.Lfunc_end2:
_tile_overlayer_lowered:
.L_overlay_start_2:
0x2d1: {  	(tag) =	ssettag $0x2  }
0x2d2: {  	s0 =	rddreg [dreg:$0x0];
	s2 =	stileid.u32  }
0x2d3: {  	s1 =	rddreg [dreg:$0x1];
	p0 =	sne.s32 s2, $0x0  }
0x2d4: {  	s3 =	rddreg [dreg:$0x2];
	[bflag:$0x3] =	sbarrier.arrive $0xFFFF;
	s2 =	simm.s32 @!p0 $0x1C07  }
0x2d5: {  	[timem:s3], [sflag:s2] =	dma.local @!p0 [hbm:s0], s1  }
0x2d6: {  	s0 =	simm.s32 @!p0 $0x7  }
0x2d7: {  	_ =	swait.ge @!p0 [sflag:s0], s1  }
0x2d8: {  	s1 =	ssub.s32 @!p0 $0x0, s1;
	[sflag:s0] =	ssyncset.done @!p0 $0x0  }
0x2d9: {  	[sflag:s0] =	ssyncadd.s32 @!p0 s1  }
0x2da: {  	[bflag:$0x3] =	sbarrier.arrive $0xFFFF  }
0x2db: {  	_ =	shalt  }

</sc_bundles>
